<compile_context>
chip_gen: v7x
topology: tpu7x:2x2x1
jax: 0.10.2.dev20260603
libtpu: 0.0.44.dev20260713+nightly
codegen_flags: <defaults>
</compile_context>

<pallas_src>
import functools

import jax
import jax.numpy as jnp
from jax import lax
from jax.experimental import pallas as pl
from jax.experimental.pallas import tpu as pltpu
from jax.experimental.pallas import tpu_sc as plsc

N_NODES = 10000
N_EDGES = 320000
IN_DIM = 128
H = 8
D = 16
HD = H * D
CLAMP = 5.0

f32 = jnp.float32


_ROWS_BLK = 1000


bf16 = jnp.bfloat16


def _proj_body(x_ref, w_ref, b_ref, q_ref, kv_ref):
    y = jnp.dot(x_ref[...], w_ref[...], preferred_element_type=f32) + b_ref[...]
    q_ref[...] = y[:, :HD]
    kb = jax.lax.bitcast_convert_type(
        y[:, HD:2 * HD].astype(bf16), jnp.uint16).astype(jnp.uint32)
    vb = jax.lax.bitcast_convert_type(
        y[:, 2 * HD:].astype(bf16), jnp.uint16).astype(jnp.uint32)
    kv_ref[...] = jax.lax.bitcast_convert_type(kb | (vb << 16), jnp.int32)


def _proj(x, Wcat, bcat):
    n_blk = N_NODES // _ROWS_BLK
    return pl.pallas_call(
        _proj_body,
        grid=(n_blk,),
        in_specs=[
            pl.BlockSpec((_ROWS_BLK, IN_DIM), lambda i: (i, 0)),
            pl.BlockSpec((IN_DIM, 3 * HD), lambda i: (0, 0)),
            pl.BlockSpec((1, 3 * HD), lambda i: (0, 0)),
        ],
        out_specs=[
            pl.BlockSpec((_ROWS_BLK, HD), lambda i: (i, 0)),
            pl.BlockSpec((_ROWS_BLK, HD), lambda i: (i, 0)),
        ],
        out_shape=[
            jax.ShapeDtypeStruct((N_NODES, HD), f32),
            jax.ShapeDtypeStruct((N_NODES, HD), jnp.int32),
        ],
    )(x, Wcat, bcat)



_NC = 2
_NS = 16
_NW = _NC * _NS
_EPW = N_EDGES // _NW
_GC = 80
_GN = _EPW // _GC

_sc_mesh = plsc.VectorSubcoreMesh(core_axis_name="c", subcore_axis_name="s")


@functools.partial(
    pl.kernel,
    out_type=[
        jax.ShapeDtypeStruct((N_EDGES, HD), f32),
        jax.ShapeDtypeStruct((N_EDGES, HD), jnp.int32),
    ],
    mesh=_sc_mesh,
    scratch_types=[
        pltpu.VMEM((_GC,), jnp.int32),
        pltpu.VMEM((_GC,), jnp.int32),
        pltpu.VMEM((_GC,), jnp.int32),
        pltpu.VMEM((_GC,), jnp.int32),
        pltpu.VMEM((_GC, HD), f32),
        pltpu.VMEM((_GC, HD), jnp.int32),
        pltpu.VMEM((_GC, HD), f32),
        pltpu.VMEM((_GC, HD), jnp.int32),
        pltpu.SemaphoreType.DMA,
        pltpu.SemaphoreType.DMA,
        pltpu.SemaphoreType.DMA,
        pltpu.SemaphoreType.DMA,
    ],
)
def _sc_gather(src_hbm, dst_hbm, q_hbm, kv_hbm,
               qd_out, kv_out,
               sidxA, didxA, sidxB, didxB,
               qbufA, kvbufA, qbufB, kvbufB,
               semA, semB, semWA, semWB):
    w = lax.axis_index("s") * _NC + lax.axis_index("c")
    base0 = w * _EPW

    def body(j, _):
        baseA = base0 + (2 * j) * _GC
        baseB = baseA + _GC
        pltpu.sync_copy(src_hbm.at[pl.ds(baseA, _GC)], sidxA)
        pltpu.sync_copy(dst_hbm.at[pl.ds(baseA, _GC)], didxA)
        ckA = pltpu.async_copy(kv_hbm.at[sidxA], kvbufA, semA)
        cqA = pltpu.async_copy(q_hbm.at[didxA], qbufA, semA)
        pltpu.sync_copy(src_hbm.at[pl.ds(baseB, _GC)], sidxB)
        pltpu.sync_copy(dst_hbm.at[pl.ds(baseB, _GC)], didxB)
        ckB = pltpu.async_copy(kv_hbm.at[sidxB], kvbufB, semB)
        cqB = pltpu.async_copy(q_hbm.at[didxB], qbufB, semB)
        ckA.wait()
        cqA.wait()
        wkA = pltpu.async_copy(kvbufA, kv_out.at[pl.ds(baseA, _GC)], semWA)
        wqA = pltpu.async_copy(qbufA, qd_out.at[pl.ds(baseA, _GC)], semWA)
        ckB.wait()
        cqB.wait()
        wkB = pltpu.async_copy(kvbufB, kv_out.at[pl.ds(baseB, _GC)], semWB)
        wqB = pltpu.async_copy(qbufB, qd_out.at[pl.ds(baseB, _GC)], semWB)
        wkA.wait()
        wqA.wait()
        wkB.wait()
        wqB.wait()
        return 0

    lax.fori_loop(0, _GN // 2, body, 0)

    base = base0 + (_GN - 1) * _GC
    pltpu.sync_copy(src_hbm.at[pl.ds(base, _GC)], sidxA)
    pltpu.sync_copy(dst_hbm.at[pl.ds(base, _GC)], didxA)
    ck = pltpu.async_copy(kv_hbm.at[sidxA], kvbufA, semA)
    cq = pltpu.async_copy(q_hbm.at[didxA], qbufA, semA)
    ck.wait()
    cq.wait()
    pltpu.sync_copy(kvbufA, kv_out.at[pl.ds(base, _GC)])
    pltpu.sync_copy(qbufA, qd_out.at[pl.ds(base, _GC)])



_EDGE_BLK = 1280


def _edge_body(ea_ref, qd_ref, kv_ref,
               wew_ref, web_ref, bew_ref, beb_ref, m_aw_ref, rmat_ref,
               we_ref, s1_ref, wx_ref):
    ea = ea_ref[...].astype(bf16)
    Ew = jnp.dot(ea, wew_ref[...], preferred_element_type=f32) + bew_ref[...]
    Eb = jnp.dot(ea, web_ref[...], preferred_element_type=f32) + beb_ref[...]
    kv = kv_ref[...]
    ks = jax.lax.bitcast_convert_type(jax.lax.shift_left(kv, 16), f32)
    vs = jax.lax.bitcast_convert_type(
        jnp.bitwise_and(kv, jnp.int32(-65536)), f32)
    g = ks + qd_ref[...]
    edge_w = jnp.maximum(g * Ew + Eb, 0.0)
    we_ref[...] = edge_w
    a = jnp.dot(edge_w, m_aw_ref[...], preferred_element_type=f32)
    w16 = jnp.exp(jnp.clip(a, -CLAMP, CLAMP))
    wexp = jnp.dot(w16, rmat_ref[...], preferred_element_type=f32)
    wx_ref[...] = wexp
    s1_ref[...] = jnp.concatenate([vs * wexp, edge_w * wexp], axis=1)


def _edge(edge_attr, qd, kv, WEw_T, WEb_T, bEw, bEb, M_aw, Rmat):
    n_blk = N_EDGES // _EDGE_BLK
    eb = lambda i: (i, 0)
    z = lambda i: (0, 0)
    return pl.pallas_call(
        _edge_body,
        grid=(n_blk,),
        in_specs=[
            pl.BlockSpec((_EDGE_BLK, IN_DIM), eb),
            pl.BlockSpec((_EDGE_BLK, HD), eb),
            pl.BlockSpec((_EDGE_BLK, HD), eb),
            pl.BlockSpec((IN_DIM, HD), z),
            pl.BlockSpec((IN_DIM, HD), z),
            pl.BlockSpec((1, HD), z),
            pl.BlockSpec((1, HD), z),
            pl.BlockSpec((HD, 16), z),
            pl.BlockSpec((16, HD), z),
        ],
        out_specs=[
            pl.BlockSpec((_EDGE_BLK, HD), eb),
            pl.BlockSpec((_EDGE_BLK, 2 * HD), eb),
            pl.BlockSpec((_EDGE_BLK, HD), eb),
        ],
        out_shape=[
            jax.ShapeDtypeStruct((N_EDGES, HD), f32),
            jax.ShapeDtypeStruct((N_EDGES, 2 * HD), f32),
            jax.ShapeDtypeStruct((N_EDGES, HD), f32),
        ],
    )(edge_attr, qd, kv, WEw_T, WEb_T, bEw, bEb, M_aw, Rmat)



_EPT = N_EDGES // _NS
_SN = _EPT // _GC
N_PAD = 10240
_RPT = N_PAD // _NS
_NCH = _RPT // _GC


def _zero_acc(acc, dbuf, row0):
    def zrow(rr, _):
        for cc in range(HD // 16):
            dbuf[rr, pl.ds(cc * 16, 16)] = jnp.zeros((16,), f32)
        return 0

    lax.fori_loop(0, _GC, zrow, 0)
    for j in range(_NCH):
        pltpu.sync_copy(dbuf, acc.at[pl.ds(row0 + j * _GC, _GC)])


def _dump_acc(acc, dbuf, out3, c, row0):
    for j in range(_NCH):
        rb = row0 + j * _GC
        pltpu.sync_copy(acc.at[pl.ds(rb, _GC)], dbuf)
        pltpu.sync_copy(dbuf, out3.at[c, pl.ds(rb, _GC)])


@functools.partial(
    pl.kernel,
    out_type=jax.ShapeDtypeStruct((2, N_PAD, HD), f32),
    mesh=_sc_mesh,
    scratch_types=[
        pltpu.VMEM_SHARED((N_PAD, HD), f32),
        pltpu.VMEM((1, _GC), jnp.int32),
        pltpu.VMEM((1, _GC), jnp.int32),
        pltpu.VMEM((_GC, HD), f32),
        pltpu.VMEM((_GC, HD), f32),
        pltpu.SemaphoreType.DMA,
        pltpu.SemaphoreType.DMA,
        pltpu.SemaphoreType.DMA,
        pltpu.SemaphoreType.DMA,
    ],
)
def _sc_scatter_mr(dst_hbm, s1_hbm, out3, acc, idxA, idxB, dbufA, dbufB,
                   semA, semB, semSA, semSB):
    c = lax.axis_index("c")
    s = lax.axis_index("s")
    row0 = s * _RPT
    col0 = pl.multiple_of(c * HD, HD)

    _zero_acc(acc, dbufA, row0)
    plsc.subcore_barrier()

    def body(j, _):
        baseA = s * _EPT + (2 * j) * _GC
        baseB = baseA + _GC
        pltpu.sync_copy(dst_hbm.at[pl.ds(baseA, _GC)], idxA.at[0])
        cA = pltpu.async_copy(
            s1_hbm.at[pl.ds(baseA, _GC), pl.ds(col0, HD)], dbufA, semA)
        pltpu.sync_copy(dst_hbm.at[pl.ds(baseB, _GC)], idxB.at[0])
        cB = pltpu.async_copy(
            s1_hbm.at[pl.ds(baseB, _GC), pl.ds(col0, HD)], dbufB, semB)
        cA.wait()
        aA = pltpu.async_copy(dbufA, acc.at[idxA.at[0]], semSA, add=True)
        cB.wait()
        aB = pltpu.async_copy(dbufB, acc.at[idxB.at[0]], semSB, add=True)
        aA.wait()
        aB.wait()
        return 0

    lax.fori_loop(0, _SN // 2, body, 0)
    plsc.subcore_barrier()
    _dump_acc(acc, dbufA, out3, c, row0)


_EPT2 = N_EDGES // 2 // _NS
_SN2 = _EPT2 // _GC


@functools.partial(
    pl.kernel,
    out_type=jax.ShapeDtypeStruct((2, N_PAD, HD), f32),
    mesh=_sc_mesh,
    scratch_types=[
        pltpu.VMEM_SHARED((N_PAD, HD), f32),
        pltpu.VMEM((1, _GC), jnp.int32),
        pltpu.VMEM((1, _GC), jnp.int32),
        pltpu.VMEM((_GC, HD), f32),
        pltpu.VMEM((_GC, HD), f32),
        pltpu.SemaphoreType.DMA,
        pltpu.SemaphoreType.DMA,
        pltpu.SemaphoreType.DMA,
        pltpu.SemaphoreType.DMA,
    ],
)
def _sc_scatter_wx(dst_hbm, wx_hbm, out3, acc, idxA, idxB, dbufA, dbufB,
                   semA, semB, semSA, semSB):
    c = lax.axis_index("c")
    s = lax.axis_index("s")
    row0 = s * _RPT
    ebase = c * (N_EDGES // 2) + s * _EPT2

    _zero_acc(acc, dbufA, row0)
    plsc.subcore_barrier()

    def body(j, _):
        baseA = ebase + (2 * j) * _GC
        baseB = baseA + _GC
        pltpu.sync_copy(dst_hbm.at[pl.ds(baseA, _GC)], idxA.at[0])
        cA = pltpu.async_copy(wx_hbm.at[pl.ds(baseA, _GC)], dbufA, semA)
        pltpu.sync_copy(dst_hbm.at[pl.ds(baseB, _GC)], idxB.at[0])
        cB = pltpu.async_copy(wx_hbm.at[pl.ds(baseB, _GC)], dbufB, semB)
        cA.wait()
        aA = pltpu.async_copy(dbufA, acc.at[idxA.at[0]], semSA, add=True)
        cB.wait()
        aB = pltpu.async_copy(dbufB, acc.at[idxB.at[0]], semSB, add=True)
        aA.wait()
        aB.wait()
        return 0

    lax.fori_loop(0, _SN2 // 2, body, 0)

    base = ebase + (_SN2 - 1) * _GC
    pltpu.sync_copy(dst_hbm.at[pl.ds(base, _GC)], idxA.at[0])
    pltpu.sync_copy(wx_hbm.at[pl.ds(base, _GC)], dbufA)
    pltpu.sync_copy(dbufA, acc.at[idxA.at[0]], add=True)

    plsc.subcore_barrier()
    _dump_acc(acc, dbufA, out3, c, row0)



def _final_body(am_ref, ar_ref, aw0_ref, aw1_ref, bve_ref, out_ref):
    inv = 1.0 / (aw0_ref[0] + aw1_ref[0] + 1e-16)
    rv = ar_ref[0] * inv
    out_ref[...] = am_ref[0] * inv + jnp.dot(
        rv, bve_ref[...], preferred_element_type=f32)


_FIN_BLK = 1024


def _final(acc3, accW3, B_ve):
    n_blk = N_PAD // _FIN_BLK
    z = lambda i: (0, 0)
    return pl.pallas_call(
        _final_body,
        grid=(n_blk,),
        in_specs=[
            pl.BlockSpec((1, _FIN_BLK, HD), lambda i: (0, i, 0)),
            pl.BlockSpec((1, _FIN_BLK, HD), lambda i: (1, i, 0)),
            pl.BlockSpec((1, _FIN_BLK, HD), lambda i: (0, i, 0)),
            pl.BlockSpec((1, _FIN_BLK, HD), lambda i: (1, i, 0)),
            pl.BlockSpec((HD, HD), z),
        ],
        out_specs=pl.BlockSpec((_FIN_BLK, HD), lambda i: (i, 0)),
        out_shape=jax.ShapeDtypeStruct((N_PAD, HD), f32),
    )(acc3, acc3, accW3, accW3, B_ve)



def kernel(x, edge_attr, edge_index, WQ, bQ, WK, WE, bE, WV, Aw, VeRow):
    src = edge_index[0].astype(jnp.int32)
    dst = edge_index[1].astype(jnp.int32)

    Wcat = jnp.concatenate([WQ.T, WK.T, WV.T], axis=1)
    bcat = jnp.concatenate([bQ, jnp.zeros((2 * HD,), f32)])[None, :]

    cols = jnp.arange(HD)
    hcol = cols // D
    dcol = cols % D
    perm = hcol * (2 * D) + dcol
    WEt = WE.T
    WEw_T = WEt[:, perm]
    WEb_T = WEt[:, perm + D]
    bEw = bE[perm][None, :]
    bEb = bE[perm + D][None, :]

    M_aw = jnp.zeros((HD, 16), f32).at[cols, hcol].set(Aw[dcol, hcol, 0])
    Rmat = jnp.zeros((16, HD), f32).at[hcol, cols].set(1.0)

    ii = cols[:, None]
    jj = cols[None, :]
    B_ve = jnp.where(ii // D == jj // D,
                     VeRow[ii % D, ii // D, jj % D], 0.0)

    q, kv = _proj(x, Wcat, bcat)
    qd, kve = _sc_gather(src, dst, q, kv)
    wE, s1, wx = _edge(edge_attr, qd, kve,
                       WEw_T.astype(bf16), WEb_T.astype(bf16),
                       bEw, bEb, M_aw, Rmat)
    acc3 = _sc_scatter_mr(dst, s1)
    accW3 = _sc_scatter_wx(dst, wx)
    wV = _final(acc3, accW3, B_ve)
    return wV[:N_NODES].reshape(N_NODES, H, D), wE

# --- scband reference (transcript-rebuilt; emitter-appended) ---
"""Pipeline reference for scband-multi-head-attention-layer-grit-sparse-90512140796687 (READ-ONLY COPY).

The authoritative reference and input builder live on the scoring server;
editing this copy changes nothing except your own understanding.
"""

import jax, jax.numpy as jnp
import numpy as np

N_NODES = 10000
N_EDGES = 320000
IN_DIM = 128
NUM_HEADS = 8
OUT_DIM = 16
CLAMP = 5.0


def _xavier(key, shape):
    fan = float(sum(shape))
    return jax.random.normal(key, shape, dtype=jnp.float32) * (2.0 / fan) ** 0.5


def setup_inputs(seed: int = 0) -> dict:
    key = jax.random.key(seed)
    ks = jax.random.split(key, 11)
    HD = NUM_HEADS * OUT_DIM
    return {
        "x": jax.random.normal(ks[0], (N_NODES, IN_DIM), dtype=jnp.float32),
        "edge_attr": jax.random.normal(ks[1], (N_EDGES, IN_DIM), dtype=jnp.float32),
        "edge_index": jax.random.randint(ks[2], (2, N_EDGES), 0, N_NODES),
        "WQ": _xavier(ks[3], (HD, IN_DIM)),
        "bQ": jnp.zeros((HD,), dtype=jnp.float32),
        "WK": _xavier(ks[4], (HD, IN_DIM)),
        "WE": _xavier(ks[5], (2 * HD, IN_DIM)),
        "bE": jnp.zeros((2 * HD,), dtype=jnp.float32),
        "WV": _xavier(ks[6], (HD, IN_DIM)),
        "Aw": _xavier(ks[7], (OUT_DIM, NUM_HEADS, 1)),
        "VeRow": _xavier(ks[8], (OUT_DIM, NUM_HEADS, OUT_DIM)),
    }


def _pyg_softmax(src, index, num_nodes):
    smax = jax.ops.segment_max(src, index, num_segments=num_nodes)
    out = jnp.exp(src - smax[index])
    denom = jax.ops.segment_sum(out, index, num_segments=num_nodes)[index] + 1e-16
    return out / denom


def reference(x, edge_attr, edge_index, WQ, bQ, WK, WE, bE, WV, Aw, VeRow):
    H, D = NUM_HEADS, OUT_DIM
    Q_h = (x @ WQ.T + bQ).reshape(-1, H, D)
    K_h = (x @ WK.T).reshape(-1, H, D)
    V_h = (x @ WV.T).reshape(-1, H, D)
    E = (edge_attr @ WE.T + bE).reshape(-1, H, 2 * D)
    src = edge_index[0]
    dst = edge_index[1]
    edge_w = K_h[src] + Q_h[dst]
    E_w, E_b = E[:, :, :D], E[:, :, D:]
    edge_w = jax.nn.relu(edge_w * E_w + E_b)
    wE = edge_w.reshape(edge_w.shape[0], H * D)
    attn = jnp.einsum('ehd,dhc->ehc', edge_w, Aw)
    attn = jnp.clip(attn, -CLAMP, CLAMP)
    attn = _pyg_softmax(attn, dst, N_NODES)
    # dropout p=0.0 -> identity
    msg = V_h[src] * attn
    wV = jax.ops.segment_sum(msg, dst, num_segments=N_NODES)
    rowV = jax.ops.segment_sum(edge_w * attn, dst, num_segments=N_NODES)
    rowV = jnp.einsum('nhd,dhc->nhc', rowV, VeRow)
    wV = wV + rowV
    return (wV, wE)

if __name__ == "__main__":
    import jax
    _d = setup_inputs()
    print(jax.jit(kernel)(*tuple(_d.values())))

</pallas_src>

<mosaic_0001>
#map = affine_map<(d0, d1) -> (0)>
#map1 = affine_map<(d0, d1) -> (0, 0)>
#map2 = affine_map<(d0, d1) -> (0, 0, 0)>
module attributes {stable_mosaic.version = 14 : i64} {
  func.func @_sc_scatter_wx(%arg0: i32, %arg1: i32, %arg2: memref<320000xi32, #tpu.memory_space<hbm>>, %arg3: memref<320000x128xf32, #tpu.memory_space<hbm>>, %arg4: memref<2x10240x128xf32, #tpu.memory_space<hbm>>, %arg5: memref<10240x128xf32, #tpu.memory_space<vmem_shared>>, %arg6: memref<1x80xi32, #tpu.memory_space<vmem>>, %arg7: memref<1x80xi32, #tpu.memory_space<vmem>>, %arg8: memref<80x128xf32, #tpu.memory_space<vmem>>, %arg9: memref<80x128xf32, #tpu.memory_space<vmem>>, %arg10: memref<!tpu.dma_semaphore, #tpu.memory_space<semaphore_mem>>, %arg11: memref<!tpu.dma_semaphore, #tpu.memory_space<semaphore_mem>>, %arg12: memref<!tpu.dma_semaphore, #tpu.memory_space<semaphore_mem>>, %arg13: memref<!tpu.dma_semaphore, #tpu.memory_space<semaphore_mem>>) attributes {dimension_semantics = [#tpu.dimension_semantics<core_parallel>, #tpu.dimension_semantics<subcore_parallel>], iteration_bounds = array<i64: 2, 16>, scalar_prefetch = 0 : i64, scratch_operands = 9 : i64, tpu.core_type = #tpu.core_type<sc_vector_subcore>, window_params = [{transform_indices = #map}, {transform_indices = #map1}, {transform_indices = #map2}]} {
    %mul3A = arith.constant 640 : i32
    %mul3A_0 = arith.muli %arg1, %mul3A : i32
    %mul3A_1 = arith.constant 160000 : i32
    %mul3A_2 = arith.muli %arg0, %mul3A_1 : i32
    %mul3A_3 = arith.constant 10000 : i32
    %mul3A_4 = arith.muli %arg1, %mul3A_3 : i32
    %add3A = arith.addi %mul3A_2, %mul3A_4 : i32
    %scan3A = arith.constant 0 : i32
    %scan3A_5 = arith.constant 0 : i32
    %scan3A_6 = arith.constant 80 : i32
    %scan3A_7 = arith.addi %scan3A_5, %scan3A_6 : i32
    %scan3A_8 = arith.constant 1 : i32
    %scan3A_9 = scf.for %scan3A_54 = %scan3A_5 to %scan3A_7 step %scan3A_8 iter_args(%scan3A_55 = %scan3A) -> (i32)  : i32 {
      %broadcast_in_dim3A = arith.constant 0.000000e+00 : f32
      %broadcast_in_dim3A_56 = vector.broadcast %broadcast_in_dim3A : f32 to vector<16xf32>
      %swap3A = arith.index_cast %scan3A_54 : i32 to index
      %swap3A_57 = arith.constant 0 : index
      %swap3A_58 = tpu.vector_load %arg8[%swap3A, %swap3A_57] {strides = array<i32>} : memref<80x128xf32, #tpu.memory_space<vmem>>, vector<1x16xf32>,
      %swap3A_59 = vector.shape_cast %swap3A_58 : vector<1x16xf32> to vector<16xf32>
      %swap3A_60 = vector.shape_cast %broadcast_in_dim3A_56 : vector<16xf32> to vector<1x16xf32>
      tpu.vector_store %arg8[%swap3A, %swap3A_57], %swap3A_60 {strides = array<i32>} : memref<80x128xf32, #tpu.memory_space<vmem>>, vector<1x16xf32>,
      %broadcast_in_dim3A_61 = arith.constant 0.000000e+00 : f32
      %broadcast_in_dim3A_62 = vector.broadcast %broadcast_in_dim3A_61 : f32 to vector<16xf32>
      %swap3A_63 = arith.index_cast %scan3A_54 : i32 to index
      %swap3A_64 = arith.constant 16 : index
      %swap3A_65 = tpu.vector_load %arg8[%swap3A_63, %swap3A_64] {strides = array<i32>} : memref<80x128xf32, #tpu.memory_space<vmem>>, vector<1x16xf32>,
      %swap3A_66 = vector.shape_cast %swap3A_65 : vector<1x16xf32> to vector<16xf32>
      %swap3A_67 = vector.shape_cast %broadcast_in_dim3A_62 : vector<16xf32> to vector<1x16xf32>
      tpu.vector_store %arg8[%swap3A_63, %swap3A_64], %swap3A_67 {strides = array<i32>} : memref<80x128xf32, #tpu.memory_space<vmem>>, vector<1x16xf32>,
      %broadcast_in_dim3A_68 = arith.constant 0.000000e+00 : f32
      %broadcast_in_dim3A_69 = vector.broadcast %broadcast_in_dim3A_68 : f32 to vector<16xf32>
      %swap3A_70 = arith.index_cast %scan3A_54 : i32 to index
      %swap3A_71 = arith.constant 32 : index
      %swap3A_72 = tpu.vector_load %arg8[%swap3A_70, %swap3A_71] {strides = array<i32>} : memref<80x128xf32, #tpu.memory_space<vmem>>, vector<1x16xf32>,
      %swap3A_73 = vector.shape_cast %swap3A_72 : vector<1x16xf32> to vector<16xf32>
      %swap3A_74 = vector.shape_cast %broadcast_in_dim3A_69 : vector<16xf32> to vector<1x16xf32>
      tpu.vector_store %arg8[%swap3A_70, %swap3A_71], %swap3A_74 {strides = array<i32>} : memref<80x128xf32, #tpu.memory_space<vmem>>, vector<1x16xf32>,
      %broadcast_in_dim3A_75 = arith.constant 0.000000e+00 : f32
      %broadcast_in_dim3A_76 = vector.broadcast %broadcast_in_dim3A_75 : f32 to vector<16xf32>
      %swap3A_77 = arith.index_cast %scan3A_54 : i32 to index
      %swap3A_78 = arith.constant 48 : index
      %swap3A_79 = tpu.vector_load %arg8[%swap3A_77, %swap3A_78] {strides = array<i32>} : memref<80x128xf32, #tpu.memory_space<vmem>>, vector<1x16xf32>,
      %swap3A_80 = vector.shape_cast %swap3A_79 : vector<1x16xf32> to vector<16xf32>
      %swap3A_81 = vector.shape_cast %broadcast_in_dim3A_76 : vector<16xf32> to vector<1x16xf32>
      tpu.vector_store %arg8[%swap3A_77, %swap3A_78], %swap3A_81 {strides = array<i32>} : memref<80x128xf32, #tpu.memory_space<vmem>>, vector<1x16xf32>,
      %broadcast_in_dim3A_82 = arith.constant 0.000000e+00 : f32
      %broadcast_in_dim3A_83 = vector.broadcast %broadcast_in_dim3A_82 : f32 to vector<16xf32>
      %swap3A_84 = arith.index_cast %scan3A_54 : i32 to index
      %swap3A_85 = arith.constant 64 : index
      %swap3A_86 = tpu.vector_load %arg8[%swap3A_84, %swap3A_85] {strides = array<i32>} : memref<80x128xf32, #tpu.memory_space<vmem>>, vector<1x16xf32>,
      %swap3A_87 = vector.shape_cast %swap3A_86 : vector<1x16xf32> to vector<16xf32>
      %swap3A_88 = vector.shape_cast %broadcast_in_dim3A_83 : vector<16xf32> to vector<1x16xf32>
      tpu.vector_store %arg8[%swap3A_84, %swap3A_85], %swap3A_88 {strides = array<i32>} : memref<80x128xf32, #tpu.memory_space<vmem>>, vector<1x16xf32>,
      %broadcast_in_dim3A_89 = arith.constant 0.000000e+00 : f32
      %broadcast_in_dim3A_90 = vector.broadcast %broadcast_in_dim3A_89 : f32 to vector<16xf32>
      %swap3A_91 = arith.index_cast %scan3A_54 : i32 to index
      %swap3A_92 = arith.constant 80 : index
      %swap3A_93 = tpu.vector_load %arg8[%swap3A_91, %swap3A_92] {strides = array<i32>} : memref<80x128xf32, #tpu.memory_space<vmem>>, vector<1x16xf32>,
      %swap3A_94 = vector.shape_cast %swap3A_93 : vector<1x16xf32> to vector<16xf32>
      %swap3A_95 = vector.shape_cast %broadcast_in_dim3A_90 : vector<16xf32> to vector<1x16xf32>
      tpu.vector_store %arg8[%swap3A_91, %swap3A_92], %swap3A_95 {strides = array<i32>} : memref<80x128xf32, #tpu.memory_space<vmem>>, vector<1x16xf32>,
      %broadcast_in_dim3A_96 = arith.constant 0.000000e+00 : f32
      %broadcast_in_dim3A_97 = vector.broadcast %broadcast_in_dim3A_96 : f32 to vector<16xf32>
      %swap3A_98 = arith.index_cast %scan3A_54 : i32 to index
      %swap3A_99 = arith.constant 96 : index
      %swap3A_100 = tpu.vector_load %arg8[%swap3A_98, %swap3A_99] {strides = array<i32>} : memref<80x128xf32, #tpu.memory_space<vmem>>, vector<1x16xf32>,
      %swap3A_101 = vector.shape_cast %swap3A_100 : vector<1x16xf32> to vector<16xf32>
      %swap3A_102 = vector.shape_cast %broadcast_in_dim3A_97 : vector<16xf32> to vector<1x16xf32>
      tpu.vector_store %arg8[%swap3A_98, %swap3A_99], %swap3A_102 {strides = array<i32>} : memref<80x128xf32, #tpu.memory_space<vmem>>, vector<1x16xf32>,
      %broadcast_in_dim3A_103 = arith.constant 0.000000e+00 : f32
      %broadcast_in_dim3A_104 = vector.broadcast %broadcast_in_dim3A_103 : f32 to vector<16xf32>
      %swap3A_105 = arith.index_cast %scan3A_54 : i32 to index
      %swap3A_106 = arith.constant 112 : index
      %swap3A_107 = tpu.vector_load %arg8[%swap3A_105, %swap3A_106] {strides = array<i32>} : memref<80x128xf32, #tpu.memory_space<vmem>>, vector<1x16xf32>,
      %swap3A_108 = vector.shape_cast %swap3A_107 : vector<1x16xf32> to vector<16xf32>
      %swap3A_109 = vector.shape_cast %broadcast_in_dim3A_104 : vector<16xf32> to vector<1x16xf32>
      tpu.vector_store %arg8[%swap3A_105, %swap3A_106], %swap3A_109 {strides = array<i32>} : memref<80x128xf32, #tpu.memory_space<vmem>>, vector<1x16xf32>,
      %scan3A_110 = arith.constant 0 : i32
      scf.yield %scan3A_110 : i32
    }
    %scan3A_10 = arith.constant 80 : i32
    %add3A_11 = arith.constant 0 : i32
    %add3A_12 = arith.addi %mul3A_0, %add3A_11 : i32
    "tpu.region"() ({
      %run_scoped3A_54 = tpu.sem_alloc : memref<!tpu.dma_semaphore, #tpu.memory_space<semaphore_mem>>
      %dma_start3A = arith.constant 0 : i32
      %dma_start3A_55 = tpu.memref_slice %arg5[%add3A_12, %dma_start3A] : memref<10240x128xf32, #tpu.memory_space<vmem_shared>> -> memref<80x128xf32, #tpu.memory_space<vmem_shared>>
      %dma_start3A_56 = arith.constant 0 : i32
      %dma_start3A_57 = tpu.memref_slice %arg5[%add3A_12, %dma_start3A_56] : memref<10240x128xf32, #tpu.memory_space<vmem_shared>> -> memref<80x128xf32, #tpu.memory_space<vmem_shared>>
      tpu.enqueue_dma source(%arg8 : memref<80x128xf32, #tpu.memory_space<vmem>>) target(%dma_start3A_57 : memref<80x128xf32, #tpu.memory_space<vmem_shared>>) target_semaphore(%run_scoped3A_54 : memref<!tpu.dma_semaphore, #tpu.memory_space<semaphore_mem>>)
      %dma_wait3A = arith.constant 0 : i32
      %dma_wait3A_58 = tpu.memref_slice %arg5[%add3A_12, %dma_wait3A] : memref<10240x128xf32, #tpu.memory_space<vmem_shared>> -> memref<80x128xf32, #tpu.memory_space<vmem_shared>>
      %dma_wait3A_59 = arith.constant 0 : i32
      %dma_wait3A_60 = tpu.memref_slice %arg5[%add3A_12, %dma_wait3A_59] : memref<10240x128xf32, #tpu.memory_space<vmem_shared>> -> memref<80x128xf32, #tpu.memory_space<vmem_shared>>
      tpu.wait_dma2 semaphore(%run_scoped3A_54 : memref<!tpu.dma_semaphore, #tpu.memory_space<semaphore_mem>>) src(%arg8 : memref<80x128xf32, #tpu.memory_space<vmem>>) dst(%dma_wait3A_60 : memref<80x128xf32, #tpu.memory_space<vmem_shared>>)
      tpu.yield
    }) : () -> ()
    %add3A_13 = arith.constant 80 : i32
    %add3A_14 = arith.addi %mul3A_0, %add3A_13 : i32
    "tpu.region"() ({
      %run_scoped3A_54 = tpu.sem_alloc : memref<!tpu.dma_semaphore, #tpu.memory_space<semaphore_mem>>
      %dma_start3A = arith.constant 0 : i32
      %dma_start3A_55 = tpu.memref_slice %arg5[%add3A_14, %dma_start3A] : memref<10240x128xf32, #tpu.memory_space<vmem_shared>> -> memref<80x128xf32, #tpu.memory_space<vmem_shared>>
      %dma_start3A_56 = arith.constant 0 : i32
      %dma_start3A_57 = tpu.memref_slice %arg5[%add3A_14, %dma_start3A_56] : memref<10240x128xf32, #tpu.memory_space<vmem_shared>> -> memref<80x128xf32, #tpu.memory_space<vmem_shared>>
      tpu.enqueue_dma source(%arg8 : memref<80x128xf32, #tpu.memory_space<vmem>>) target(%dma_start3A_57 : memref<80x128xf32, #tpu.memory_space<vmem_shared>>) target_semaphore(%run_scoped3A_54 : memref<!tpu.dma_semaphore, #tpu.memory_space<semaphore_mem>>)
      %dma_wait3A = arith.constant 0 : i32
      %dma_wait3A_58 = tpu.memref_slice %arg5[%add3A_14, %dma_wait3A] : memref<10240x128xf32, #tpu.memory_space<vmem_shared>> -> memref<80x128xf32, #tpu.memory_space<vmem_shared>>
      %dma_wait3A_59 = arith.constant 0 : i32
      %dma_wait3A_60 = tpu.memref_slice %arg5[%add3A_14, %dma_wait3A_59] : memref<10240x128xf32, #tpu.memory_space<vmem_shared>> -> memref<80x128xf32, #tpu.memory_space<vmem_shared>>
      tpu.wait_dma2 semaphore(%run_scoped3A_54 : memref<!tpu.dma_semaphore, #tpu.memory_space<semaphore_mem>>) src(%arg8 : memref<80x128xf32, #tpu.memory_space<vmem>>) dst(%dma_wait3A_60 : memref<80x128xf32, #tpu.memory_space<vmem_shared>>)
      tpu.yield
    }) : () -> ()
    %add3A_15 = arith.constant 160 : i32
    %add3A_16 = arith.addi %mul3A_0, %add3A_15 : i32
    "tpu.region"() ({
      %run_scoped3A_54 = tpu.sem_alloc : memref<!tpu.dma_semaphore, #tpu.memory_space<semaphore_mem>>
      %dma_start3A = arith.constant 0 : i32
      %dma_start3A_55 = tpu.memref_slice %arg5[%add3A_16, %dma_start3A] : memref<10240x128xf32, #tpu.memory_space<vmem_shared>> -> memref<80x128xf32, #tpu.memory_space<vmem_shared>>
      %dma_start3A_56 = arith.constant 0 : i32
      %dma_start3A_57 = tpu.memref_slice %arg5[%add3A_16, %dma_start3A_56] : memref<10240x128xf32, #tpu.memory_space<vmem_shared>> -> memref<80x128xf32, #tpu.memory_space<vmem_shared>>
      tpu.enqueue_dma source(%arg8 : memref<80x128xf32, #tpu.memory_space<vmem>>) target(%dma_start3A_57 : memref<80x128xf32, #tpu.memory_space<vmem_shared>>) target_semaphore(%run_scoped3A_54 : memref<!tpu.dma_semaphore, #tpu.memory_space<semaphore_mem>>)
      %dma_wait3A = arith.constant 0 : i32
      %dma_wait3A_58 = tpu.memref_slice %arg5[%add3A_16, %dma_wait3A] : memref<10240x128xf32, #tpu.memory_space<vmem_shared>> -> memref<80x128xf32, #tpu.memory_space<vmem_shared>>
      %dma_wait3A_59 = arith.constant 0 : i32
      %dma_wait3A_60 = tpu.memref_slice %arg5[%add3A_16, %dma_wait3A_59] : memref<10240x128xf32, #tpu.memory_space<vmem_shared>> -> memref<80x128xf32, #tpu.memory_space<vmem_shared>>
      tpu.wait_dma2 semaphore(%run_scoped3A_54 : memref<!tpu.dma_semaphore, #tpu.memory_space<semaphore_mem>>) src(%arg8 : memref<80x128xf32, #tpu.memory_space<vmem>>) dst(%dma_wait3A_60 : memref<80x128xf32, #tpu.memory_space<vmem_shared>>)
      tpu.yield
    }) : () -> ()
    %add3A_17 = arith.constant 240 : i32
    %add3A_18 = arith.addi %mul3A_0, %add3A_17 : i32
    "tpu.region"() ({
      %run_scoped3A_54 = tpu.sem_alloc : memref<!tpu.dma_semaphore, #tpu.memory_space<semaphore_mem>>
      %dma_start3A = arith.constant 0 : i32
      %dma_start3A_55 = tpu.memref_slice %arg5[%add3A_18, %dma_start3A] : memref<10240x128xf32, #tpu.memory_space<vmem_shared>> -> memref<80x128xf32, #tpu.memory_space<vmem_shared>>
      %dma_start3A_56 = arith.constant 0 : i32
      %dma_start3A_57 = tpu.memref_slice %arg5[%add3A_18, %dma_start3A_56] : memref<10240x128xf32, #tpu.memory_space<vmem_shared>> -> memref<80x128xf32, #tpu.memory_space<vmem_shared>>
      tpu.enqueue_dma source(%arg8 : memref<80x128xf32, #tpu.memory_space<vmem>>) target(%dma_start3A_57 : memref<80x128xf32, #tpu.memory_space<vmem_shared>>) target_semaphore(%run_scoped3A_54 : memref<!tpu.dma_semaphore, #tpu.memory_space<semaphore_mem>>)
      %dma_wait3A = arith.constant 0 : i32
      %dma_wait3A_58 = tpu.memref_slice %arg5[%add3A_18, %dma_wait3A] : memref<10240x128xf32, #tpu.memory_space<vmem_shared>> -> memref<80x128xf32, #tpu.memory_space<vmem_shared>>
      %dma_wait3A_59 = arith.constant 0 : i32
      %dma_wait3A_60 = tpu.memref_slice %arg5[%add3A_18, %dma_wait3A_59] : memref<10240x128xf32, #tpu.memory_space<vmem_shared>> -> memref<80x128xf32, #tpu.memory_space<vmem_shared>>
      tpu.wait_dma2 semaphore(%run_scoped3A_54 : memref<!tpu.dma_semaphore, #tpu.memory_space<semaphore_mem>>) src(%arg8 : memref<80x128xf32, #tpu.memory_space<vmem>>) dst(%dma_wait3A_60 : memref<80x128xf32, #tpu.memory_space<vmem_shared>>)
      tpu.yield
    }) : () -> ()
    %add3A_19 = arith.constant 320 : i32
    %add3A_20 = arith.addi %mul3A_0, %add3A_19 : i32
    "tpu.region"() ({
      %run_scoped3A_54 = tpu.sem_alloc : memref<!tpu.dma_semaphore, #tpu.memory_space<semaphore_mem>>
      %dma_start3A = arith.constant 0 : i32
      %dma_start3A_55 = tpu.memref_slice %arg5[%add3A_20, %dma_start3A] : memref<10240x128xf32, #tpu.memory_space<vmem_shared>> -> memref<80x128xf32, #tpu.memory_space<vmem_shared>>
      %dma_start3A_56 = arith.constant 0 : i32
      %dma_start3A_57 = tpu.memref_slice %arg5[%add3A_20, %dma_start3A_56] : memref<10240x128xf32, #tpu.memory_space<vmem_shared>> -> memref<80x128xf32, #tpu.memory_space<vmem_shared>>
      tpu.enqueue_dma source(%arg8 : memref<80x128xf32, #tpu.memory_space<vmem>>) target(%dma_start3A_57 : memref<80x128xf32, #tpu.memory_space<vmem_shared>>) target_semaphore(%run_scoped3A_54 : memref<!tpu.dma_semaphore, #tpu.memory_space<semaphore_mem>>)
      %dma_wait3A = arith.constant 0 : i32
      %dma_wait3A_58 = tpu.memref_slice %arg5[%add3A_20, %dma_wait3A] : memref<10240x128xf32, #tpu.memory_space<vmem_shared>> -> memref<80x128xf32, #tpu.memory_space<vmem_shared>>
      %dma_wait3A_59 = arith.constant 0 : i32
      %dma_wait3A_60 = tpu.memref_slice %arg5[%add3A_20, %dma_wait3A_59] : memref<10240x128xf32, #tpu.memory_space<vmem_shared>> -> memref<80x128xf32, #tpu.memory_space<vmem_shared>>
      tpu.wait_dma2 semaphore(%run_scoped3A_54 : memref<!tpu.dma_semaphore, #tpu.memory_space<semaphore_mem>>) src(%arg8 : memref<80x128xf32, #tpu.memory_space<vmem>>) dst(%dma_wait3A_60 : memref<80x128xf32, #tpu.memory_space<vmem_shared>>)
      tpu.yield
    }) : () -> ()
    %add3A_21 = arith.constant 400 : i32
    %add3A_22 = arith.addi %mul3A_0, %add3A_21 : i32
    "tpu.region"() ({
      %run_scoped3A_54 = tpu.sem_alloc : memref<!tpu.dma_semaphore, #tpu.memory_space<semaphore_mem>>
      %dma_start3A = arith.constant 0 : i32
      %dma_start3A_55 = tpu.memref_slice %arg5[%add3A_22, %dma_start3A] : memref<10240x128xf32, #tpu.memory_space<vmem_shared>> -> memref<80x128xf32, #tpu.memory_space<vmem_shared>>
      %dma_start3A_56 = arith.constant 0 : i32
      %dma_start3A_57 = tpu.memref_slice %arg5[%add3A_22, %dma_start3A_56] : memref<10240x128xf32, #tpu.memory_space<vmem_shared>> -> memref<80x128xf32, #tpu.memory_space<vmem_shared>>
      tpu.enqueue_dma source(%arg8 : memref<80x128xf32, #tpu.memory_space<vmem>>) target(%dma_start3A_57 : memref<80x128xf32, #tpu.memory_space<vmem_shared>>) target_semaphore(%run_scoped3A_54 : memref<!tpu.dma_semaphore, #tpu.memory_space<semaphore_mem>>)
      %dma_wait3A = arith.constant 0 : i32
      %dma_wait3A_58 = tpu.memref_slice %arg5[%add3A_22, %dma_wait3A] : memref<10240x128xf32, #tpu.memory_space<vmem_shared>> -> memref<80x128xf32, #tpu.memory_space<vmem_shared>>
      %dma_wait3A_59 = arith.constant 0 : i32
      %dma_wait3A_60 = tpu.memref_slice %arg5[%add3A_22, %dma_wait3A_59] : memref<10240x128xf32, #tpu.memory_space<vmem_shared>> -> memref<80x128xf32, #tpu.memory_space<vmem_shared>>
      tpu.wait_dma2 semaphore(%run_scoped3A_54 : memref<!tpu.dma_semaphore, #tpu.memory_space<semaphore_mem>>) src(%arg8 : memref<80x128xf32, #tpu.memory_space<vmem>>) dst(%dma_wait3A_60 : memref<80x128xf32, #tpu.memory_space<vmem_shared>>)
      tpu.yield
    }) : () -> ()
    %add3A_23 = arith.constant 480 : i32
    %add3A_24 = arith.addi %mul3A_0, %add3A_23 : i32
    "tpu.region"() ({
      %run_scoped3A_54 = tpu.sem_alloc : memref<!tpu.dma_semaphore, #tpu.memory_space<semaphore_mem>>
      %dma_start3A = arith.constant 0 : i32
      %dma_start3A_55 = tpu.memref_slice %arg5[%add3A_24, %dma_start3A] : memref<10240x128xf32, #tpu.memory_space<vmem_shared>> -> memref<80x128xf32, #tpu.memory_space<vmem_shared>>
      %dma_start3A_56 = arith.constant 0 : i32
      %dma_start3A_57 = tpu.memref_slice %arg5[%add3A_24, %dma_start3A_56] : memref<10240x128xf32, #tpu.memory_space<vmem_shared>> -> memref<80x128xf32, #tpu.memory_space<vmem_shared>>
      tpu.enqueue_dma source(%arg8 : memref<80x128xf32, #tpu.memory_space<vmem>>) target(%dma_start3A_57 : memref<80x128xf32, #tpu.memory_space<vmem_shared>>) target_semaphore(%run_scoped3A_54 : memref<!tpu.dma_semaphore, #tpu.memory_space<semaphore_mem>>)
      %dma_wait3A = arith.constant 0 : i32
      %dma_wait3A_58 = tpu.memref_slice %arg5[%add3A_24, %dma_wait3A] : memref<10240x128xf32, #tpu.memory_space<vmem_shared>> -> memref<80x128xf32, #tpu.memory_space<vmem_shared>>
      %dma_wait3A_59 = arith.constant 0 : i32
      %dma_wait3A_60 = tpu.memref_slice %arg5[%add3A_24, %dma_wait3A_59] : memref<10240x128xf32, #tpu.memory_space<vmem_shared>> -> memref<80x128xf32, #tpu.memory_space<vmem_shared>>
      tpu.wait_dma2 semaphore(%run_scoped3A_54 : memref<!tpu.dma_semaphore, #tpu.memory_space<semaphore_mem>>) src(%arg8 : memref<80x128xf32, #tpu.memory_space<vmem>>) dst(%dma_wait3A_60 : memref<80x128xf32, #tpu.memory_space<vmem_shared>>)
      tpu.yield
    }) : () -> ()
    %add3A_25 = arith.constant 560 : i32
    %add3A_26 = arith.addi %mul3A_0, %add3A_25 : i32
    "tpu.region"() ({
      %run_scoped3A_54 = tpu.sem_alloc : memref<!tpu.dma_semaphore, #tpu.memory_space<semaphore_mem>>
      %dma_start3A = arith.constant 0 : i32
      %dma_start3A_55 = tpu.memref_slice %arg5[%add3A_26, %dma_start3A] : memref<10240x128xf32, #tpu.memory_space<vmem_shared>> -> memref<80x128xf32, #tpu.memory_space<vmem_shared>>
      %dma_start3A_56 = arith.constant 0 : i32
      %dma_start3A_57 = tpu.memref_slice %arg5[%add3A_26, %dma_start3A_56] : memref<10240x128xf32, #tpu.memory_space<vmem_shared>> -> memref<80x128xf32, #tpu.memory_space<vmem_shared>>
      tpu.enqueue_dma source(%arg8 : memref<80x128xf32, #tpu.memory_space<vmem>>) target(%dma_start3A_57 : memref<80x128xf32, #tpu.memory_space<vmem_shared>>) target_semaphore(%run_scoped3A_54 : memref<!tpu.dma_semaphore, #tpu.memory_space<semaphore_mem>>)
      %dma_wait3A = arith.constant 0 : i32
      %dma_wait3A_58 = tpu.memref_slice %arg5[%add3A_26, %dma_wait3A] : memref<10240x128xf32, #tpu.memory_space<vmem_shared>> -> memref<80x128xf32, #tpu.memory_space<vmem_shared>>
      %dma_wait3A_59 = arith.constant 0 : i32
      %dma_wait3A_60 = tpu.memref_slice %arg5[%add3A_26, %dma_wait3A_59] : memref<10240x128xf32, #tpu.memory_space<vmem_shared>> -> memref<80x128xf32, #tpu.memory_space<vmem_shared>>
      tpu.wait_dma2 semaphore(%run_scoped3A_54 : memref<!tpu.dma_semaphore, #tpu.memory_space<semaphore_mem>>) src(%arg8 : memref<80x128xf32, #tpu.memory_space<vmem>>) dst(%dma_wait3A_60 : memref<80x128xf32, #tpu.memory_space<vmem_shared>>)
      tpu.yield
    }) : () -> ()
    %barrier3A = arith.constant 0 : index
    tpu.barrier barrier_id(%barrier3A)
    %scan3A_27 = arith.constant 0 : i32
    %scan3A_28 = arith.constant 0 : i32
    %scan3A_29 = arith.constant 62 : i32
    %scan3A_30 = arith.addi %scan3A_28, %scan3A_29 : i32
    %scan3A_31 = arith.constant 1 : i32
    %scan3A_32 = scf.for %scan3A_54 = %scan3A_28 to %scan3A_30 step %scan3A_31 iter_args(%scan3A_55 = %scan3A_27) -> (i32)  : i32 {
      %mul3A_56 = arith.constant 2 : i32
      %mul3A_57 = arith.muli %mul3A_56, %scan3A_54 : i32
      %mul3A_58 = arith.constant 80 : i32
      %mul3A_59 = arith.muli %mul3A_57, %mul3A_58 : i32
      %add3A_60 = arith.addi %add3A, %mul3A_59 : i32
      %add3A_61 = arith.constant 80 : i32
      %add3A_62 = arith.addi %add3A_60, %add3A_61 : i32
      %run_scoped3A_63 = arith.constant 0 : i32
      "tpu.region"() ({
        %run_scoped3A_108 = tpu.sem_alloc : memref<!tpu.dma_semaphore, #tpu.memory_space<semaphore_mem>>
        %dma_start3A_109 = arith.constant 0 : i32
        %dma_start3A_110 = tpu.memref_slice %arg6[%run_scoped3A_63, %dma_start3A_109] : memref<1x80xi32, #tpu.memory_space<vmem>> -> memref<1x80xi32, #tpu.memory_space<vmem>>
        %dma_start3A_111 = tpu.memref_squeeze %dma_start3A_110 : memref<1x80xi32, #tpu.memory_space<vmem>> -> memref<80xi32, #tpu.memory_space<vmem>>
        %dma_start3A_112 = tpu.memref_slice %arg2[%add3A_60] : memref<320000xi32, #tpu.memory_space<hbm>> -> memref<80xi32, #tpu.memory_space<hbm>>
        %dma_start3A_113 = arith.constant 0 : i32
        %dma_start3A_114 = tpu.memref_slice %arg6[%run_scoped3A_63, %dma_start3A_113] : memref<1x80xi32, #tpu.memory_space<vmem>> -> memref<1x80xi32, #tpu.memory_space<vmem>>
        %dma_start3A_115 = tpu.memref_squeeze %dma_start3A_114 : memref<1x80xi32, #tpu.memory_space<vmem>> -> memref<80xi32, #tpu.memory_space<vmem>>
        %dma_start3A_116 = tpu.memref_slice %arg2[%add3A_60] : memref<320000xi32, #tpu.memory_space<hbm>> -> memref<80xi32, #tpu.memory_space<hbm>>
        tpu.enqueue_dma source(%dma_start3A_116 : memref<80xi32, #tpu.memory_space<hbm>>) target(%dma_start3A_115 : memref<80xi32, #tpu.memory_space<vmem>>) target_semaphore(%run_scoped3A_108 : memref<!tpu.dma_semaphore, #tpu.memory_space<semaphore_mem>>)
        %dma_wait3A_117 = arith.constant 0 : i32
        %dma_wait3A_118 = tpu.memref_slice %arg6[%run_scoped3A_63, %dma_wait3A_117] : memref<1x80xi32, #tpu.memory_space<vmem>> -> memref<1x80xi32, #tpu.memory_space<vmem>>
        %dma_wait3A_119 = tpu.memref_squeeze %dma_wait3A_118 : memref<1x80xi32, #tpu.memory_space<vmem>> -> memref<80xi32, #tpu.memory_space<vmem>>
        %dma_wait3A_120 = tpu.memref_slice %arg2[%add3A_60] : memref<320000xi32, #tpu.memory_space<hbm>> -> memref<80xi32, #tpu.memory_space<hbm>>
        %dma_wait3A_121 = arith.constant 0 : i32
        %dma_wait3A_122 = tpu.memref_slice %arg6[%run_scoped3A_63, %dma_wait3A_121] : memref<1x80xi32, #tpu.memory_space<vmem>> -> memref<1x80xi32, #tpu.memory_space<vmem>>
        %dma_wait3A_123 = tpu.memref_squeeze %dma_wait3A_122 : memref<1x80xi32, #tpu.memory_space<vmem>> -> memref<80xi32, #tpu.memory_space<vmem>>
        %dma_wait3A_124 = tpu.memref_slice %arg2[%add3A_60] : memref<320000xi32, #tpu.memory_space<hbm>> -> memref<80xi32, #tpu.memory_space<hbm>>
        tpu.wait_dma2 semaphore(%run_scoped3A_108 : memref<!tpu.dma_semaphore, #tpu.memory_space<semaphore_mem>>) src(%dma_wait3A_124 : memref<80xi32, #tpu.memory_space<hbm>>) dst(%dma_wait3A_123 : memref<80xi32, #tpu.memory_space<vmem>>)
        tpu.yield
      }) : () -> ()
      %dma_start3A = arith.constant 0 : i32
      %dma_start3A_64 = tpu.memref_slice %arg3[%add3A_60, %dma_start3A] : memref<320000x128xf32, #tpu.memory_space<hbm>> -> memref<80x128xf32, #tpu.memory_space<hbm>>
      %dma_start3A_65 = arith.constant 0 : i32
      %dma_start3A_66 = tpu.memref_slice %arg3[%add3A_60, %dma_start3A_65] : memref<320000x128xf32, #tpu.memory_space<hbm>> -> memref<80x128xf32, #tpu.memory_space<hbm>>
      tpu.enqueue_dma source(%dma_start3A_66 : memref<80x128xf32, #tpu.memory_space<hbm>>) target(%arg8 : memref<80x128xf32, #tpu.memory_space<vmem>>) target_semaphore(%arg10 : memref<!tpu.dma_semaphore, #tpu.memory_space<semaphore_mem>>)
      %run_scoped3A_67 = arith.constant 0 : i32
      "tpu.region"() ({
        %run_scoped3A_108 = tpu.sem_alloc : memref<!tpu.dma_semaphore, #tpu.memory_space<semaphore_mem>>
        %dma_start3A_109 = arith.constant 0 : i32
        %dma_start3A_110 = tpu.memref_slice %arg7[%run_scoped3A_67, %dma_start3A_109] : memref<1x80xi32, #tpu.memory_space<vmem>> -> memref<1x80xi32, #tpu.memory_space<vmem>>
        %dma_start3A_111 = tpu.memref_squeeze %dma_start3A_110 : memref<1x80xi32, #tpu.memory_space<vmem>> -> memref<80xi32, #tpu.memory_space<vmem>>
        %dma_start3A_112 = tpu.memref_slice %arg2[%add3A_62] : memref<320000xi32, #tpu.memory_space<hbm>> -> memref<80xi32, #tpu.memory_space<hbm>>
        %dma_start3A_113 = arith.constant 0 : i32
        %dma_start3A_114 = tpu.memref_slice %arg7[%run_scoped3A_67, %dma_start3A_113] : memref<1x80xi32, #tpu.memory_space<vmem>> -> memref<1x80xi32, #tpu.memory_space<vmem>>
        %dma_start3A_115 = tpu.memref_squeeze %dma_start3A_114 : memref<1x80xi32, #tpu.memory_space<vmem>> -> memref<80xi32, #tpu.memory_space<vmem>>
        %dma_start3A_116 = tpu.memref_slice %arg2[%add3A_62] : memref<320000xi32, #tpu.memory_space<hbm>> -> memref<80xi32, #tpu.memory_space<hbm>>
        tpu.enqueue_dma source(%dma_start3A_116 : memref<80xi32, #tpu.memory_space<hbm>>) target(%dma_start3A_115 : memref<80xi32, #tpu.memory_space<vmem>>) target_semaphore(%run_scoped3A_108 : memref<!tpu.dma_semaphore, #tpu.memory_space<semaphore_mem>>)
        %dma_wait3A_117 = arith.constant 0 : i32
        %dma_wait3A_118 = tpu.memref_slice %arg7[%run_scoped3A_67, %dma_wait3A_117] : memref<1x80xi32, #tpu.memory_space<vmem>> -> memref<1x80xi32, #tpu.memory_space<vmem>>
        %dma_wait3A_119 = tpu.memref_squeeze %dma_wait3A_118 : memref<1x80xi32, #tpu.memory_space<vmem>> -> memref<80xi32, #tpu.memory_space<vmem>>
        %dma_wait3A_120 = tpu.memref_slice %arg2[%add3A_62] : memref<320000xi32, #tpu.memory_space<hbm>> -> memref<80xi32, #tpu.memory_space<hbm>>
        %dma_wait3A_121 = arith.constant 0 : i32
        %dma_wait3A_122 = tpu.memref_slice %arg7[%run_scoped3A_67, %dma_wait3A_121] : memref<1x80xi32, #tpu.memory_space<vmem>> -> memref<1x80xi32, #tpu.memory_space<vmem>>
        %dma_wait3A_123 = tpu.memref_squeeze %dma_wait3A_122 : memref<1x80xi32, #tpu.memory_space<vmem>> -> memref<80xi32, #tpu.memory_space<vmem>>
        %dma_wait3A_124 = tpu.memref_slice %arg2[%add3A_62] : memref<320000xi32, #tpu.memory_space<hbm>> -> memref<80xi32, #tpu.memory_space<hbm>>
        tpu.wait_dma2 semaphore(%run_scoped3A_108 : memref<!tpu.dma_semaphore, #tpu.memory_space<semaphore_mem>>) src(%dma_wait3A_124 : memref<80xi32, #tpu.memory_space<hbm>>) dst(%dma_wait3A_123 : memref<80xi32, #tpu.memory_space<vmem>>)
        tpu.yield
      }) : () -> ()
      %dma_start3A_68 = arith.constant 0 : i32
      %dma_start3A_69 = tpu.memref_slice %arg3[%add3A_62, %dma_start3A_68] : memref<320000x128xf32, #tpu.memory_space<hbm>> -> memref<80x128xf32, #tpu.memory_space<hbm>>
      %dma_start3A_70 = arith.constant 0 : i32
      %dma_start3A_71 = tpu.memref_slice %arg3[%add3A_62, %dma_start3A_70] : memref<320000x128xf32, #tpu.memory_space<hbm>> -> memref<80x128xf32, #tpu.memory_space<hbm>>
      tpu.enqueue_dma source(%dma_start3A_71 : memref<80x128xf32, #tpu.memory_space<hbm>>) target(%arg9 : memref<80x128xf32, #tpu.memory_space<vmem>>) target_semaphore(%arg11 : memref<!tpu.dma_semaphore, #tpu.memory_space<semaphore_mem>>)
      %dma_wait3A = arith.constant 0 : i32
      %dma_wait3A_72 = tpu.memref_slice %arg3[%add3A_60, %dma_wait3A] : memref<320000x128xf32, #tpu.memory_space<hbm>> -> memref<80x128xf32, #tpu.memory_space<hbm>>
      %dma_wait3A_73 = arith.constant 0 : i32
      %dma_wait3A_74 = tpu.memref_slice %arg3[%add3A_60, %dma_wait3A_73] : memref<320000x128xf32, #tpu.memory_space<hbm>> -> memref<80x128xf32, #tpu.memory_space<hbm>>
      tpu.wait_dma2 semaphore(%arg10 : memref<!tpu.dma_semaphore, #tpu.memory_space<semaphore_mem>>) src(%dma_wait3A_74 : memref<80x128xf32, #tpu.memory_space<hbm>>) dst(%arg8 : memref<80x128xf32, #tpu.memory_space<vmem>>)
      %dma_start3A_75 = arith.constant 0 : i32
      %dma_start3A_76 = arith.constant 0 : i32
      %dma_start3A_77 = tpu.memref_slice %arg6[%dma_start3A_75, %dma_start3A_76] : memref<1x80xi32, #tpu.memory_space<vmem>> -> memref<1x80xi32, #tpu.memory_space<vmem>>
      %dma_start3A_78 = tpu.memref_squeeze %dma_start3A_77 : memref<1x80xi32, #tpu.memory_space<vmem>> -> memref<80xi32, #tpu.memory_space<vmem>>
      %dma_start3A_79 = arith.constant 0 : i32
      %dma_start3A_80 = arith.constant 0 : i32
      %dma_start3A_81 = tpu.memref_slice %arg5[%dma_start3A_79, %dma_start3A_80] : memref<10240x128xf32, #tpu.memory_space<vmem_shared>> -> memref<10240x128xf32, #tpu.memory_space<vmem_shared>>
      tpu.enqueue_indirect_dma source(%arg8 : memref<80x128xf32, #tpu.memory_space<vmem>>) target(%dma_start3A_81 : memref<10240x128xf32, #tpu.memory_space<vmem_shared>>) offsets(%dma_start3A_78 : memref<80xi32, #tpu.memory_space<vmem>>) semaphore(%arg12 : memref<!tpu.dma_semaphore, #tpu.memory_space<semaphore_mem>>) {add = true}
      %dma_wait3A_82 = arith.constant 0 : i32
      %dma_wait3A_83 = tpu.memref_slice %arg3[%add3A_62, %dma_wait3A_82] : memref<320000x128xf32, #tpu.memory_space<hbm>> -> memref<80x128xf32, #tpu.memory_space<hbm>>
      %dma_wait3A_84 = arith.constant 0 : i32
      %dma_wait3A_85 = tpu.memref_slice %arg3[%add3A_62, %dma_wait3A_84] : memref<320000x128xf32, #tpu.memory_space<hbm>> -> memref<80x128xf32, #tpu.memory_space<hbm>>
      tpu.wait_dma2 semaphore(%arg11 : memref<!tpu.dma_semaphore, #tpu.memory_space<semaphore_mem>>) src(%dma_wait3A_85 : memref<80x128xf32, #tpu.memory_space<hbm>>) dst(%arg9 : memref<80x128xf32, #tpu.memory_space<vmem>>)
      %dma_start3A_86 = arith.constant 0 : i32
      %dma_start3A_87 = arith.constant 0 : i32
      %dma_start3A_88 = tpu.memref_slice %arg7[%dma_start3A_86, %dma_start3A_87] : memref<1x80xi32, #tpu.memory_space<vmem>> -> memref<1x80xi32, #tpu.memory_space<vmem>>
      %dma_start3A_89 = tpu.memref_squeeze %dma_start3A_88 : memref<1x80xi32, #tpu.memory_space<vmem>> -> memref<80xi32, #tpu.memory_space<vmem>>
      %dma_start3A_90 = arith.constant 0 : i32
      %dma_start3A_91 = arith.constant 0 : i32
      %dma_start3A_92 = tpu.memref_slice %arg5[%dma_start3A_90, %dma_start3A_91] : memref<10240x128xf32, #tpu.memory_space<vmem_shared>> -> memref<10240x128xf32, #tpu.memory_space<vmem_shared>>
      tpu.enqueue_indirect_dma source(%arg9 : memref<80x128xf32, #tpu.memory_space<vmem>>) target(%dma_start3A_92 : memref<10240x128xf32, #tpu.memory_space<vmem_shared>>) offsets(%dma_start3A_89 : memref<80xi32, #tpu.memory_space<vmem>>) semaphore(%arg13 : memref<!tpu.dma_semaphore, #tpu.memory_space<semaphore_mem>>) {add = true}
      %dma_wait3A_93 = arith.constant 0 : i32
      %dma_wait3A_94 = arith.constant 0 : i32
      %dma_wait3A_95 = tpu.memref_slice %arg6[%dma_wait3A_93, %dma_wait3A_94] : memref<1x80xi32, #tpu.memory_space<vmem>> -> memref<1x80xi32, #tpu.memory_space<vmem>>
      %dma_wait3A_96 = tpu.memref_squeeze %dma_wait3A_95 : memref<1x80xi32, #tpu.memory_space<vmem>> -> memref<80xi32, #tpu.memory_space<vmem>>
      %dma_wait3A_97 = arith.constant 0 : i32
      %dma_wait3A_98 = arith.constant 0 : i32
      %dma_wait3A_99 = tpu.memref_slice %arg5[%dma_wait3A_97, %dma_wait3A_98] : memref<10240x128xf32, #tpu.memory_space<vmem_shared>> -> memref<10240x128xf32, #tpu.memory_space<vmem_shared>>
      tpu.wait_indirect_dma semaphore(%arg12 : memref<!tpu.dma_semaphore, #tpu.memory_space<semaphore_mem>>) src(%arg8 : memref<80x128xf32, #tpu.memory_space<vmem>>) dst(%dma_wait3A_99 : memref<10240x128xf32, #tpu.memory_space<vmem_shared>>)
      %dma_wait3A_100 = arith.constant 0 : i32
      %dma_wait3A_101 = arith.constant 0 : i32
      %dma_wait3A_102 = tpu.memref_slice %arg7[%dma_wait3A_100, %dma_wait3A_101] : memref<1x80xi32, #tpu.memory_space<vmem>> -> memref<1x80xi32, #tpu.memory_space<vmem>>
      %dma_wait3A_103 = tpu.memref_squeeze %dma_wait3A_102 : memref<1x80xi32, #tpu.memory_space<vmem>> -> memref<80xi32, #tpu.memory_space<vmem>>
      %dma_wait3A_104 = arith.constant 0 : i32
      %dma_wait3A_105 = arith.constant 0 : i32
      %dma_wait3A_106 = tpu.memref_slice %arg5[%dma_wait3A_104, %dma_wait3A_105] : memref<10240x128xf32, #tpu.memory_space<vmem_shared>> -> memref<10240x128xf32, #tpu.memory_space<vmem_shared>>
      tpu.wait_indirect_dma semaphore(%arg13 : memref<!tpu.dma_semaphore, #tpu.memory_space<semaphore_mem>>) src(%arg9 : memref<80x128xf32, #tpu.memory_space<vmem>>) dst(%dma_wait3A_106 : memref<10240x128xf32, #tpu.memory_space<vmem_shared>>)
      %scan3A_107 = arith.constant 0 : i32
      scf.yield %scan3A_107 : i32
    }
    %scan3A_33 = arith.constant 62 : i32
    %add3A_34 = arith.constant 9920 : i32
    %add3A_35 = arith.addi %add3A, %add3A_34 : i32
    %run_scoped3A = arith.constant 0 : i32
    "tpu.region"() ({
      %run_scoped3A_54 = tpu.sem_alloc : memref<!tpu.dma_semaphore, #tpu.memory_space<semaphore_mem>>
      %dma_start3A = arith.constant 0 : i32
      %dma_start3A_55 = tpu.memref_slice %arg6[%run_scoped3A, %dma_start3A] : memref<1x80xi32, #tpu.memory_space<vmem>> -> memref<1x80xi32, #tpu.memory_space<vmem>>
      %dma_start3A_56 = tpu.memref_squeeze %dma_start3A_55 : memref<1x80xi32, #tpu.memory_space<vmem>> -> memref<80xi32, #tpu.memory_space<vmem>>
      %dma_start3A_57 = tpu.memref_slice %arg2[%add3A_35] : memref<320000xi32, #tpu.memory_space<hbm>> -> memref<80xi32, #tpu.memory_space<hbm>>
      %dma_start3A_58 = arith.constant 0 : i32
      %dma_start3A_59 = tpu.memref_slice %arg6[%run_scoped3A, %dma_start3A_58] : memref<1x80xi32, #tpu.memory_space<vmem>> -> memref<1x80xi32, #tpu.memory_space<vmem>>
      %dma_start3A_60 = tpu.memref_squeeze %dma_start3A_59 : memref<1x80xi32, #tpu.memory_space<vmem>> -> memref<80xi32, #tpu.memory_space<vmem>>
      %dma_start3A_61 = tpu.memref_slice %arg2[%add3A_35] : memref<320000xi32, #tpu.memory_space<hbm>> -> memref<80xi32, #tpu.memory_space<hbm>>
      tpu.enqueue_dma source(%dma_start3A_61 : memref<80xi32, #tpu.memory_space<hbm>>) target(%dma_start3A_60 : memref<80xi32, #tpu.memory_space<vmem>>) target_semaphore(%run_scoped3A_54 : memref<!tpu.dma_semaphore, #tpu.memory_space<semaphore_mem>>)
      %dma_wait3A = arith.constant 0 : i32
      %dma_wait3A_62 = tpu.memref_slice %arg6[%run_scoped3A, %dma_wait3A] : memref<1x80xi32, #tpu.memory_space<vmem>> -> memref<1x80xi32, #tpu.memory_space<vmem>>
      %dma_wait3A_63 = tpu.memref_squeeze %dma_wait3A_62 : memref<1x80xi32, #tpu.memory_space<vmem>> -> memref<80xi32, #tpu.memory_space<vmem>>
      %dma_wait3A_64 = tpu.memref_slice %arg2[%add3A_35] : memref<320000xi32, #tpu.memory_space<hbm>> -> memref<80xi32, #tpu.memory_space<hbm>>
      %dma_wait3A_65 = arith.constant 0 : i32
      %dma_wait3A_66 = tpu.memref_slice %arg6[%run_scoped3A, %dma_wait3A_65] : memref<1x80xi32, #tpu.memory_space<vmem>> -> memref<1x80xi32, #tpu.memory_space<vmem>>
      %dma_wait3A_67 = tpu.memref_squeeze %dma_wait3A_66 : memref<1x80xi32, #tpu.memory_space<vmem>> -> memref<80xi32, #tpu.memory_space<vmem>>
      %dma_wait3A_68 = tpu.memref_slice %arg2[%add3A_35] : memref<320000xi32, #tpu.memory_space<hbm>> -> memref<80xi32, #tpu.memory_space<hbm>>
      tpu.wait_dma2 semaphore(%run_scoped3A_54 : memref<!tpu.dma_semaphore, #tpu.memory_space<semaphore_mem>>) src(%dma_wait3A_68 : memref<80xi32, #tpu.memory_space<hbm>>) dst(%dma_wait3A_67 : memref<80xi32, #tpu.memory_space<vmem>>)
      tpu.yield
    }) : () -> ()
    "tpu.region"() ({
      %run_scoped3A_54 = tpu.sem_alloc : memref<!tpu.dma_semaphore, #tpu.memory_space<semaphore_mem>>
      %dma_start3A = arith.constant 0 : i32
      %dma_start3A_55 = tpu.memref_slice %arg3[%add3A_35, %dma_start3A] : memref<320000x128xf32, #tpu.memory_space<hbm>> -> memref<80x128xf32, #tpu.memory_space<hbm>>
      %dma_start3A_56 = arith.constant 0 : i32
      %dma_start3A_57 = tpu.memref_slice %arg3[%add3A_35, %dma_start3A_56] : memref<320000x128xf32, #tpu.memory_space<hbm>> -> memref<80x128xf32, #tpu.memory_space<hbm>>
      tpu.enqueue_dma source(%dma_start3A_57 : memref<80x128xf32, #tpu.memory_space<hbm>>) target(%arg8 : memref<80x128xf32, #tpu.memory_space<vmem>>) target_semaphore(%run_scoped3A_54 : memref<!tpu.dma_semaphore, #tpu.memory_space<semaphore_mem>>)
      %dma_wait3A = arith.constant 0 : i32
      %dma_wait3A_58 = tpu.memref_slice %arg3[%add3A_35, %dma_wait3A] : memref<320000x128xf32, #tpu.memory_space<hbm>> -> memref<80x128xf32, #tpu.memory_space<hbm>>
      %dma_wait3A_59 = arith.constant 0 : i32
      %dma_wait3A_60 = tpu.memref_slice %arg3[%add3A_35, %dma_wait3A_59] : memref<320000x128xf32, #tpu.memory_space<hbm>> -> memref<80x128xf32, #tpu.memory_space<hbm>>
      tpu.wait_dma2 semaphore(%run_scoped3A_54 : memref<!tpu.dma_semaphore, #tpu.memory_space<semaphore_mem>>) src(%dma_wait3A_60 : memref<80x128xf32, #tpu.memory_space<hbm>>) dst(%arg8 : memref<80x128xf32, #tpu.memory_space<vmem>>)
      tpu.yield
    }) : () -> ()
    %run_scoped3A_36 = arith.constant 0 : i32
    "tpu.region"() ({
      %run_scoped3A_54 = tpu.sem_alloc : memref<!tpu.dma_semaphore, #tpu.memory_space<semaphore_mem>>
      %dma_start3A = arith.constant 0 : i32
      %dma_start3A_55 = tpu.memref_slice %arg6[%run_scoped3A_36, %dma_start3A] : memref<1x80xi32, #tpu.memory_space<vmem>> -> memref<1x80xi32, #tpu.memory_space<vmem>>
      %dma_start3A_56 = tpu.memref_squeeze %dma_start3A_55 : memref<1x80xi32, #tpu.memory_space<vmem>> -> memref<80xi32, #tpu.memory_space<vmem>>
      %dma_start3A_57 = arith.constant 0 : i32
      %dma_start3A_58 = arith.constant 0 : i32
      %dma_start3A_59 = tpu.memref_slice %arg5[%dma_start3A_57, %dma_start3A_58] : memref<10240x128xf32, #tpu.memory_space<vmem_shared>> -> memref<10240x128xf32, #tpu.memory_space<vmem_shared>>
      tpu.enqueue_indirect_dma source(%arg8 : memref<80x128xf32, #tpu.memory_space<vmem>>) target(%dma_start3A_59 : memref<10240x128xf32, #tpu.memory_space<vmem_shared>>) offsets(%dma_start3A_56 : memref<80xi32, #tpu.memory_space<vmem>>) semaphore(%run_scoped3A_54 : memref<!tpu.dma_semaphore, #tpu.memory_space<semaphore_mem>>) {add = true}
      %dma_wait3A = arith.constant 0 : i32
      %dma_wait3A_60 = tpu.memref_slice %arg6[%run_scoped3A_36, %dma_wait3A] : memref<1x80xi32, #tpu.memory_space<vmem>> -> memref<1x80xi32, #tpu.memory_space<vmem>>
      %dma_wait3A_61 = tpu.memref_squeeze %dma_wait3A_60 : memref<1x80xi32, #tpu.memory_space<vmem>> -> memref<80xi32, #tpu.memory_space<vmem>>
      %dma_wait3A_62 = arith.constant 0 : i32
      %dma_wait3A_63 = arith.constant 0 : i32
      %dma_wait3A_64 = tpu.memref_slice %arg5[%dma_wait3A_62, %dma_wait3A_63] : memref<10240x128xf32, #tpu.memory_space<vmem_shared>> -> memref<10240x128xf32, #tpu.memory_space<vmem_shared>>
      tpu.wait_indirect_dma semaphore(%run_scoped3A_54 : memref<!tpu.dma_semaphore, #tpu.memory_space<semaphore_mem>>) src(%arg8 : memref<80x128xf32, #tpu.memory_space<vmem>>) dst(%dma_wait3A_64 : memref<10240x128xf32, #tpu.memory_space<vmem_shared>>)
      tpu.yield
    }) : () -> ()
    %barrier3A_37 = arith.constant 0 : index
    tpu.barrier barrier_id(%barrier3A_37)
    %add3A_38 = arith.constant 0 : i32
    %add3A_39 = arith.addi %mul3A_0, %add3A_38 : i32
    "tpu.region"() ({
      %run_scoped3A_54 = tpu.sem_alloc : memref<!tpu.dma_semaphore, #tpu.memory_space<semaphore_mem>>
      %dma_start3A = arith.constant 0 : i32
      %dma_start3A_55 = tpu.memref_slice %arg5[%add3A_39, %dma_start3A] : memref<10240x128xf32, #tpu.memory_space<vmem_shared>> -> memref<80x128xf32, #tpu.memory_space<vmem_shared>>
      %dma_start3A_56 = arith.constant 0 : i32
      %dma_start3A_57 = tpu.memref_slice %arg5[%add3A_39, %dma_start3A_56] : memref<10240x128xf32, #tpu.memory_space<vmem_shared>> -> memref<80x128xf32, #tpu.memory_space<vmem_shared>>
      tpu.enqueue_dma source(%dma_start3A_57 : memref<80x128xf32, #tpu.memory_space<vmem_shared>>) target(%arg8 : memref<80x128xf32, #tpu.memory_space<vmem>>) target_semaphore(%run_scoped3A_54 : memref<!tpu.dma_semaphore, #tpu.memory_space<semaphore_mem>>)
      %dma_wait3A = arith.constant 0 : i32
      %dma_wait3A_58 = tpu.memref_slice %arg5[%add3A_39, %dma_wait3A] : memref<10240x128xf32, #tpu.memory_space<vmem_shared>> -> memref<80x128xf32, #tpu.memory_space<vmem_shared>>
      %dma_wait3A_59 = arith.constant 0 : i32
      %dma_wait3A_60 = tpu.memref_slice %arg5[%add3A_39, %dma_wait3A_59] : memref<10240x128xf32, #tpu.memory_space<vmem_shared>> -> memref<80x128xf32, #tpu.memory_space<vmem_shared>>
      tpu.wait_dma2 semaphore(%run_scoped3A_54 : memref<!tpu.dma_semaphore, #tpu.memory_space<semaphore_mem>>) src(%dma_wait3A_60 : memref<80x128xf32, #tpu.memory_space<vmem_shared>>) dst(%arg8 : memref<80x128xf32, #tpu.memory_space<vmem>>)
      tpu.yield
    }) : () -> ()
    "tpu.region"() ({
      %run_scoped3A_54 = tpu.sem_alloc : memref<!tpu.dma_semaphore, #tpu.memory_space<semaphore_mem>>
      %dma_start3A = arith.constant 0 : i32
      %dma_start3A_55 = tpu.memref_slice %arg4[%arg0, %add3A_39, %dma_start3A] : memref<2x10240x128xf32, #tpu.memory_space<hbm>> -> memref<1x80x128xf32, #tpu.memory_space<hbm>>
      %dma_start3A_56 = tpu.memref_squeeze %dma_start3A_55 : memref<1x80x128xf32, #tpu.memory_space<hbm>> -> memref<80x128xf32, #tpu.memory_space<hbm>>
      %dma_start3A_57 = arith.constant 0 : i32
      %dma_start3A_58 = tpu.memref_slice %arg4[%arg0, %add3A_39, %dma_start3A_57] : memref<2x10240x128xf32, #tpu.memory_space<hbm>> -> memref<1x80x128xf32, #tpu.memory_space<hbm>>
      %dma_start3A_59 = tpu.memref_squeeze %dma_start3A_58 : memref<1x80x128xf32, #tpu.memory_space<hbm>> -> memref<80x128xf32, #tpu.memory_space<hbm>>
      tpu.enqueue_dma source(%arg8 : memref<80x128xf32, #tpu.memory_space<vmem>>) target(%dma_start3A_59 : memref<80x128xf32, #tpu.memory_space<hbm>>) target_semaphore(%run_scoped3A_54 : memref<!tpu.dma_semaphore, #tpu.memory_space<semaphore_mem>>)
      %dma_wait3A = arith.constant 0 : i32
      %dma_wait3A_60 = tpu.memref_slice %arg4[%arg0, %add3A_39, %dma_wait3A] : memref<2x10240x128xf32, #tpu.memory_space<hbm>> -> memref<1x80x128xf32, #tpu.memory_space<hbm>>
      %dma_wait3A_61 = tpu.memref_squeeze %dma_wait3A_60 : memref<1x80x128xf32, #tpu.memory_space<hbm>> -> memref<80x128xf32, #tpu.memory_space<hbm>>
      %dma_wait3A_62 = arith.constant 0 : i32
      %dma_wait3A_63 = tpu.memref_slice %arg4[%arg0, %add3A_39, %dma_wait3A_62] : memref<2x10240x128xf32, #tpu.memory_space<hbm>> -> memref<1x80x128xf32, #tpu.memory_space<hbm>>
      %dma_wait3A_64 = tpu.memref_squeeze %dma_wait3A_63 : memref<1x80x128xf32, #tpu.memory_space<hbm>> -> memref<80x128xf32, #tpu.memory_space<hbm>>
      tpu.wait_dma2 semaphore(%run_scoped3A_54 : memref<!tpu.dma_semaphore, #tpu.memory_space<semaphore_mem>>) src(%arg8 : memref<80x128xf32, #tpu.memory_space<vmem>>) dst(%dma_wait3A_64 : memref<80x128xf32, #tpu.memory_space<hbm>>)
      tpu.yield
    }) : () -> ()
    %add3A_40 = arith.constant 80 : i32
    %add3A_41 = arith.addi %mul3A_0, %add3A_40 : i32
    "tpu.region"() ({
      %run_scoped3A_54 = tpu.sem_alloc : memref<!tpu.dma_semaphore, #tpu.memory_space<semaphore_mem>>
      %dma_start3A = arith.constant 0 : i32
      %dma_start3A_55 = tpu.memref_slice %arg5[%add3A_41, %dma_start3A] : memref<10240x128xf32, #tpu.memory_space<vmem_shared>> -> memref<80x128xf32, #tpu.memory_space<vmem_shared>>
      %dma_start3A_56 = arith.constant 0 : i32
      %dma_start3A_57 = tpu.memref_slice %arg5[%add3A_41, %dma_start3A_56] : memref<10240x128xf32, #tpu.memory_space<vmem_shared>> -> memref<80x128xf32, #tpu.memory_space<vmem_shared>>
      tpu.enqueue_dma source(%dma_start3A_57 : memref<80x128xf32, #tpu.memory_space<vmem_shared>>) target(%arg8 : memref<80x128xf32, #tpu.memory_space<vmem>>) target_semaphore(%run_scoped3A_54 : memref<!tpu.dma_semaphore, #tpu.memory_space<semaphore_mem>>)
      %dma_wait3A = arith.constant 0 : i32
      %dma_wait3A_58 = tpu.memref_slice %arg5[%add3A_41, %dma_wait3A] : memref<10240x128xf32, #tpu.memory_space<vmem_shared>> -> memref<80x128xf32, #tpu.memory_space<vmem_shared>>
      %dma_wait3A_59 = arith.constant 0 : i32
      %dma_wait3A_60 = tpu.memref_slice %arg5[%add3A_41, %dma_wait3A_59] : memref<10240x128xf32, #tpu.memory_space<vmem_shared>> -> memref<80x128xf32, #tpu.memory_space<vmem_shared>>
      tpu.wait_dma2 semaphore(%run_scoped3A_54 : memref<!tpu.dma_semaphore, #tpu.memory_space<semaphore_mem>>) src(%dma_wait3A_60 : memref<80x128xf32, #tpu.memory_space<vmem_shared>>) dst(%arg8 : memref<80x128xf32, #tpu.memory_space<vmem>>)
      tpu.yield
    }) : () -> ()
    "tpu.region"() ({
      %run_scoped3A_54 = tpu.sem_alloc : memref<!tpu.dma_semaphore, #tpu.memory_space<semaphore_mem>>
      %dma_start3A = arith.constant 0 : i32
      %dma_start3A_55 = tpu.memref_slice %arg4[%arg0, %add3A_41, %dma_start3A] : memref<2x10240x128xf32, #tpu.memory_space<hbm>> -> memref<1x80x128xf32, #tpu.memory_space<hbm>>
      %dma_start3A_56 = tpu.memref_squeeze %dma_start3A_55 : memref<1x80x128xf32, #tpu.memory_space<hbm>> -> memref<80x128xf32, #tpu.memory_space<hbm>>
      %dma_start3A_57 = arith.constant 0 : i32
      %dma_start3A_58 = tpu.memref_slice %arg4[%arg0, %add3A_41, %dma_start3A_57] : memref<2x10240x128xf32, #tpu.memory_space<hbm>> -> memref<1x80x128xf32, #tpu.memory_space<hbm>>
      %dma_start3A_59 = tpu.memref_squeeze %dma_start3A_58 : memref<1x80x128xf32, #tpu.memory_space<hbm>> -> memref<80x128xf32, #tpu.memory_space<hbm>>
      tpu.enqueue_dma source(%arg8 : memref<80x128xf32, #tpu.memory_space<vmem>>) target(%dma_start3A_59 : memref<80x128xf32, #tpu.memory_space<hbm>>) target_semaphore(%run_scoped3A_54 : memref<!tpu.dma_semaphore, #tpu.memory_space<semaphore_mem>>)
      %dma_wait3A = arith.constant 0 : i32
      %dma_wait3A_60 = tpu.memref_slice %arg4[%arg0, %add3A_41, %dma_wait3A] : memref<2x10240x128xf32, #tpu.memory_space<hbm>> -> memref<1x80x128xf32, #tpu.memory_space<hbm>>
      %dma_wait3A_61 = tpu.memref_squeeze %dma_wait3A_60 : memref<1x80x128xf32, #tpu.memory_space<hbm>> -> memref<80x128xf32, #tpu.memory_space<hbm>>
      %dma_wait3A_62 = arith.constant 0 : i32
      %dma_wait3A_63 = tpu.memref_slice %arg4[%arg0, %add3A_41, %dma_wait3A_62] : memref<2x10240x128xf32, #tpu.memory_space<hbm>> -> memref<1x80x128xf32, #tpu.memory_space<hbm>>
      %dma_wait3A_64 = tpu.memref_squeeze %dma_wait3A_63 : memref<1x80x128xf32, #tpu.memory_space<hbm>> -> memref<80x128xf32, #tpu.memory_space<hbm>>
      tpu.wait_dma2 semaphore(%run_scoped3A_54 : memref<!tpu.dma_semaphore, #tpu.memory_space<semaphore_mem>>) src(%arg8 : memref<80x128xf32, #tpu.memory_space<vmem>>) dst(%dma_wait3A_64 : memref<80x128xf32, #tpu.memory_space<hbm>>)
      tpu.yield
    }) : () -> ()
    %add3A_42 = arith.constant 160 : i32
    %add3A_43 = arith.addi %mul3A_0, %add3A_42 : i32
    "tpu.region"() ({
      %run_scoped3A_54 = tpu.sem_alloc : memref<!tpu.dma_semaphore, #tpu.memory_space<semaphore_mem>>
      %dma_start3A = arith.constant 0 : i32
      %dma_start3A_55 = tpu.memref_slice %arg5[%add3A_43, %dma_start3A] : memref<10240x128xf32, #tpu.memory_space<vmem_shared>> -> memref<80x128xf32, #tpu.memory_space<vmem_shared>>
      %dma_start3A_56 = arith.constant 0 : i32
      %dma_start3A_57 = tpu.memref_slice %arg5[%add3A_43, %dma_start3A_56] : memref<10240x128xf32, #tpu.memory_space<vmem_shared>> -> memref<80x128xf32, #tpu.memory_space<vmem_shared>>
      tpu.enqueue_dma source(%dma_start3A_57 : memref<80x128xf32, #tpu.memory_space<vmem_shared>>) target(%arg8 : memref<80x128xf32, #tpu.memory_space<vmem>>) target_semaphore(%run_scoped3A_54 : memref<!tpu.dma_semaphore, #tpu.memory_space<semaphore_mem>>)
      %dma_wait3A = arith.constant 0 : i32
      %dma_wait3A_58 = tpu.memref_slice %arg5[%add3A_43, %dma_wait3A] : memref<10240x128xf32, #tpu.memory_space<vmem_shared>> -> memref<80x128xf32, #tpu.memory_space<vmem_shared>>
      %dma_wait3A_59 = arith.constant 0 : i32
      %dma_wait3A_60 = tpu.memref_slice %arg5[%add3A_43, %dma_wait3A_59] : memref<10240x128xf32, #tpu.memory_space<vmem_shared>> -> memref<80x128xf32, #tpu.memory_space<vmem_shared>>
      tpu.wait_dma2 semaphore(%run_scoped3A_54 : memref<!tpu.dma_semaphore, #tpu.memory_space<semaphore_mem>>) src(%dma_wait3A_60 : memref<80x128xf32, #tpu.memory_space<vmem_shared>>) dst(%arg8 : memref<80x128xf32, #tpu.memory_space<vmem>>)
      tpu.yield
    }) : () -> ()
    "tpu.region"() ({
      %run_scoped3A_54 = tpu.sem_alloc : memref<!tpu.dma_semaphore, #tpu.memory_space<semaphore_mem>>
      %dma_start3A = arith.constant 0 : i32
      %dma_start3A_55 = tpu.memref_slice %arg4[%arg0, %add3A_43, %dma_start3A] : memref<2x10240x128xf32, #tpu.memory_space<hbm>> -> memref<1x80x128xf32, #tpu.memory_space<hbm>>
      %dma_start3A_56 = tpu.memref_squeeze %dma_start3A_55 : memref<1x80x128xf32, #tpu.memory_space<hbm>> -> memref<80x128xf32, #tpu.memory_space<hbm>>
      %dma_start3A_57 = arith.constant 0 : i32
      %dma_start3A_58 = tpu.memref_slice %arg4[%arg0, %add3A_43, %dma_start3A_57] : memref<2x10240x128xf32, #tpu.memory_space<hbm>> -> memref<1x80x128xf32, #tpu.memory_space<hbm>>
      %dma_start3A_59 = tpu.memref_squeeze %dma_start3A_58 : memref<1x80x128xf32, #tpu.memory_space<hbm>> -> memref<80x128xf32, #tpu.memory_space<hbm>>
      tpu.enqueue_dma source(%arg8 : memref<80x128xf32, #tpu.memory_space<vmem>>) target(%dma_start3A_59 : memref<80x128xf32, #tpu.memory_space<hbm>>) target_semaphore(%run_scoped3A_54 : memref<!tpu.dma_semaphore, #tpu.memory_space<semaphore_mem>>)
      %dma_wait3A = arith.constant 0 : i32
      %dma_wait3A_60 = tpu.memref_slice %arg4[%arg0, %add3A_43, %dma_wait3A] : memref<2x10240x128xf32, #tpu.memory_space<hbm>> -> memref<1x80x128xf32, #tpu.memory_space<hbm>>
      %dma_wait3A_61 = tpu.memref_squeeze %dma_wait3A_60 : memref<1x80x128xf32, #tpu.memory_space<hbm>> -> memref<80x128xf32, #tpu.memory_space<hbm>>
      %dma_wait3A_62 = arith.constant 0 : i32
      %dma_wait3A_63 = tpu.memref_slice %arg4[%arg0, %add3A_43, %dma_wait3A_62] : memref<2x10240x128xf32, #tpu.memory_space<hbm>> -> memref<1x80x128xf32, #tpu.memory_space<hbm>>
      %dma_wait3A_64 = tpu.memref_squeeze %dma_wait3A_63 : memref<1x80x128xf32, #tpu.memory_space<hbm>> -> memref<80x128xf32, #tpu.memory_space<hbm>>
      tpu.wait_dma2 semaphore(%run_scoped3A_54 : memref<!tpu.dma_semaphore, #tpu.memory_space<semaphore_mem>>) src(%arg8 : memref<80x128xf32, #tpu.memory_space<vmem>>) dst(%dma_wait3A_64 : memref<80x128xf32, #tpu.memory_space<hbm>>)
      tpu.yield
    }) : () -> ()
    %add3A_44 = arith.constant 240 : i32
    %add3A_45 = arith.addi %mul3A_0, %add3A_44 : i32
    "tpu.region"() ({
      %run_scoped3A_54 = tpu.sem_alloc : memref<!tpu.dma_semaphore, #tpu.memory_space<semaphore_mem>>
      %dma_start3A = arith.constant 0 : i32
      %dma_start3A_55 = tpu.memref_slice %arg5[%add3A_45, %dma_start3A] : memref<10240x128xf32, #tpu.memory_space<vmem_shared>> -> memref<80x128xf32, #tpu.memory_space<vmem_shared>>
      %dma_start3A_56 = arith.constant 0 : i32
      %dma_start3A_57 = tpu.memref_slice %arg5[%add3A_45, %dma_start3A_56] : memref<10240x128xf32, #tpu.memory_space<vmem_shared>> -> memref<80x128xf32, #tpu.memory_space<vmem_shared>>
      tpu.enqueue_dma source(%dma_start3A_57 : memref<80x128xf32, #tpu.memory_space<vmem_shared>>) target(%arg8 : memref<80x128xf32, #tpu.memory_space<vmem>>) target_semaphore(%run_scoped3A_54 : memref<!tpu.dma_semaphore, #tpu.memory_space<semaphore_mem>>)
      %dma_wait3A = arith.constant 0 : i32
      %dma_wait3A_58 = tpu.memref_slice %arg5[%add3A_45, %dma_wait3A] : memref<10240x128xf32, #tpu.memory_space<vmem_shared>> -> memref<80x128xf32, #tpu.memory_space<vmem_shared>>
      %dma_wait3A_59 = arith.constant 0 : i32
      %dma_wait3A_60 = tpu.memref_slice %arg5[%add3A_45, %dma_wait3A_59] : memref<10240x128xf32, #tpu.memory_space<vmem_shared>> -> memref<80x128xf32, #tpu.memory_space<vmem_shared>>
      tpu.wait_dma2 semaphore(%run_scoped3A_54 : memref<!tpu.dma_semaphore, #tpu.memory_space<semaphore_mem>>) src(%dma_wait3A_60 : memref<80x128xf32, #tpu.memory_space<vmem_shared>>) dst(%arg8 : memref<80x128xf32, #tpu.memory_space<vmem>>)
      tpu.yield
    }) : () -> ()
    "tpu.region"() ({
      %run_scoped3A_54 = tpu.sem_alloc : memref<!tpu.dma_semaphore, #tpu.memory_space<semaphore_mem>>
      %dma_start3A = arith.constant 0 : i32
      %dma_start3A_55 = tpu.memref_slice %arg4[%arg0, %add3A_45, %dma_start3A] : memref<2x10240x128xf32, #tpu.memory_space<hbm>> -> memref<1x80x128xf32, #tpu.memory_space<hbm>>
      %dma_start3A_56 = tpu.memref_squeeze %dma_start3A_55 : memref<1x80x128xf32, #tpu.memory_space<hbm>> -> memref<80x128xf32, #tpu.memory_space<hbm>>
      %dma_start3A_57 = arith.constant 0 : i32
      %dma_start3A_58 = tpu.memref_slice %arg4[%arg0, %add3A_45, %dma_start3A_57] : memref<2x10240x128xf32, #tpu.memory_space<hbm>> -> memref<1x80x128xf32, #tpu.memory_space<hbm>>
      %dma_start3A_59 = tpu.memref_squeeze %dma_start3A_58 : memref<1x80x128xf32, #tpu.memory_space<hbm>> -> memref<80x128xf32, #tpu.memory_space<hbm>>
      tpu.enqueue_dma source(%arg8 : memref<80x128xf32, #tpu.memory_space<vmem>>) target(%dma_start3A_59 : memref<80x128xf32, #tpu.memory_space<hbm>>) target_semaphore(%run_scoped3A_54 : memref<!tpu.dma_semaphore, #tpu.memory_space<semaphore_mem>>)
      %dma_wait3A = arith.constant 0 : i32
      %dma_wait3A_60 = tpu.memref_slice %arg4[%arg0, %add3A_45, %dma_wait3A] : memref<2x10240x128xf32, #tpu.memory_space<hbm>> -> memref<1x80x128xf32, #tpu.memory_space<hbm>>
      %dma_wait3A_61 = tpu.memref_squeeze %dma_wait3A_60 : memref<1x80x128xf32, #tpu.memory_space<hbm>> -> memref<80x128xf32, #tpu.memory_space<hbm>>
      %dma_wait3A_62 = arith.constant 0 : i32
      %dma_wait3A_63 = tpu.memref_slice %arg4[%arg0, %add3A_45, %dma_wait3A_62] : memref<2x10240x128xf32, #tpu.memory_space<hbm>> -> memref<1x80x128xf32, #tpu.memory_space<hbm>>
      %dma_wait3A_64 = tpu.memref_squeeze %dma_wait3A_63 : memref<1x80x128xf32, #tpu.memory_space<hbm>> -> memref<80x128xf32, #tpu.memory_space<hbm>>
      tpu.wait_dma2 semaphore(%run_scoped3A_54 : memref<!tpu.dma_semaphore, #tpu.memory_space<semaphore_mem>>) src(%arg8 : memref<80x128xf32, #tpu.memory_space<vmem>>) dst(%dma_wait3A_64 : memref<80x128xf32, #tpu.memory_space<hbm>>)
      tpu.yield
    }) : () -> ()
    %add3A_46 = arith.constant 320 : i32
    %add3A_47 = arith.addi %mul3A_0, %add3A_46 : i32
    "tpu.region"() ({
      %run_scoped3A_54 = tpu.sem_alloc : memref<!tpu.dma_semaphore, #tpu.memory_space<semaphore_mem>>
      %dma_start3A = arith.constant 0 : i32
      %dma_start3A_55 = tpu.memref_slice %arg5[%add3A_47, %dma_start3A] : memref<10240x128xf32, #tpu.memory_space<vmem_shared>> -> memref<80x128xf32, #tpu.memory_space<vmem_shared>>
      %dma_start3A_56 = arith.constant 0 : i32
      %dma_start3A_57 = tpu.memref_slice %arg5[%add3A_47, %dma_start3A_56] : memref<10240x128xf32, #tpu.memory_space<vmem_shared>> -> memref<80x128xf32, #tpu.memory_space<vmem_shared>>
      tpu.enqueue_dma source(%dma_start3A_57 : memref<80x128xf32, #tpu.memory_space<vmem_shared>>) target(%arg8 : memref<80x128xf32, #tpu.memory_space<vmem>>) target_semaphore(%run_scoped3A_54 : memref<!tpu.dma_semaphore, #tpu.memory_space<semaphore_mem>>)
      %dma_wait3A = arith.constant 0 : i32
      %dma_wait3A_58 = tpu.memref_slice %arg5[%add3A_47, %dma_wait3A] : memref<10240x128xf32, #tpu.memory_space<vmem_shared>> -> memref<80x128xf32, #tpu.memory_space<vmem_shared>>
      %dma_wait3A_59 = arith.constant 0 : i32
      %dma_wait3A_60 = tpu.memref_slice %arg5[%add3A_47, %dma_wait3A_59] : memref<10240x128xf32, #tpu.memory_space<vmem_shared>> -> memref<80x128xf32, #tpu.memory_space<vmem_shared>>
      tpu.wait_dma2 semaphore(%run_scoped3A_54 : memref<!tpu.dma_semaphore, #tpu.memory_space<semaphore_mem>>) src(%dma_wait3A_60 : memref<80x128xf32, #tpu.memory_space<vmem_shared>>) dst(%arg8 : memref<80x128xf32, #tpu.memory_space<vmem>>)
      tpu.yield
    }) : () -> ()
    "tpu.region"() ({
      %run_scoped3A_54 = tpu.sem_alloc : memref<!tpu.dma_semaphore, #tpu.memory_space<semaphore_mem>>
      %dma_start3A = arith.constant 0 : i32
      %dma_start3A_55 = tpu.memref_slice %arg4[%arg0, %add3A_47, %dma_start3A] : memref<2x10240x128xf32, #tpu.memory_space<hbm>> -> memref<1x80x128xf32, #tpu.memory_space<hbm>>
      %dma_start3A_56 = tpu.memref_squeeze %dma_start3A_55 : memref<1x80x128xf32, #tpu.memory_space<hbm>> -> memref<80x128xf32, #tpu.memory_space<hbm>>
      %dma_start3A_57 = arith.constant 0 : i32
      %dma_start3A_58 = tpu.memref_slice %arg4[%arg0, %add3A_47, %dma_start3A_57] : memref<2x10240x128xf32, #tpu.memory_space<hbm>> -> memref<1x80x128xf32, #tpu.memory_space<hbm>>
      %dma_start3A_59 = tpu.memref_squeeze %dma_start3A_58 : memref<1x80x128xf32, #tpu.memory_space<hbm>> -> memref<80x128xf32, #tpu.memory_space<hbm>>
      tpu.enqueue_dma source(%arg8 : memref<80x128xf32, #tpu.memory_space<vmem>>) target(%dma_start3A_59 : memref<80x128xf32, #tpu.memory_space<hbm>>) target_semaphore(%run_scoped3A_54 : memref<!tpu.dma_semaphore, #tpu.memory_space<semaphore_mem>>)
      %dma_wait3A = arith.constant 0 : i32
      %dma_wait3A_60 = tpu.memref_slice %arg4[%arg0, %add3A_47, %dma_wait3A] : memref<2x10240x128xf32, #tpu.memory_space<hbm>> -> memref<1x80x128xf32, #tpu.memory_space<hbm>>
      %dma_wait3A_61 = tpu.memref_squeeze %dma_wait3A_60 : memref<1x80x128xf32, #tpu.memory_space<hbm>> -> memref<80x128xf32, #tpu.memory_space<hbm>>
      %dma_wait3A_62 = arith.constant 0 : i32
      %dma_wait3A_63 = tpu.memref_slice %arg4[%arg0, %add3A_47, %dma_wait3A_62] : memref<2x10240x128xf32, #tpu.memory_space<hbm>> -> memref<1x80x128xf32, #tpu.memory_space<hbm>>
      %dma_wait3A_64 = tpu.memref_squeeze %dma_wait3A_63 : memref<1x80x128xf32, #tpu.memory_space<hbm>> -> memref<80x128xf32, #tpu.memory_space<hbm>>
      tpu.wait_dma2 semaphore(%run_scoped3A_54 : memref<!tpu.dma_semaphore, #tpu.memory_space<semaphore_mem>>) src(%arg8 : memref<80x128xf32, #tpu.memory_space<vmem>>) dst(%dma_wait3A_64 : memref<80x128xf32, #tpu.memory_space<hbm>>)
      tpu.yield
    }) : () -> ()
    %add3A_48 = arith.constant 400 : i32
    %add3A_49 = arith.addi %mul3A_0, %add3A_48 : i32
    "tpu.region"() ({
      %run_scoped3A_54 = tpu.sem_alloc : memref<!tpu.dma_semaphore, #tpu.memory_space<semaphore_mem>>
      %dma_start3A = arith.constant 0 : i32
      %dma_start3A_55 = tpu.memref_slice %arg5[%add3A_49, %dma_start3A] : memref<10240x128xf32, #tpu.memory_space<vmem_shared>> -> memref<80x128xf32, #tpu.memory_space<vmem_shared>>
      %dma_start3A_56 = arith.constant 0 : i32
      %dma_start3A_57 = tpu.memref_slice %arg5[%add3A_49, %dma_start3A_56] : memref<10240x128xf32, #tpu.memory_space<vmem_shared>> -> memref<80x128xf32, #tpu.memory_space<vmem_shared>>
      tpu.enqueue_dma source(%dma_start3A_57 : memref<80x128xf32, #tpu.memory_space<vmem_shared>>) target(%arg8 : memref<80x128xf32, #tpu.memory_space<vmem>>) target_semaphore(%run_scoped3A_54 : memref<!tpu.dma_semaphore, #tpu.memory_space<semaphore_mem>>)
      %dma_wait3A = arith.constant 0 : i32
      %dma_wait3A_58 = tpu.memref_slice %arg5[%add3A_49, %dma_wait3A] : memref<10240x128xf32, #tpu.memory_space<vmem_shared>> -> memref<80x128xf32, #tpu.memory_space<vmem_shared>>
      %dma_wait3A_59 = arith.constant 0 : i32
      %dma_wait3A_60 = tpu.memref_slice %arg5[%add3A_49, %dma_wait3A_59] : memref<10240x128xf32, #tpu.memory_space<vmem_shared>> -> memref<80x128xf32, #tpu.memory_space<vmem_shared>>
      tpu.wait_dma2 semaphore(%run_scoped3A_54 : memref<!tpu.dma_semaphore, #tpu.memory_space<semaphore_mem>>) src(%dma_wait3A_60 : memref<80x128xf32, #tpu.memory_space<vmem_shared>>) dst(%arg8 : memref<80x128xf32, #tpu.memory_space<vmem>>)
      tpu.yield
    }) : () -> ()
    "tpu.region"() ({
      %run_scoped3A_54 = tpu.sem_alloc : memref<!tpu.dma_semaphore, #tpu.memory_space<semaphore_mem>>
      %dma_start3A = arith.constant 0 : i32
      %dma_start3A_55 = tpu.memref_slice %arg4[%arg0, %add3A_49, %dma_start3A] : memref<2x10240x128xf32, #tpu.memory_space<hbm>> -> memref<1x80x128xf32, #tpu.memory_space<hbm>>
      %dma_start3A_56 = tpu.memref_squeeze %dma_start3A_55 : memref<1x80x128xf32, #tpu.memory_space<hbm>> -> memref<80x128xf32, #tpu.memory_space<hbm>>
      %dma_start3A_57 = arith.constant 0 : i32
      %dma_start3A_58 = tpu.memref_slice %arg4[%arg0, %add3A_49, %dma_start3A_57] : memref<2x10240x128xf32, #tpu.memory_space<hbm>> -> memref<1x80x128xf32, #tpu.memory_space<hbm>>
      %dma_start3A_59 = tpu.memref_squeeze %dma_start3A_58 : memref<1x80x128xf32, #tpu.memory_space<hbm>> -> memref<80x128xf32, #tpu.memory_space<hbm>>
      tpu.enqueue_dma source(%arg8 : memref<80x128xf32, #tpu.memory_space<vmem>>) target(%dma_start3A_59 : memref<80x128xf32, #tpu.memory_space<hbm>>) target_semaphore(%run_scoped3A_54 : memref<!tpu.dma_semaphore, #tpu.memory_space<semaphore_mem>>)
      %dma_wait3A = arith.constant 0 : i32
      %dma_wait3A_60 = tpu.memref_slice %arg4[%arg0, %add3A_49, %dma_wait3A] : memref<2x10240x128xf32, #tpu.memory_space<hbm>> -> memref<1x80x128xf32, #tpu.memory_space<hbm>>
      %dma_wait3A_61 = tpu.memref_squeeze %dma_wait3A_60 : memref<1x80x128xf32, #tpu.memory_space<hbm>> -> memref<80x128xf32, #tpu.memory_space<hbm>>
      %dma_wait3A_62 = arith.constant 0 : i32
      %dma_wait3A_63 = tpu.memref_slice %arg4[%arg0, %add3A_49, %dma_wait3A_62] : memref<2x10240x128xf32, #tpu.memory_space<hbm>> -> memref<1x80x128xf32, #tpu.memory_space<hbm>>
      %dma_wait3A_64 = tpu.memref_squeeze %dma_wait3A_63 : memref<1x80x128xf32, #tpu.memory_space<hbm>> -> memref<80x128xf32, #tpu.memory_space<hbm>>
      tpu.wait_dma2 semaphore(%run_scoped3A_54 : memref<!tpu.dma_semaphore, #tpu.memory_space<semaphore_mem>>) src(%arg8 : memref<80x128xf32, #tpu.memory_space<vmem>>) dst(%dma_wait3A_64 : memref<80x128xf32, #tpu.memory_space<hbm>>)
      tpu.yield
    }) : () -> ()
    %add3A_50 = arith.constant 480 : i32
    %add3A_51 = arith.addi %mul3A_0, %add3A_50 : i32
    "tpu.region"() ({
      %run_scoped3A_54 = tpu.sem_alloc : memref<!tpu.dma_semaphore, #tpu.memory_space<semaphore_mem>>
      %dma_start3A = arith.constant 0 : i32
      %dma_start3A_55 = tpu.memref_slice %arg5[%add3A_51, %dma_start3A] : memref<10240x128xf32, #tpu.memory_space<vmem_shared>> -> memref<80x128xf32, #tpu.memory_space<vmem_shared>>
      %dma_start3A_56 = arith.constant 0 : i32
      %dma_start3A_57 = tpu.memref_slice %arg5[%add3A_51, %dma_start3A_56] : memref<10240x128xf32, #tpu.memory_space<vmem_shared>> -> memref<80x128xf32, #tpu.memory_space<vmem_shared>>
      tpu.enqueue_dma source(%dma_start3A_57 : memref<80x128xf32, #tpu.memory_space<vmem_shared>>) target(%arg8 : memref<80x128xf32, #tpu.memory_space<vmem>>) target_semaphore(%run_scoped3A_54 : memref<!tpu.dma_semaphore, #tpu.memory_space<semaphore_mem>>)
      %dma_wait3A = arith.constant 0 : i32
      %dma_wait3A_58 = tpu.memref_slice %arg5[%add3A_51, %dma_wait3A] : memref<10240x128xf32, #tpu.memory_space<vmem_shared>> -> memref<80x128xf32, #tpu.memory_space<vmem_shared>>
      %dma_wait3A_59 = arith.constant 0 : i32
      %dma_wait3A_60 = tpu.memref_slice %arg5[%add3A_51, %dma_wait3A_59] : memref<10240x128xf32, #tpu.memory_space<vmem_shared>> -> memref<80x128xf32, #tpu.memory_space<vmem_shared>>
      tpu.wait_dma2 semaphore(%run_scoped3A_54 : memref<!tpu.dma_semaphore, #tpu.memory_space<semaphore_mem>>) src(%dma_wait3A_60 : memref<80x128xf32, #tpu.memory_space<vmem_shared>>) dst(%arg8 : memref<80x128xf32, #tpu.memory_space<vmem>>)
      tpu.yield
    }) : () -> ()
    "tpu.region"() ({
      %run_scoped3A_54 = tpu.sem_alloc : memref<!tpu.dma_semaphore, #tpu.memory_space<semaphore_mem>>
      %dma_start3A = arith.constant 0 : i32
      %dma_start3A_55 = tpu.memref_slice %arg4[%arg0, %add3A_51, %dma_start3A] : memref<2x10240x128xf32, #tpu.memory_space<hbm>> -> memref<1x80x128xf32, #tpu.memory_space<hbm>>
      %dma_start3A_56 = tpu.memref_squeeze %dma_start3A_55 : memref<1x80x128xf32, #tpu.memory_space<hbm>> -> memref<80x128xf32, #tpu.memory_space<hbm>>
      %dma_start3A_57 = arith.constant 0 : i32
      %dma_start3A_58 = tpu.memref_slice %arg4[%arg0, %add3A_51, %dma_start3A_57] : memref<2x10240x128xf32, #tpu.memory_space<hbm>> -> memref<1x80x128xf32, #tpu.memory_space<hbm>>
      %dma_start3A_59 = tpu.memref_squeeze %dma_start3A_58 : memref<1x80x128xf32, #tpu.memory_space<hbm>> -> memref<80x128xf32, #tpu.memory_space<hbm>>
      tpu.enqueue_dma source(%arg8 : memref<80x128xf32, #tpu.memory_space<vmem>>) target(%dma_start3A_59 : memref<80x128xf32, #tpu.memory_space<hbm>>) target_semaphore(%run_scoped3A_54 : memref<!tpu.dma_semaphore, #tpu.memory_space<semaphore_mem>>)
      %dma_wait3A = arith.constant 0 : i32
      %dma_wait3A_60 = tpu.memref_slice %arg4[%arg0, %add3A_51, %dma_wait3A] : memref<2x10240x128xf32, #tpu.memory_space<hbm>> -> memref<1x80x128xf32, #tpu.memory_space<hbm>>
      %dma_wait3A_61 = tpu.memref_squeeze %dma_wait3A_60 : memref<1x80x128xf32, #tpu.memory_space<hbm>> -> memref<80x128xf32, #tpu.memory_space<hbm>>
      %dma_wait3A_62 = arith.constant 0 : i32
      %dma_wait3A_63 = tpu.memref_slice %arg4[%arg0, %add3A_51, %dma_wait3A_62] : memref<2x10240x128xf32, #tpu.memory_space<hbm>> -> memref<1x80x128xf32, #tpu.memory_space<hbm>>
      %dma_wait3A_64 = tpu.memref_squeeze %dma_wait3A_63 : memref<1x80x128xf32, #tpu.memory_space<hbm>> -> memref<80x128xf32, #tpu.memory_space<hbm>>
      tpu.wait_dma2 semaphore(%run_scoped3A_54 : memref<!tpu.dma_semaphore, #tpu.memory_space<semaphore_mem>>) src(%arg8 : memref<80x128xf32, #tpu.memory_space<vmem>>) dst(%dma_wait3A_64 : memref<80x128xf32, #tpu.memory_space<hbm>>)
      tpu.yield
    }) : () -> ()
    %add3A_52 = arith.constant 560 : i32
    %add3A_53 = arith.addi %mul3A_0, %add3A_52 : i32
    "tpu.region"() ({
      %run_scoped3A_54 = tpu.sem_alloc : memref<!tpu.dma_semaphore, #tpu.memory_space<semaphore_mem>>
      %dma_start3A = arith.constant 0 : i32
      %dma_start3A_55 = tpu.memref_slice %arg5[%add3A_53, %dma_start3A] : memref<10240x128xf32, #tpu.memory_space<vmem_shared>> -> memref<80x128xf32, #tpu.memory_space<vmem_shared>>
      %dma_start3A_56 = arith.constant 0 : i32
      %dma_start3A_57 = tpu.memref_slice %arg5[%add3A_53, %dma_start3A_56] : memref<10240x128xf32, #tpu.memory_space<vmem_shared>> -> memref<80x128xf32, #tpu.memory_space<vmem_shared>>
      tpu.enqueue_dma source(%dma_start3A_57 : memref<80x128xf32, #tpu.memory_space<vmem_shared>>) target(%arg8 : memref<80x128xf32, #tpu.memory_space<vmem>>) target_semaphore(%run_scoped3A_54 : memref<!tpu.dma_semaphore, #tpu.memory_space<semaphore_mem>>)
      %dma_wait3A = arith.constant 0 : i32
      %dma_wait3A_58 = tpu.memref_slice %arg5[%add3A_53, %dma_wait3A] : memref<10240x128xf32, #tpu.memory_space<vmem_shared>> -> memref<80x128xf32, #tpu.memory_space<vmem_shared>>
      %dma_wait3A_59 = arith.constant 0 : i32
      %dma_wait3A_60 = tpu.memref_slice %arg5[%add3A_53, %dma_wait3A_59] : memref<10240x128xf32, #tpu.memory_space<vmem_shared>> -> memref<80x128xf32, #tpu.memory_space<vmem_shared>>
      tpu.wait_dma2 semaphore(%run_scoped3A_54 : memref<!tpu.dma_semaphore, #tpu.memory_space<semaphore_mem>>) src(%dma_wait3A_60 : memref<80x128xf32, #tpu.memory_space<vmem_shared>>) dst(%arg8 : memref<80x128xf32, #tpu.memory_space<vmem>>)
      tpu.yield
    }) : () -> ()
    "tpu.region"() ({
      %run_scoped3A_54 = tpu.sem_alloc : memref<!tpu.dma_semaphore, #tpu.memory_space<semaphore_mem>>
      %dma_start3A = arith.constant 0 : i32
      %dma_start3A_55 = tpu.memref_slice %arg4[%arg0, %add3A_53, %dma_start3A] : memref<2x10240x128xf32, #tpu.memory_space<hbm>> -> memref<1x80x128xf32, #tpu.memory_space<hbm>>
      %dma_start3A_56 = tpu.memref_squeeze %dma_start3A_55 : memref<1x80x128xf32, #tpu.memory_space<hbm>> -> memref<80x128xf32, #tpu.memory_space<hbm>>
      %dma_start3A_57 = arith.constant 0 : i32
      %dma_start3A_58 = tpu.memref_slice %arg4[%arg0, %add3A_53, %dma_start3A_57] : memref<2x10240x128xf32, #tpu.memory_space<hbm>> -> memref<1x80x128xf32, #tpu.memory_space<hbm>>
      %dma_start3A_59 = tpu.memref_squeeze %dma_start3A_58 : memref<1x80x128xf32, #tpu.memory_space<hbm>> -> memref<80x128xf32, #tpu.memory_space<hbm>>
      tpu.enqueue_dma source(%arg8 : memref<80x128xf32, #tpu.memory_space<vmem>>) target(%dma_start3A_59 : memref<80x128xf32, #tpu.memory_space<hbm>>) target_semaphore(%run_scoped3A_54 : memref<!tpu.dma_semaphore, #tpu.memory_space<semaphore_mem>>)
      %dma_wait3A = arith.constant 0 : i32
      %dma_wait3A_60 = tpu.memref_slice %arg4[%arg0, %add3A_53, %dma_wait3A] : memref<2x10240x128xf32, #tpu.memory_space<hbm>> -> memref<1x80x128xf32, #tpu.memory_space<hbm>>
      %dma_wait3A_61 = tpu.memref_squeeze %dma_wait3A_60 : memref<1x80x128xf32, #tpu.memory_space<hbm>> -> memref<80x128xf32, #tpu.memory_space<hbm>>
      %dma_wait3A_62 = arith.constant 0 : i32
      %dma_wait3A_63 = tpu.memref_slice %arg4[%arg0, %add3A_53, %dma_wait3A_62] : memref<2x10240x128xf32, #tpu.memory_space<hbm>> -> memref<1x80x128xf32, #tpu.memory_space<hbm>>
      %dma_wait3A_64 = tpu.memref_squeeze %dma_wait3A_63 : memref<1x80x128xf32, #tpu.memory_space<hbm>> -> memref<80x128xf32, #tpu.memory_space<hbm>>
      tpu.wait_dma2 semaphore(%run_scoped3A_54 : memref<!tpu.dma_semaphore, #tpu.memory_space<semaphore_mem>>) src(%arg8 : memref<80x128xf32, #tpu.memory_space<vmem>>) dst(%dma_wait3A_64 : memref<80x128xf32, #tpu.memory_space<hbm>>)
      tpu.yield
    }) : () -> ()
    return
  }
}

#map = affine_map<(d0, d1) -> (0)>
#map1 = affine_map<(d0, d1) -> (0, 0)>
#map2 = affine_map<(d0, d1) -> (0, 0, 0)>
module attributes {stable_mosaic.version = 14 : i64} {
  func.func @_sc_scatter_mr(%arg0: i32, %arg1: i32, %arg2: memref<320000xi32, #tpu.memory_space<hbm>>, %arg3: memref<320000x256xf32, #tpu.memory_space<hbm>>, %arg4: memref<2x10240x128xf32, #tpu.memory_space<hbm>>, %arg5: memref<10240x128xf32, #tpu.memory_space<vmem_shared>>, %arg6: memref<1x80xi32, #tpu.memory_space<vmem>>, %arg7: memref<1x80xi32, #tpu.memory_space<vmem>>, %arg8: memref<80x128xf32, #tpu.memory_space<vmem>>, %arg9: memref<80x128xf32, #tpu.memory_space<vmem>>, %arg10: memref<!tpu.dma_semaphore, #tpu.memory_space<semaphore_mem>>, %arg11: memref<!tpu.dma_semaphore, #tpu.memory_space<semaphore_mem>>, %arg12: memref<!tpu.dma_semaphore, #tpu.memory_space<semaphore_mem>>, %arg13: memref<!tpu.dma_semaphore, #tpu.memory_space<semaphore_mem>>) attributes {dimension_semantics = [#tpu.dimension_semantics<core_parallel>, #tpu.dimension_semantics<subcore_parallel>], iteration_bounds = array<i64: 2, 16>, scalar_prefetch = 0 : i64, scratch_operands = 9 : i64, tpu.core_type = #tpu.core_type<sc_vector_subcore>, window_params = [{transform_indices = #map}, {transform_indices = #map1}, {transform_indices = #map2}]} {
    %mul3A = arith.constant 640 : i32
    %mul3A_0 = arith.muli %arg1, %mul3A : i32
    %mul3A_1 = arith.constant 128 : i32
    %mul3A_2 = arith.muli %arg0, %mul3A_1 : i32
    %multiple_of3A = tpu.assume_multiple %mul3A_2, 128 : i32
    %scan3A = arith.constant 0 : i32
    %scan3A_3 = arith.constant 0 : i32
    %scan3A_4 = arith.constant 80 : i32
    %scan3A_5 = arith.addi %scan3A_3, %scan3A_4 : i32
    %scan3A_6 = arith.constant 1 : i32
    %scan3A_7 = scf.for %scan3A_48 = %scan3A_3 to %scan3A_5 step %scan3A_6 iter_args(%scan3A_49 = %scan3A) -> (i32)  : i32 {
      %broadcast_in_dim3A = arith.constant 0.000000e+00 : f32
      %broadcast_in_dim3A_50 = vector.broadcast %broadcast_in_dim3A : f32 to vector<16xf32>
      %swap3A = arith.index_cast %scan3A_48 : i32 to index
      %swap3A_51 = arith.constant 0 : index
      %swap3A_52 = tpu.vector_load %arg8[%swap3A, %swap3A_51] {strides = array<i32>} : memref<80x128xf32, #tpu.memory_space<vmem>>, vector<1x16xf32>,
      %swap3A_53 = vector.shape_cast %swap3A_52 : vector<1x16xf32> to vector<16xf32>
      %swap3A_54 = vector.shape_cast %broadcast_in_dim3A_50 : vector<16xf32> to vector<1x16xf32>
      tpu.vector_store %arg8[%swap3A, %swap3A_51], %swap3A_54 {strides = array<i32>} : memref<80x128xf32, #tpu.memory_space<vmem>>, vector<1x16xf32>,
      %broadcast_in_dim3A_55 = arith.constant 0.000000e+00 : f32
      %broadcast_in_dim3A_56 = vector.broadcast %broadcast_in_dim3A_55 : f32 to vector<16xf32>
      %swap3A_57 = arith.index_cast %scan3A_48 : i32 to index
      %swap3A_58 = arith.constant 16 : index
      %swap3A_59 = tpu.vector_load %arg8[%swap3A_57, %swap3A_58] {strides = array<i32>} : memref<80x128xf32, #tpu.memory_space<vmem>>, vector<1x16xf32>,
      %swap3A_60 = vector.shape_cast %swap3A_59 : vector<1x16xf32> to vector<16xf32>
      %swap3A_61 = vector.shape_cast %broadcast_in_dim3A_56 : vector<16xf32> to vector<1x16xf32>
      tpu.vector_store %arg8[%swap3A_57, %swap3A_58], %swap3A_61 {strides = array<i32>} : memref<80x128xf32, #tpu.memory_space<vmem>>, vector<1x16xf32>,
      %broadcast_in_dim3A_62 = arith.constant 0.000000e+00 : f32
      %broadcast_in_dim3A_63 = vector.broadcast %broadcast_in_dim3A_62 : f32 to vector<16xf32>
      %swap3A_64 = arith.index_cast %scan3A_48 : i32 to index
      %swap3A_65 = arith.constant 32 : index
      %swap3A_66 = tpu.vector_load %arg8[%swap3A_64, %swap3A_65] {strides = array<i32>} : memref<80x128xf32, #tpu.memory_space<vmem>>, vector<1x16xf32>,
      %swap3A_67 = vector.shape_cast %swap3A_66 : vector<1x16xf32> to vector<16xf32>
      %swap3A_68 = vector.shape_cast %broadcast_in_dim3A_63 : vector<16xf32> to vector<1x16xf32>
      tpu.vector_store %arg8[%swap3A_64, %swap3A_65], %swap3A_68 {strides = array<i32>} : memref<80x128xf32, #tpu.memory_space<vmem>>, vector<1x16xf32>,
      %broadcast_in_dim3A_69 = arith.constant 0.000000e+00 : f32
      %broadcast_in_dim3A_70 = vector.broadcast %broadcast_in_dim3A_69 : f32 to vector<16xf32>
      %swap3A_71 = arith.index_cast %scan3A_48 : i32 to index
      %swap3A_72 = arith.constant 48 : index
      %swap3A_73 = tpu.vector_load %arg8[%swap3A_71, %swap3A_72] {strides = array<i32>} : memref<80x128xf32, #tpu.memory_space<vmem>>, vector<1x16xf32>,
      %swap3A_74 = vector.shape_cast %swap3A_73 : vector<1x16xf32> to vector<16xf32>
      %swap3A_75 = vector.shape_cast %broadcast_in_dim3A_70 : vector<16xf32> to vector<1x16xf32>
      tpu.vector_store %arg8[%swap3A_71, %swap3A_72], %swap3A_75 {strides = array<i32>} : memref<80x128xf32, #tpu.memory_space<vmem>>, vector<1x16xf32>,
      %broadcast_in_dim3A_76 = arith.constant 0.000000e+00 : f32
      %broadcast_in_dim3A_77 = vector.broadcast %broadcast_in_dim3A_76 : f32 to vector<16xf32>
      %swap3A_78 = arith.index_cast %scan3A_48 : i32 to index
      %swap3A_79 = arith.constant 64 : index
      %swap3A_80 = tpu.vector_load %arg8[%swap3A_78, %swap3A_79] {strides = array<i32>} : memref<80x128xf32, #tpu.memory_space<vmem>>, vector<1x16xf32>,
      %swap3A_81 = vector.shape_cast %swap3A_80 : vector<1x16xf32> to vector<16xf32>
      %swap3A_82 = vector.shape_cast %broadcast_in_dim3A_77 : vector<16xf32> to vector<1x16xf32>
      tpu.vector_store %arg8[%swap3A_78, %swap3A_79], %swap3A_82 {strides = array<i32>} : memref<80x128xf32, #tpu.memory_space<vmem>>, vector<1x16xf32>,
      %broadcast_in_dim3A_83 = arith.constant 0.000000e+00 : f32
      %broadcast_in_dim3A_84 = vector.broadcast %broadcast_in_dim3A_83 : f32 to vector<16xf32>
      %swap3A_85 = arith.index_cast %scan3A_48 : i32 to index
      %swap3A_86 = arith.constant 80 : index
      %swap3A_87 = tpu.vector_load %arg8[%swap3A_85, %swap3A_86] {strides = array<i32>} : memref<80x128xf32, #tpu.memory_space<vmem>>, vector<1x16xf32>,
      %swap3A_88 = vector.shape_cast %swap3A_87 : vector<1x16xf32> to vector<16xf32>
      %swap3A_89 = vector.shape_cast %broadcast_in_dim3A_84 : vector<16xf32> to vector<1x16xf32>
      tpu.vector_store %arg8[%swap3A_85, %swap3A_86], %swap3A_89 {strides = array<i32>} : memref<80x128xf32, #tpu.memory_space<vmem>>, vector<1x16xf32>,
      %broadcast_in_dim3A_90 = arith.constant 0.000000e+00 : f32
      %broadcast_in_dim3A_91 = vector.broadcast %broadcast_in_dim3A_90 : f32 to vector<16xf32>
      %swap3A_92 = arith.index_cast %scan3A_48 : i32 to index
      %swap3A_93 = arith.constant 96 : index
      %swap3A_94 = tpu.vector_load %arg8[%swap3A_92, %swap3A_93] {strides = array<i32>} : memref<80x128xf32, #tpu.memory_space<vmem>>, vector<1x16xf32>,
      %swap3A_95 = vector.shape_cast %swap3A_94 : vector<1x16xf32> to vector<16xf32>
      %swap3A_96 = vector.shape_cast %broadcast_in_dim3A_91 : vector<16xf32> to vector<1x16xf32>
      tpu.vector_store %arg8[%swap3A_92, %swap3A_93], %swap3A_96 {strides = array<i32>} : memref<80x128xf32, #tpu.memory_space<vmem>>, vector<1x16xf32>,
      %broadcast_in_dim3A_97 = arith.constant 0.000000e+00 : f32
      %broadcast_in_dim3A_98 = vector.broadcast %broadcast_in_dim3A_97 : f32 to vector<16xf32>
      %swap3A_99 = arith.index_cast %scan3A_48 : i32 to index
      %swap3A_100 = arith.constant 112 : index
      %swap3A_101 = tpu.vector_load %arg8[%swap3A_99, %swap3A_100] {strides = array<i32>} : memref<80x128xf32, #tpu.memory_space<vmem>>, vector<1x16xf32>,
      %swap3A_102 = vector.shape_cast %swap3A_101 : vector<1x16xf32> to vector<16xf32>
      %swap3A_103 = vector.shape_cast %broadcast_in_dim3A_98 : vector<16xf32> to vector<1x16xf32>
      tpu.vector_store %arg8[%swap3A_99, %swap3A_100], %swap3A_103 {strides = array<i32>} : memref<80x128xf32, #tpu.memory_space<vmem>>, vector<1x16xf32>,
      %scan3A_104 = arith.constant 0 : i32
      scf.yield %scan3A_104 : i32
    }
    %scan3A_8 = arith.constant 80 : i32
    %add3A = arith.constant 0 : i32
    %add3A_9 = arith.addi %mul3A_0, %add3A : i32
    "tpu.region"() ({
      %run_scoped3A = tpu.sem_alloc : memref<!tpu.dma_semaphore, #tpu.memory_space<semaphore_mem>>
      %dma_start3A = arith.constant 0 : i32
      %dma_start3A_48 = tpu.memref_slice %arg5[%add3A_9, %dma_start3A] : memref<10240x128xf32, #tpu.memory_space<vmem_shared>> -> memref<80x128xf32, #tpu.memory_space<vmem_shared>>
      %dma_start3A_49 = arith.constant 0 : i32
      %dma_start3A_50 = tpu.memref_slice %arg5[%add3A_9, %dma_start3A_49] : memref<10240x128xf32, #tpu.memory_space<vmem_shared>> -> memref<80x128xf32, #tpu.memory_space<vmem_shared>>
      tpu.enqueue_dma source(%arg8 : memref<80x128xf32, #tpu.memory_space<vmem>>) target(%dma_start3A_50 : memref<80x128xf32, #tpu.memory_space<vmem_shared>>) target_semaphore(%run_scoped3A : memref<!tpu.dma_semaphore, #tpu.memory_space<semaphore_mem>>)
      %dma_wait3A = arith.constant 0 : i32
      %dma_wait3A_51 = tpu.memref_slice %arg5[%add3A_9, %dma_wait3A] : memref<10240x128xf32, #tpu.memory_space<vmem_shared>> -> memref<80x128xf32, #tpu.memory_space<vmem_shared>>
      %dma_wait3A_52 = arith.constant 0 : i32
      %dma_wait3A_53 = tpu.memref_slice %arg5[%add3A_9, %dma_wait3A_52] : memref<10240x128xf32, #tpu.memory_space<vmem_shared>> -> memref<80x128xf32, #tpu.memory_space<vmem_shared>>
      tpu.wait_dma2 semaphore(%run_scoped3A : memref<!tpu.dma_semaphore, #tpu.memory_space<semaphore_mem>>) src(%arg8 : memref<80x128xf32, #tpu.memory_space<vmem>>) dst(%dma_wait3A_53 : memref<80x128xf32, #tpu.memory_space<vmem_shared>>)
      tpu.yield
    }) : () -> ()
    %add3A_10 = arith.constant 80 : i32
    %add3A_11 = arith.addi %mul3A_0, %add3A_10 : i32
    "tpu.region"() ({
      %run_scoped3A = tpu.sem_alloc : memref<!tpu.dma_semaphore, #tpu.memory_space<semaphore_mem>>
      %dma_start3A = arith.constant 0 : i32
      %dma_start3A_48 = tpu.memref_slice %arg5[%add3A_11, %dma_start3A] : memref<10240x128xf32, #tpu.memory_space<vmem_shared>> -> memref<80x128xf32, #tpu.memory_space<vmem_shared>>
      %dma_start3A_49 = arith.constant 0 : i32
      %dma_start3A_50 = tpu.memref_slice %arg5[%add3A_11, %dma_start3A_49] : memref<10240x128xf32, #tpu.memory_space<vmem_shared>> -> memref<80x128xf32, #tpu.memory_space<vmem_shared>>
      tpu.enqueue_dma source(%arg8 : memref<80x128xf32, #tpu.memory_space<vmem>>) target(%dma_start3A_50 : memref<80x128xf32, #tpu.memory_space<vmem_shared>>) target_semaphore(%run_scoped3A : memref<!tpu.dma_semaphore, #tpu.memory_space<semaphore_mem>>)
      %dma_wait3A = arith.constant 0 : i32
      %dma_wait3A_51 = tpu.memref_slice %arg5[%add3A_11, %dma_wait3A] : memref<10240x128xf32, #tpu.memory_space<vmem_shared>> -> memref<80x128xf32, #tpu.memory_space<vmem_shared>>
      %dma_wait3A_52 = arith.constant 0 : i32
      %dma_wait3A_53 = tpu.memref_slice %arg5[%add3A_11, %dma_wait3A_52] : memref<10240x128xf32, #tpu.memory_space<vmem_shared>> -> memref<80x128xf32, #tpu.memory_space<vmem_shared>>
      tpu.wait_dma2 semaphore(%run_scoped3A : memref<!tpu.dma_semaphore, #tpu.memory_space<semaphore_mem>>) src(%arg8 : memref<80x128xf32, #tpu.memory_space<vmem>>) dst(%dma_wait3A_53 : memref<80x128xf32, #tpu.memory_space<vmem_shared>>)
      tpu.yield
    }) : () -> ()
    %add3A_12 = arith.constant 160 : i32
    %add3A_13 = arith.addi %mul3A_0, %add3A_12 : i32
    "tpu.region"() ({
      %run_scoped3A = tpu.sem_alloc : memref<!tpu.dma_semaphore, #tpu.memory_space<semaphore_mem>>
      %dma_start3A = arith.constant 0 : i32
      %dma_start3A_48 = tpu.memref_slice %arg5[%add3A_13, %dma_start3A] : memref<10240x128xf32, #tpu.memory_space<vmem_shared>> -> memref<80x128xf32, #tpu.memory_space<vmem_shared>>
      %dma_start3A_49 = arith.constant 0 : i32
      %dma_start3A_50 = tpu.memref_slice %arg5[%add3A_13, %dma_start3A_49] : memref<10240x128xf32, #tpu.memory_space<vmem_shared>> -> memref<80x128xf32, #tpu.memory_space<vmem_shared>>
      tpu.enqueue_dma source(%arg8 : memref<80x128xf32, #tpu.memory_space<vmem>>) target(%dma_start3A_50 : memref<80x128xf32, #tpu.memory_space<vmem_shared>>) target_semaphore(%run_scoped3A : memref<!tpu.dma_semaphore, #tpu.memory_space<semaphore_mem>>)
      %dma_wait3A = arith.constant 0 : i32
      %dma_wait3A_51 = tpu.memref_slice %arg5[%add3A_13, %dma_wait3A] : memref<10240x128xf32, #tpu.memory_space<vmem_shared>> -> memref<80x128xf32, #tpu.memory_space<vmem_shared>>
      %dma_wait3A_52 = arith.constant 0 : i32
      %dma_wait3A_53 = tpu.memref_slice %arg5[%add3A_13, %dma_wait3A_52] : memref<10240x128xf32, #tpu.memory_space<vmem_shared>> -> memref<80x128xf32, #tpu.memory_space<vmem_shared>>
      tpu.wait_dma2 semaphore(%run_scoped3A : memref<!tpu.dma_semaphore, #tpu.memory_space<semaphore_mem>>) src(%arg8 : memref<80x128xf32, #tpu.memory_space<vmem>>) dst(%dma_wait3A_53 : memref<80x128xf32, #tpu.memory_space<vmem_shared>>)
      tpu.yield
    }) : () -> ()
    %add3A_14 = arith.constant 240 : i32
    %add3A_15 = arith.addi %mul3A_0, %add3A_14 : i32
    "tpu.region"() ({
      %run_scoped3A = tpu.sem_alloc : memref<!tpu.dma_semaphore, #tpu.memory_space<semaphore_mem>>
      %dma_start3A = arith.constant 0 : i32
      %dma_start3A_48 = tpu.memref_slice %arg5[%add3A_15, %dma_start3A] : memref<10240x128xf32, #tpu.memory_space<vmem_shared>> -> memref<80x128xf32, #tpu.memory_space<vmem_shared>>
      %dma_start3A_49 = arith.constant 0 : i32
      %dma_start3A_50 = tpu.memref_slice %arg5[%add3A_15, %dma_start3A_49] : memref<10240x128xf32, #tpu.memory_space<vmem_shared>> -> memref<80x128xf32, #tpu.memory_space<vmem_shared>>
      tpu.enqueue_dma source(%arg8 : memref<80x128xf32, #tpu.memory_space<vmem>>) target(%dma_start3A_50 : memref<80x128xf32, #tpu.memory_space<vmem_shared>>) target_semaphore(%run_scoped3A : memref<!tpu.dma_semaphore, #tpu.memory_space<semaphore_mem>>)
      %dma_wait3A = arith.constant 0 : i32
      %dma_wait3A_51 = tpu.memref_slice %arg5[%add3A_15, %dma_wait3A] : memref<10240x128xf32, #tpu.memory_space<vmem_shared>> -> memref<80x128xf32, #tpu.memory_space<vmem_shared>>
      %dma_wait3A_52 = arith.constant 0 : i32
      %dma_wait3A_53 = tpu.memref_slice %arg5[%add3A_15, %dma_wait3A_52] : memref<10240x128xf32, #tpu.memory_space<vmem_shared>> -> memref<80x128xf32, #tpu.memory_space<vmem_shared>>
      tpu.wait_dma2 semaphore(%run_scoped3A : memref<!tpu.dma_semaphore, #tpu.memory_space<semaphore_mem>>) src(%arg8 : memref<80x128xf32, #tpu.memory_space<vmem>>) dst(%dma_wait3A_53 : memref<80x128xf32, #tpu.memory_space<vmem_shared>>)
      tpu.yield
    }) : () -> ()
    %add3A_16 = arith.constant 320 : i32
    %add3A_17 = arith.addi %mul3A_0, %add3A_16 : i32
    "tpu.region"() ({
      %run_scoped3A = tpu.sem_alloc : memref<!tpu.dma_semaphore, #tpu.memory_space<semaphore_mem>>
      %dma_start3A = arith.constant 0 : i32
      %dma_start3A_48 = tpu.memref_slice %arg5[%add3A_17, %dma_start3A] : memref<10240x128xf32, #tpu.memory_space<vmem_shared>> -> memref<80x128xf32, #tpu.memory_space<vmem_shared>>
      %dma_start3A_49 = arith.constant 0 : i32
      %dma_start3A_50 = tpu.memref_slice %arg5[%add3A_17, %dma_start3A_49] : memref<10240x128xf32, #tpu.memory_space<vmem_shared>> -> memref<80x128xf32, #tpu.memory_space<vmem_shared>>
      tpu.enqueue_dma source(%arg8 : memref<80x128xf32, #tpu.memory_space<vmem>>) target(%dma_start3A_50 : memref<80x128xf32, #tpu.memory_space<vmem_shared>>) target_semaphore(%run_scoped3A : memref<!tpu.dma_semaphore, #tpu.memory_space<semaphore_mem>>)
      %dma_wait3A = arith.constant 0 : i32
      %dma_wait3A_51 = tpu.memref_slice %arg5[%add3A_17, %dma_wait3A] : memref<10240x128xf32, #tpu.memory_space<vmem_shared>> -> memref<80x128xf32, #tpu.memory_space<vmem_shared>>
      %dma_wait3A_52 = arith.constant 0 : i32
      %dma_wait3A_53 = tpu.memref_slice %arg5[%add3A_17, %dma_wait3A_52] : memref<10240x128xf32, #tpu.memory_space<vmem_shared>> -> memref<80x128xf32, #tpu.memory_space<vmem_shared>>
      tpu.wait_dma2 semaphore(%run_scoped3A : memref<!tpu.dma_semaphore, #tpu.memory_space<semaphore_mem>>) src(%arg8 : memref<80x128xf32, #tpu.memory_space<vmem>>) dst(%dma_wait3A_53 : memref<80x128xf32, #tpu.memory_space<vmem_shared>>)
      tpu.yield
    }) : () -> ()
    %add3A_18 = arith.constant 400 : i32
    %add3A_19 = arith.addi %mul3A_0, %add3A_18 : i32
    "tpu.region"() ({
      %run_scoped3A = tpu.sem_alloc : memref<!tpu.dma_semaphore, #tpu.memory_space<semaphore_mem>>
      %dma_start3A = arith.constant 0 : i32
      %dma_start3A_48 = tpu.memref_slice %arg5[%add3A_19, %dma_start3A] : memref<10240x128xf32, #tpu.memory_space<vmem_shared>> -> memref<80x128xf32, #tpu.memory_space<vmem_shared>>
      %dma_start3A_49 = arith.constant 0 : i32
      %dma_start3A_50 = tpu.memref_slice %arg5[%add3A_19, %dma_start3A_49] : memref<10240x128xf32, #tpu.memory_space<vmem_shared>> -> memref<80x128xf32, #tpu.memory_space<vmem_shared>>
      tpu.enqueue_dma source(%arg8 : memref<80x128xf32, #tpu.memory_space<vmem>>) target(%dma_start3A_50 : memref<80x128xf32, #tpu.memory_space<vmem_shared>>) target_semaphore(%run_scoped3A : memref<!tpu.dma_semaphore, #tpu.memory_space<semaphore_mem>>)
      %dma_wait3A = arith.constant 0 : i32
      %dma_wait3A_51 = tpu.memref_slice %arg5[%add3A_19, %dma_wait3A] : memref<10240x128xf32, #tpu.memory_space<vmem_shared>> -> memref<80x128xf32, #tpu.memory_space<vmem_shared>>
      %dma_wait3A_52 = arith.constant 0 : i32
      %dma_wait3A_53 = tpu.memref_slice %arg5[%add3A_19, %dma_wait3A_52] : memref<10240x128xf32, #tpu.memory_space<vmem_shared>> -> memref<80x128xf32, #tpu.memory_space<vmem_shared>>
      tpu.wait_dma2 semaphore(%run_scoped3A : memref<!tpu.dma_semaphore, #tpu.memory_space<semaphore_mem>>) src(%arg8 : memref<80x128xf32, #tpu.memory_space<vmem>>) dst(%dma_wait3A_53 : memref<80x128xf32, #tpu.memory_space<vmem_shared>>)
      tpu.yield
    }) : () -> ()
    %add3A_20 = arith.constant 480 : i32
    %add3A_21 = arith.addi %mul3A_0, %add3A_20 : i32
    "tpu.region"() ({
      %run_scoped3A = tpu.sem_alloc : memref<!tpu.dma_semaphore, #tpu.memory_space<semaphore_mem>>
      %dma_start3A = arith.constant 0 : i32
      %dma_start3A_48 = tpu.memref_slice %arg5[%add3A_21, %dma_start3A] : memref<10240x128xf32, #tpu.memory_space<vmem_shared>> -> memref<80x128xf32, #tpu.memory_space<vmem_shared>>
      %dma_start3A_49 = arith.constant 0 : i32
      %dma_start3A_50 = tpu.memref_slice %arg5[%add3A_21, %dma_start3A_49] : memref<10240x128xf32, #tpu.memory_space<vmem_shared>> -> memref<80x128xf32, #tpu.memory_space<vmem_shared>>
      tpu.enqueue_dma source(%arg8 : memref<80x128xf32, #tpu.memory_space<vmem>>) target(%dma_start3A_50 : memref<80x128xf32, #tpu.memory_space<vmem_shared>>) target_semaphore(%run_scoped3A : memref<!tpu.dma_semaphore, #tpu.memory_space<semaphore_mem>>)
      %dma_wait3A = arith.constant 0 : i32
      %dma_wait3A_51 = tpu.memref_slice %arg5[%add3A_21, %dma_wait3A] : memref<10240x128xf32, #tpu.memory_space<vmem_shared>> -> memref<80x128xf32, #tpu.memory_space<vmem_shared>>
      %dma_wait3A_52 = arith.constant 0 : i32
      %dma_wait3A_53 = tpu.memref_slice %arg5[%add3A_21, %dma_wait3A_52] : memref<10240x128xf32, #tpu.memory_space<vmem_shared>> -> memref<80x128xf32, #tpu.memory_space<vmem_shared>>
      tpu.wait_dma2 semaphore(%run_scoped3A : memref<!tpu.dma_semaphore, #tpu.memory_space<semaphore_mem>>) src(%arg8 : memref<80x128xf32, #tpu.memory_space<vmem>>) dst(%dma_wait3A_53 : memref<80x128xf32, #tpu.memory_space<vmem_shared>>)
      tpu.yield
    }) : () -> ()
    %add3A_22 = arith.constant 560 : i32
    %add3A_23 = arith.addi %mul3A_0, %add3A_22 : i32
    "tpu.region"() ({
      %run_scoped3A = tpu.sem_alloc : memref<!tpu.dma_semaphore, #tpu.memory_space<semaphore_mem>>
      %dma_start3A = arith.constant 0 : i32
      %dma_start3A_48 = tpu.memref_slice %arg5[%add3A_23, %dma_start3A] : memref<10240x128xf32, #tpu.memory_space<vmem_shared>> -> memref<80x128xf32, #tpu.memory_space<vmem_shared>>
      %dma_start3A_49 = arith.constant 0 : i32
      %dma_start3A_50 = tpu.memref_slice %arg5[%add3A_23, %dma_start3A_49] : memref<10240x128xf32, #tpu.memory_space<vmem_shared>> -> memref<80x128xf32, #tpu.memory_space<vmem_shared>>
      tpu.enqueue_dma source(%arg8 : memref<80x128xf32, #tpu.memory_space<vmem>>) target(%dma_start3A_50 : memref<80x128xf32, #tpu.memory_space<vmem_shared>>) target_semaphore(%run_scoped3A : memref<!tpu.dma_semaphore, #tpu.memory_space<semaphore_mem>>)
      %dma_wait3A = arith.constant 0 : i32
      %dma_wait3A_51 = tpu.memref_slice %arg5[%add3A_23, %dma_wait3A] : memref<10240x128xf32, #tpu.memory_space<vmem_shared>> -> memref<80x128xf32, #tpu.memory_space<vmem_shared>>
      %dma_wait3A_52 = arith.constant 0 : i32
      %dma_wait3A_53 = tpu.memref_slice %arg5[%add3A_23, %dma_wait3A_52] : memref<10240x128xf32, #tpu.memory_space<vmem_shared>> -> memref<80x128xf32, #tpu.memory_space<vmem_shared>>
      tpu.wait_dma2 semaphore(%run_scoped3A : memref<!tpu.dma_semaphore, #tpu.memory_space<semaphore_mem>>) src(%arg8 : memref<80x128xf32, #tpu.memory_space<vmem>>) dst(%dma_wait3A_53 : memref<80x128xf32, #tpu.memory_space<vmem_shared>>)
      tpu.yield
    }) : () -> ()
    %barrier3A = arith.constant 0 : index
    tpu.barrier barrier_id(%barrier3A)
    %scan3A_24 = arith.constant 0 : i32
    %scan3A_25 = arith.constant 0 : i32
    %scan3A_26 = arith.constant 125 : i32
    %scan3A_27 = arith.addi %scan3A_25, %scan3A_26 : i32
    %scan3A_28 = arith.constant 1 : i32
    %scan3A_29 = scf.for %scan3A_48 = %scan3A_25 to %scan3A_27 step %scan3A_28 iter_args(%scan3A_49 = %scan3A_24) -> (i32)  : i32 {
      %mul3A_50 = arith.constant 20000 : i32
      %mul3A_51 = arith.muli %arg1, %mul3A_50 : i32
      %mul3A_52 = arith.constant 2 : i32
      %mul3A_53 = arith.muli %mul3A_52, %scan3A_48 : i32
      %mul3A_54 = arith.constant 80 : i32
      %mul3A_55 = arith.muli %mul3A_53, %mul3A_54 : i32
      %add3A_56 = arith.addi %mul3A_51, %mul3A_55 : i32
      %add3A_57 = arith.constant 80 : i32
      %add3A_58 = arith.addi %add3A_56, %add3A_57 : i32
      %run_scoped3A = arith.constant 0 : i32
      "tpu.region"() ({
        %run_scoped3A_95 = tpu.sem_alloc : memref<!tpu.dma_semaphore, #tpu.memory_space<semaphore_mem>>
        %dma_start3A_96 = arith.constant 0 : i32
        %dma_start3A_97 = tpu.memref_slice %arg6[%run_scoped3A, %dma_start3A_96] : memref<1x80xi32, #tpu.memory_space<vmem>> -> memref<1x80xi32, #tpu.memory_space<vmem>>
        %dma_start3A_98 = tpu.memref_squeeze %dma_start3A_97 : memref<1x80xi32, #tpu.memory_space<vmem>> -> memref<80xi32, #tpu.memory_space<vmem>>
        %dma_start3A_99 = tpu.memref_slice %arg2[%add3A_56] : memref<320000xi32, #tpu.memory_space<hbm>> -> memref<80xi32, #tpu.memory_space<hbm>>
        %dma_start3A_100 = arith.constant 0 : i32
        %dma_start3A_101 = tpu.memref_slice %arg6[%run_scoped3A, %dma_start3A_100] : memref<1x80xi32, #tpu.memory_space<vmem>> -> memref<1x80xi32, #tpu.memory_space<vmem>>
        %dma_start3A_102 = tpu.memref_squeeze %dma_start3A_101 : memref<1x80xi32, #tpu.memory_space<vmem>> -> memref<80xi32, #tpu.memory_space<vmem>>
        %dma_start3A_103 = tpu.memref_slice %arg2[%add3A_56] : memref<320000xi32, #tpu.memory_space<hbm>> -> memref<80xi32, #tpu.memory_space<hbm>>
        tpu.enqueue_dma source(%dma_start3A_103 : memref<80xi32, #tpu.memory_space<hbm>>) target(%dma_start3A_102 : memref<80xi32, #tpu.memory_space<vmem>>) target_semaphore(%run_scoped3A_95 : memref<!tpu.dma_semaphore, #tpu.memory_space<semaphore_mem>>)
        %dma_wait3A_104 = arith.constant 0 : i32
        %dma_wait3A_105 = tpu.memref_slice %arg6[%run_scoped3A, %dma_wait3A_104] : memref<1x80xi32, #tpu.memory_space<vmem>> -> memref<1x80xi32, #tpu.memory_space<vmem>>
        %dma_wait3A_106 = tpu.memref_squeeze %dma_wait3A_105 : memref<1x80xi32, #tpu.memory_space<vmem>> -> memref<80xi32, #tpu.memory_space<vmem>>
        %dma_wait3A_107 = tpu.memref_slice %arg2[%add3A_56] : memref<320000xi32, #tpu.memory_space<hbm>> -> memref<80xi32, #tpu.memory_space<hbm>>
        %dma_wait3A_108 = arith.constant 0 : i32
        %dma_wait3A_109 = tpu.memref_slice %arg6[%run_scoped3A, %dma_wait3A_108] : memref<1x80xi32, #tpu.memory_space<vmem>> -> memref<1x80xi32, #tpu.memory_space<vmem>>
        %dma_wait3A_110 = tpu.memref_squeeze %dma_wait3A_109 : memref<1x80xi32, #tpu.memory_space<vmem>> -> memref<80xi32, #tpu.memory_space<vmem>>
        %dma_wait3A_111 = tpu.memref_slice %arg2[%add3A_56] : memref<320000xi32, #tpu.memory_space<hbm>> -> memref<80xi32, #tpu.memory_space<hbm>>
        tpu.wait_dma2 semaphore(%run_scoped3A_95 : memref<!tpu.dma_semaphore, #tpu.memory_space<semaphore_mem>>) src(%dma_wait3A_111 : memref<80xi32, #tpu.memory_space<hbm>>) dst(%dma_wait3A_110 : memref<80xi32, #tpu.memory_space<vmem>>)
        tpu.yield
      }) : () -> ()
      %dma_start3A = tpu.memref_slice %arg3[%add3A_56, %multiple_of3A] : memref<320000x256xf32, #tpu.memory_space<hbm>> -> memref<80x128xf32, #tpu.memory_space<hbm>>
      %dma_start3A_59 = tpu.memref_slice %arg3[%add3A_56, %multiple_of3A] : memref<320000x256xf32, #tpu.memory_space<hbm>> -> memref<80x128xf32, #tpu.memory_space<hbm>>
      tpu.enqueue_dma source(%dma_start3A_59 : memref<80x128xf32, #tpu.memory_space<hbm>>) target(%arg8 : memref<80x128xf32, #tpu.memory_space<vmem>>) target_semaphore(%arg10 : memref<!tpu.dma_semaphore, #tpu.memory_space<semaphore_mem>>)
      %run_scoped3A_60 = arith.constant 0 : i32
      "tpu.region"() ({
        %run_scoped3A_95 = tpu.sem_alloc : memref<!tpu.dma_semaphore, #tpu.memory_space<semaphore_mem>>
        %dma_start3A_96 = arith.constant 0 : i32
        %dma_start3A_97 = tpu.memref_slice %arg7[%run_scoped3A_60, %dma_start3A_96] : memref<1x80xi32, #tpu.memory_space<vmem>> -> memref<1x80xi32, #tpu.memory_space<vmem>>
        %dma_start3A_98 = tpu.memref_squeeze %dma_start3A_97 : memref<1x80xi32, #tpu.memory_space<vmem>> -> memref<80xi32, #tpu.memory_space<vmem>>
        %dma_start3A_99 = tpu.memref_slice %arg2[%add3A_58] : memref<320000xi32, #tpu.memory_space<hbm>> -> memref<80xi32, #tpu.memory_space<hbm>>
        %dma_start3A_100 = arith.constant 0 : i32
        %dma_start3A_101 = tpu.memref_slice %arg7[%run_scoped3A_60, %dma_start3A_100] : memref<1x80xi32, #tpu.memory_space<vmem>> -> memref<1x80xi32, #tpu.memory_space<vmem>>
        %dma_start3A_102 = tpu.memref_squeeze %dma_start3A_101 : memref<1x80xi32, #tpu.memory_space<vmem>> -> memref<80xi32, #tpu.memory_space<vmem>>
        %dma_start3A_103 = tpu.memref_slice %arg2[%add3A_58] : memref<320000xi32, #tpu.memory_space<hbm>> -> memref<80xi32, #tpu.memory_space<hbm>>
        tpu.enqueue_dma source(%dma_start3A_103 : memref<80xi32, #tpu.memory_space<hbm>>) target(%dma_start3A_102 : memref<80xi32, #tpu.memory_space<vmem>>) target_semaphore(%run_scoped3A_95 : memref<!tpu.dma_semaphore, #tpu.memory_space<semaphore_mem>>)
        %dma_wait3A_104 = arith.constant 0 : i32
        %dma_wait3A_105 = tpu.memref_slice %arg7[%run_scoped3A_60, %dma_wait3A_104] : memref<1x80xi32, #tpu.memory_space<vmem>> -> memref<1x80xi32, #tpu.memory_space<vmem>>
        %dma_wait3A_106 = tpu.memref_squeeze %dma_wait3A_105 : memref<1x80xi32, #tpu.memory_space<vmem>> -> memref<80xi32, #tpu.memory_space<vmem>>
        %dma_wait3A_107 = tpu.memref_slice %arg2[%add3A_58] : memref<320000xi32, #tpu.memory_space<hbm>> -> memref<80xi32, #tpu.memory_space<hbm>>
        %dma_wait3A_108 = arith.constant 0 : i32
        %dma_wait3A_109 = tpu.memref_slice %arg7[%run_scoped3A_60, %dma_wait3A_108] : memref<1x80xi32, #tpu.memory_space<vmem>> -> memref<1x80xi32, #tpu.memory_space<vmem>>
        %dma_wait3A_110 = tpu.memref_squeeze %dma_wait3A_109 : memref<1x80xi32, #tpu.memory_space<vmem>> -> memref<80xi32, #tpu.memory_space<vmem>>
        %dma_wait3A_111 = tpu.memref_slice %arg2[%add3A_58] : memref<320000xi32, #tpu.memory_space<hbm>> -> memref<80xi32, #tpu.memory_space<hbm>>
        tpu.wait_dma2 semaphore(%run_scoped3A_95 : memref<!tpu.dma_semaphore, #tpu.memory_space<semaphore_mem>>) src(%dma_wait3A_111 : memref<80xi32, #tpu.memory_space<hbm>>) dst(%dma_wait3A_110 : memref<80xi32, #tpu.memory_space<vmem>>)
        tpu.yield
      }) : () -> ()
      %dma_start3A_61 = tpu.memref_slice %arg3[%add3A_58, %multiple_of3A] : memref<320000x256xf32, #tpu.memory_space<hbm>> -> memref<80x128xf32, #tpu.memory_space<hbm>>
      %dma_start3A_62 = tpu.memref_slice %arg3[%add3A_58, %multiple_of3A] : memref<320000x256xf32, #tpu.memory_space<hbm>> -> memref<80x128xf32, #tpu.memory_space<hbm>>
      tpu.enqueue_dma source(%dma_start3A_62 : memref<80x128xf32, #tpu.memory_space<hbm>>) target(%arg9 : memref<80x128xf32, #tpu.memory_space<vmem>>) target_semaphore(%arg11 : memref<!tpu.dma_semaphore, #tpu.memory_space<semaphore_mem>>)
      %dma_wait3A = tpu.memref_slice %arg3[%add3A_56, %multiple_of3A] : memref<320000x256xf32, #tpu.memory_space<hbm>> -> memref<80x128xf32, #tpu.memory_space<hbm>>
      %dma_wait3A_63 = tpu.memref_slice %arg3[%add3A_56, %multiple_of3A] : memref<320000x256xf32, #tpu.memory_space<hbm>> -> memref<80x128xf32, #tpu.memory_space<hbm>>
      tpu.wait_dma2 semaphore(%arg10 : memref<!tpu.dma_semaphore, #tpu.memory_space<semaphore_mem>>) src(%dma_wait3A_63 : memref<80x128xf32, #tpu.memory_space<hbm>>) dst(%arg8 : memref<80x128xf32, #tpu.memory_space<vmem>>)
      %dma_start3A_64 = arith.constant 0 : i32
      %dma_start3A_65 = arith.constant 0 : i32
      %dma_start3A_66 = tpu.memref_slice %arg6[%dma_start3A_64, %dma_start3A_65] : memref<1x80xi32, #tpu.memory_space<vmem>> -> memref<1x80xi32, #tpu.memory_space<vmem>>
      %dma_start3A_67 = tpu.memref_squeeze %dma_start3A_66 : memref<1x80xi32, #tpu.memory_space<vmem>> -> memref<80xi32, #tpu.memory_space<vmem>>
      %dma_start3A_68 = arith.constant 0 : i32
      %dma_start3A_69 = arith.constant 0 : i32
      %dma_start3A_70 = tpu.memref_slice %arg5[%dma_start3A_68, %dma_start3A_69] : memref<10240x128xf32, #tpu.memory_space<vmem_shared>> -> memref<10240x128xf32, #tpu.memory_space<vmem_shared>>
      tpu.enqueue_indirect_dma source(%arg8 : memref<80x128xf32, #tpu.memory_space<vmem>>) target(%dma_start3A_70 : memref<10240x128xf32, #tpu.memory_space<vmem_shared>>) offsets(%dma_start3A_67 : memref<80xi32, #tpu.memory_space<vmem>>) semaphore(%arg12 : memref<!tpu.dma_semaphore, #tpu.memory_space<semaphore_mem>>) {add = true}
      %dma_wait3A_71 = tpu.memref_slice %arg3[%add3A_58, %multiple_of3A] : memref<320000x256xf32, #tpu.memory_space<hbm>> -> memref<80x128xf32, #tpu.memory_space<hbm>>
      %dma_wait3A_72 = tpu.memref_slice %arg3[%add3A_58, %multiple_of3A] : memref<320000x256xf32, #tpu.memory_space<hbm>> -> memref<80x128xf32, #tpu.memory_space<hbm>>
      tpu.wait_dma2 semaphore(%arg11 : memref<!tpu.dma_semaphore, #tpu.memory_space<semaphore_mem>>) src(%dma_wait3A_72 : memref<80x128xf32, #tpu.memory_space<hbm>>) dst(%arg9 : memref<80x128xf32, #tpu.memory_space<vmem>>)
      %dma_start3A_73 = arith.constant 0 : i32
      %dma_start3A_74 = arith.constant 0 : i32
      %dma_start3A_75 = tpu.memref_slice %arg7[%dma_start3A_73, %dma_start3A_74] : memref<1x80xi32, #tpu.memory_space<vmem>> -> memref<1x80xi32, #tpu.memory_space<vmem>>
      %dma_start3A_76 = tpu.memref_squeeze %dma_start3A_75 : memref<1x80xi32, #tpu.memory_space<vmem>> -> memref<80xi32, #tpu.memory_space<vmem>>
      %dma_start3A_77 = arith.constant 0 : i32
      %dma_start3A_78 = arith.constant 0 : i32
      %dma_start3A_79 = tpu.memref_slice %arg5[%dma_start3A_77, %dma_start3A_78] : memref<10240x128xf32, #tpu.memory_space<vmem_shared>> -> memref<10240x128xf32, #tpu.memory_space<vmem_shared>>
      tpu.enqueue_indirect_dma source(%arg9 : memref<80x128xf32, #tpu.memory_space<vmem>>) target(%dma_start3A_79 : memref<10240x128xf32, #tpu.memory_space<vmem_shared>>) offsets(%dma_start3A_76 : memref<80xi32, #tpu.memory_space<vmem>>) semaphore(%arg13 : memref<!tpu.dma_semaphore, #tpu.memory_space<semaphore_mem>>) {add = true}
      %dma_wait3A_80 = arith.constant 0 : i32
      %dma_wait3A_81 = arith.constant 0 : i32
      %dma_wait3A_82 = tpu.memref_slice %arg6[%dma_wait3A_80, %dma_wait3A_81] : memref<1x80xi32, #tpu.memory_space<vmem>> -> memref<1x80xi32, #tpu.memory_space<vmem>>
      %dma_wait3A_83 = tpu.memref_squeeze %dma_wait3A_82 : memref<1x80xi32, #tpu.memory_space<vmem>> -> memref<80xi32, #tpu.memory_space<vmem>>
      %dma_wait3A_84 = arith.constant 0 : i32
      %dma_wait3A_85 = arith.constant 0 : i32
      %dma_wait3A_86 = tpu.memref_slice %arg5[%dma_wait3A_84, %dma_wait3A_85] : memref<10240x128xf32, #tpu.memory_space<vmem_shared>> -> memref<10240x128xf32, #tpu.memory_space<vmem_shared>>
      tpu.wait_indirect_dma semaphore(%arg12 : memref<!tpu.dma_semaphore, #tpu.memory_space<semaphore_mem>>) src(%arg8 : memref<80x128xf32, #tpu.memory_space<vmem>>) dst(%dma_wait3A_86 : memref<10240x128xf32, #tpu.memory_space<vmem_shared>>)
      %dma_wait3A_87 = arith.constant 0 : i32
      %dma_wait3A_88 = arith.constant 0 : i32
      %dma_wait3A_89 = tpu.memref_slice %arg7[%dma_wait3A_87, %dma_wait3A_88] : memref<1x80xi32, #tpu.memory_space<vmem>> -> memref<1x80xi32, #tpu.memory_space<vmem>>
      %dma_wait3A_90 = tpu.memref_squeeze %dma_wait3A_89 : memref<1x80xi32, #tpu.memory_space<vmem>> -> memref<80xi32, #tpu.memory_space<vmem>>
      %dma_wait3A_91 = arith.constant 0 : i32
      %dma_wait3A_92 = arith.constant 0 : i32
      %dma_wait3A_93 = tpu.memref_slice %arg5[%dma_wait3A_91, %dma_wait3A_92] : memref<10240x128xf32, #tpu.memory_space<vmem_shared>> -> memref<10240x128xf32, #tpu.memory_space<vmem_shared>>
      tpu.wait_indirect_dma semaphore(%arg13 : memref<!tpu.dma_semaphore, #tpu.memory_space<semaphore_mem>>) src(%arg9 : memref<80x128xf32, #tpu.memory_space<vmem>>) dst(%dma_wait3A_93 : memref<10240x128xf32, #tpu.memory_space<vmem_shared>>)
      %scan3A_94 = arith.constant 0 : i32
      scf.yield %scan3A_94 : i32
    }
    %scan3A_30 = arith.constant 125 : i32
    %barrier3A_31 = arith.constant 0 : index
    tpu.barrier barrier_id(%barrier3A_31)
    %add3A_32 = arith.constant 0 : i32
    %add3A_33 = arith.addi %mul3A_0, %add3A_32 : i32
    "tpu.region"() ({
      %run_scoped3A = tpu.sem_alloc : memref<!tpu.dma_semaphore, #tpu.memory_space<semaphore_mem>>
      %dma_start3A = arith.constant 0 : i32
      %dma_start3A_48 = tpu.memref_slice %arg5[%add3A_33, %dma_start3A] : memref<10240x128xf32, #tpu.memory_space<vmem_shared>> -> memref<80x128xf32, #tpu.memory_space<vmem_shared>>
      %dma_start3A_49 = arith.constant 0 : i32
      %dma_start3A_50 = tpu.memref_slice %arg5[%add3A_33, %dma_start3A_49] : memref<10240x128xf32, #tpu.memory_space<vmem_shared>> -> memref<80x128xf32, #tpu.memory_space<vmem_shared>>
      tpu.enqueue_dma source(%dma_start3A_50 : memref<80x128xf32, #tpu.memory_space<vmem_shared>>) target(%arg8 : memref<80x128xf32, #tpu.memory_space<vmem>>) target_semaphore(%run_scoped3A : memref<!tpu.dma_semaphore, #tpu.memory_space<semaphore_mem>>)
      %dma_wait3A = arith.constant 0 : i32
      %dma_wait3A_51 = tpu.memref_slice %arg5[%add3A_33, %dma_wait3A] : memref<10240x128xf32, #tpu.memory_space<vmem_shared>> -> memref<80x128xf32, #tpu.memory_space<vmem_shared>>
      %dma_wait3A_52 = arith.constant 0 : i32
      %dma_wait3A_53 = tpu.memref_slice %arg5[%add3A_33, %dma_wait3A_52] : memref<10240x128xf32, #tpu.memory_space<vmem_shared>> -> memref<80x128xf32, #tpu.memory_space<vmem_shared>>
      tpu.wait_dma2 semaphore(%run_scoped3A : memref<!tpu.dma_semaphore, #tpu.memory_space<semaphore_mem>>) src(%dma_wait3A_53 : memref<80x128xf32, #tpu.memory_space<vmem_shared>>) dst(%arg8 : memref<80x128xf32, #tpu.memory_space<vmem>>)
      tpu.yield
    }) : () -> ()
    "tpu.region"() ({
      %run_scoped3A = tpu.sem_alloc : memref<!tpu.dma_semaphore, #tpu.memory_space<semaphore_mem>>
      %dma_start3A = arith.constant 0 : i32
      %dma_start3A_48 = tpu.memref_slice %arg4[%arg0, %add3A_33, %dma_start3A] : memref<2x10240x128xf32, #tpu.memory_space<hbm>> -> memref<1x80x128xf32, #tpu.memory_space<hbm>>
      %dma_start3A_49 = tpu.memref_squeeze %dma_start3A_48 : memref<1x80x128xf32, #tpu.memory_space<hbm>> -> memref<80x128xf32, #tpu.memory_space<hbm>>
      %dma_start3A_50 = arith.constant 0 : i32
      %dma_start3A_51 = tpu.memref_slice %arg4[%arg0, %add3A_33, %dma_start3A_50] : memref<2x10240x128xf32, #tpu.memory_space<hbm>> -> memref<1x80x128xf32, #tpu.memory_space<hbm>>
      %dma_start3A_52 = tpu.memref_squeeze %dma_start3A_51 : memref<1x80x128xf32, #tpu.memory_space<hbm>> -> memref<80x128xf32, #tpu.memory_space<hbm>>
      tpu.enqueue_dma source(%arg8 : memref<80x128xf32, #tpu.memory_space<vmem>>) target(%dma_start3A_52 : memref<80x128xf32, #tpu.memory_space<hbm>>) target_semaphore(%run_scoped3A : memref<!tpu.dma_semaphore, #tpu.memory_space<semaphore_mem>>)
      %dma_wait3A = arith.constant 0 : i32
      %dma_wait3A_53 = tpu.memref_slice %arg4[%arg0, %add3A_33, %dma_wait3A] : memref<2x10240x128xf32, #tpu.memory_space<hbm>> -> memref<1x80x128xf32, #tpu.memory_space<hbm>>
      %dma_wait3A_54 = tpu.memref_squeeze %dma_wait3A_53 : memref<1x80x128xf32, #tpu.memory_space<hbm>> -> memref<80x128xf32, #tpu.memory_space<hbm>>
      %dma_wait3A_55 = arith.constant 0 : i32
      %dma_wait3A_56 = tpu.memref_slice %arg4[%arg0, %add3A_33, %dma_wait3A_55] : memref<2x10240x128xf32, #tpu.memory_space<hbm>> -> memref<1x80x128xf32, #tpu.memory_space<hbm>>
      %dma_wait3A_57 = tpu.memref_squeeze %dma_wait3A_56 : memref<1x80x128xf32, #tpu.memory_space<hbm>> -> memref<80x128xf32, #tpu.memory_space<hbm>>
      tpu.wait_dma2 semaphore(%run_scoped3A : memref<!tpu.dma_semaphore, #tpu.memory_space<semaphore_mem>>) src(%arg8 : memref<80x128xf32, #tpu.memory_space<vmem>>) dst(%dma_wait3A_57 : memref<80x128xf32, #tpu.memory_space<hbm>>)
      tpu.yield
    }) : () -> ()
    %add3A_34 = arith.constant 80 : i32
    %add3A_35 = arith.addi %mul3A_0, %add3A_34 : i32
    "tpu.region"() ({
      %run_scoped3A = tpu.sem_alloc : memref<!tpu.dma_semaphore, #tpu.memory_space<semaphore_mem>>
      %dma_start3A = arith.constant 0 : i32
      %dma_start3A_48 = tpu.memref_slice %arg5[%add3A_35, %dma_start3A] : memref<10240x128xf32, #tpu.memory_space<vmem_shared>> -> memref<80x128xf32, #tpu.memory_space<vmem_shared>>
      %dma_start3A_49 = arith.constant 0 : i32
      %dma_start3A_50 = tpu.memref_slice %arg5[%add3A_35, %dma_start3A_49] : memref<10240x128xf32, #tpu.memory_space<vmem_shared>> -> memref<80x128xf32, #tpu.memory_space<vmem_shared>>
      tpu.enqueue_dma source(%dma_start3A_50 : memref<80x128xf32, #tpu.memory_space<vmem_shared>>) target(%arg8 : memref<80x128xf32, #tpu.memory_space<vmem>>) target_semaphore(%run_scoped3A : memref<!tpu.dma_semaphore, #tpu.memory_space<semaphore_mem>>)
      %dma_wait3A = arith.constant 0 : i32
      %dma_wait3A_51 = tpu.memref_slice %arg5[%add3A_35, %dma_wait3A] : memref<10240x128xf32, #tpu.memory_space<vmem_shared>> -> memref<80x128xf32, #tpu.memory_space<vmem_shared>>
      %dma_wait3A_52 = arith.constant 0 : i32
      %dma_wait3A_53 = tpu.memref_slice %arg5[%add3A_35, %dma_wait3A_52] : memref<10240x128xf32, #tpu.memory_space<vmem_shared>> -> memref<80x128xf32, #tpu.memory_space<vmem_shared>>
      tpu.wait_dma2 semaphore(%run_scoped3A : memref<!tpu.dma_semaphore, #tpu.memory_space<semaphore_mem>>) src(%dma_wait3A_53 : memref<80x128xf32, #tpu.memory_space<vmem_shared>>) dst(%arg8 : memref<80x128xf32, #tpu.memory_space<vmem>>)
      tpu.yield
    }) : () -> ()
    "tpu.region"() ({
      %run_scoped3A = tpu.sem_alloc : memref<!tpu.dma_semaphore, #tpu.memory_space<semaphore_mem>>
      %dma_start3A = arith.constant 0 : i32
      %dma_start3A_48 = tpu.memref_slice %arg4[%arg0, %add3A_35, %dma_start3A] : memref<2x10240x128xf32, #tpu.memory_space<hbm>> -> memref<1x80x128xf32, #tpu.memory_space<hbm>>
      %dma_start3A_49 = tpu.memref_squeeze %dma_start3A_48 : memref<1x80x128xf32, #tpu.memory_space<hbm>> -> memref<80x128xf32, #tpu.memory_space<hbm>>
      %dma_start3A_50 = arith.constant 0 : i32
      %dma_start3A_51 = tpu.memref_slice %arg4[%arg0, %add3A_35, %dma_start3A_50] : memref<2x10240x128xf32, #tpu.memory_space<hbm>> -> memref<1x80x128xf32, #tpu.memory_space<hbm>>
      %dma_start3A_52 = tpu.memref_squeeze %dma_start3A_51 : memref<1x80x128xf32, #tpu.memory_space<hbm>> -> memref<80x128xf32, #tpu.memory_space<hbm>>
      tpu.enqueue_dma source(%arg8 : memref<80x128xf32, #tpu.memory_space<vmem>>) target(%dma_start3A_52 : memref<80x128xf32, #tpu.memory_space<hbm>>) target_semaphore(%run_scoped3A : memref<!tpu.dma_semaphore, #tpu.memory_space<semaphore_mem>>)
      %dma_wait3A = arith.constant 0 : i32
      %dma_wait3A_53 = tpu.memref_slice %arg4[%arg0, %add3A_35, %dma_wait3A] : memref<2x10240x128xf32, #tpu.memory_space<hbm>> -> memref<1x80x128xf32, #tpu.memory_space<hbm>>
      %dma_wait3A_54 = tpu.memref_squeeze %dma_wait3A_53 : memref<1x80x128xf32, #tpu.memory_space<hbm>> -> memref<80x128xf32, #tpu.memory_space<hbm>>
      %dma_wait3A_55 = arith.constant 0 : i32
      %dma_wait3A_56 = tpu.memref_slice %arg4[%arg0, %add3A_35, %dma_wait3A_55] : memref<2x10240x128xf32, #tpu.memory_space<hbm>> -> memref<1x80x128xf32, #tpu.memory_space<hbm>>
      %dma_wait3A_57 = tpu.memref_squeeze %dma_wait3A_56 : memref<1x80x128xf32, #tpu.memory_space<hbm>> -> memref<80x128xf32, #tpu.memory_space<hbm>>
      tpu.wait_dma2 semaphore(%run_scoped3A : memref<!tpu.dma_semaphore, #tpu.memory_space<semaphore_mem>>) src(%arg8 : memref<80x128xf32, #tpu.memory_space<vmem>>) dst(%dma_wait3A_57 : memref<80x128xf32, #tpu.memory_space<hbm>>)
      tpu.yield
    }) : () -> ()
    %add3A_36 = arith.constant 160 : i32
    %add3A_37 = arith.addi %mul3A_0, %add3A_36 : i32
    "tpu.region"() ({
      %run_scoped3A = tpu.sem_alloc : memref<!tpu.dma_semaphore, #tpu.memory_space<semaphore_mem>>
      %dma_start3A = arith.constant 0 : i32
      %dma_start3A_48 = tpu.memref_slice %arg5[%add3A_37, %dma_start3A] : memref<10240x128xf32, #tpu.memory_space<vmem_shared>> -> memref<80x128xf32, #tpu.memory_space<vmem_shared>>
      %dma_start3A_49 = arith.constant 0 : i32
      %dma_start3A_50 = tpu.memref_slice %arg5[%add3A_37, %dma_start3A_49] : memref<10240x128xf32, #tpu.memory_space<vmem_shared>> -> memref<80x128xf32, #tpu.memory_space<vmem_shared>>
      tpu.enqueue_dma source(%dma_start3A_50 : memref<80x128xf32, #tpu.memory_space<vmem_shared>>) target(%arg8 : memref<80x128xf32, #tpu.memory_space<vmem>>) target_semaphore(%run_scoped3A : memref<!tpu.dma_semaphore, #tpu.memory_space<semaphore_mem>>)
      %dma_wait3A = arith.constant 0 : i32
      %dma_wait3A_51 = tpu.memref_slice %arg5[%add3A_37, %dma_wait3A] : memref<10240x128xf32, #tpu.memory_space<vmem_shared>> -> memref<80x128xf32, #tpu.memory_space<vmem_shared>>
      %dma_wait3A_52 = arith.constant 0 : i32
      %dma_wait3A_53 = tpu.memref_slice %arg5[%add3A_37, %dma_wait3A_52] : memref<10240x128xf32, #tpu.memory_space<vmem_shared>> -> memref<80x128xf32, #tpu.memory_space<vmem_shared>>
      tpu.wait_dma2 semaphore(%run_scoped3A : memref<!tpu.dma_semaphore, #tpu.memory_space<semaphore_mem>>) src(%dma_wait3A_53 : memref<80x128xf32, #tpu.memory_space<vmem_shared>>) dst(%arg8 : memref<80x128xf32, #tpu.memory_space<vmem>>)
      tpu.yield
    }) : () -> ()
    "tpu.region"() ({
      %run_scoped3A = tpu.sem_alloc : memref<!tpu.dma_semaphore, #tpu.memory_space<semaphore_mem>>
      %dma_start3A = arith.constant 0 : i32
      %dma_start3A_48 = tpu.memref_slice %arg4[%arg0, %add3A_37, %dma_start3A] : memref<2x10240x128xf32, #tpu.memory_space<hbm>> -> memref<1x80x128xf32, #tpu.memory_space<hbm>>
      %dma_start3A_49 = tpu.memref_squeeze %dma_start3A_48 : memref<1x80x128xf32, #tpu.memory_space<hbm>> -> memref<80x128xf32, #tpu.memory_space<hbm>>
      %dma_start3A_50 = arith.constant 0 : i32
      %dma_start3A_51 = tpu.memref_slice %arg4[%arg0, %add3A_37, %dma_start3A_50] : memref<2x10240x128xf32, #tpu.memory_space<hbm>> -> memref<1x80x128xf32, #tpu.memory_space<hbm>>
      %dma_start3A_52 = tpu.memref_squeeze %dma_start3A_51 : memref<1x80x128xf32, #tpu.memory_space<hbm>> -> memref<80x128xf32, #tpu.memory_space<hbm>>
      tpu.enqueue_dma source(%arg8 : memref<80x128xf32, #tpu.memory_space<vmem>>) target(%dma_start3A_52 : memref<80x128xf32, #tpu.memory_space<hbm>>) target_semaphore(%run_scoped3A : memref<!tpu.dma_semaphore, #tpu.memory_space<semaphore_mem>>)
      %dma_wait3A = arith.constant 0 : i32
      %dma_wait3A_53 = tpu.memref_slice %arg4[%arg0, %add3A_37, %dma_wait3A] : memref<2x10240x128xf32, #tpu.memory_space<hbm>> -> memref<1x80x128xf32, #tpu.memory_space<hbm>>
      %dma_wait3A_54 = tpu.memref_squeeze %dma_wait3A_53 : memref<1x80x128xf32, #tpu.memory_space<hbm>> -> memref<80x128xf32, #tpu.memory_space<hbm>>
      %dma_wait3A_55 = arith.constant 0 : i32
      %dma_wait3A_56 = tpu.memref_slice %arg4[%arg0, %add3A_37, %dma_wait3A_55] : memref<2x10240x128xf32, #tpu.memory_space<hbm>> -> memref<1x80x128xf32, #tpu.memory_space<hbm>>
      %dma_wait3A_57 = tpu.memref_squeeze %dma_wait3A_56 : memref<1x80x128xf32, #tpu.memory_space<hbm>> -> memref<80x128xf32, #tpu.memory_space<hbm>>
      tpu.wait_dma2 semaphore(%run_scoped3A : memref<!tpu.dma_semaphore, #tpu.memory_space<semaphore_mem>>) src(%arg8 : memref<80x128xf32, #tpu.memory_space<vmem>>) dst(%dma_wait3A_57 : memref<80x128xf32, #tpu.memory_space<hbm>>)
      tpu.yield
    }) : () -> ()
    %add3A_38 = arith.constant 240 : i32
    %add3A_39 = arith.addi %mul3A_0, %add3A_38 : i32
    "tpu.region"() ({
      %run_scoped3A = tpu.sem_alloc : memref<!tpu.dma_semaphore, #tpu.memory_space<semaphore_mem>>
      %dma_start3A = arith.constant 0 : i32
      %dma_start3A_48 = tpu.memref_slice %arg5[%add3A_39, %dma_start3A] : memref<10240x128xf32, #tpu.memory_space<vmem_shared>> -> memref<80x128xf32, #tpu.memory_space<vmem_shared>>
      %dma_start3A_49 = arith.constant 0 : i32
      %dma_start3A_50 = tpu.memref_slice %arg5[%add3A_39, %dma_start3A_49] : memref<10240x128xf32, #tpu.memory_space<vmem_shared>> -> memref<80x128xf32, #tpu.memory_space<vmem_shared>>
      tpu.enqueue_dma source(%dma_start3A_50 : memref<80x128xf32, #tpu.memory_space<vmem_shared>>) target(%arg8 : memref<80x128xf32, #tpu.memory_space<vmem>>) target_semaphore(%run_scoped3A : memref<!tpu.dma_semaphore, #tpu.memory_space<semaphore_mem>>)
      %dma_wait3A = arith.constant 0 : i32
      %dma_wait3A_51 = tpu.memref_slice %arg5[%add3A_39, %dma_wait3A] : memref<10240x128xf32, #tpu.memory_space<vmem_shared>> -> memref<80x128xf32, #tpu.memory_space<vmem_shared>>
      %dma_wait3A_52 = arith.constant 0 : i32
      %dma_wait3A_53 = tpu.memref_slice %arg5[%add3A_39, %dma_wait3A_52] : memref<10240x128xf32, #tpu.memory_space<vmem_shared>> -> memref<80x128xf32, #tpu.memory_space<vmem_shared>>
      tpu.wait_dma2 semaphore(%run_scoped3A : memref<!tpu.dma_semaphore, #tpu.memory_space<semaphore_mem>>) src(%dma_wait3A_53 : memref<80x128xf32, #tpu.memory_space<vmem_shared>>) dst(%arg8 : memref<80x128xf32, #tpu.memory_space<vmem>>)
      tpu.yield
    }) : () -> ()
    "tpu.region"() ({
      %run_scoped3A = tpu.sem_alloc : memref<!tpu.dma_semaphore, #tpu.memory_space<semaphore_mem>>
      %dma_start3A = arith.constant 0 : i32
      %dma_start3A_48 = tpu.memref_slice %arg4[%arg0, %add3A_39, %dma_start3A] : memref<2x10240x128xf32, #tpu.memory_space<hbm>> -> memref<1x80x128xf32, #tpu.memory_space<hbm>>
      %dma_start3A_49 = tpu.memref_squeeze %dma_start3A_48 : memref<1x80x128xf32, #tpu.memory_space<hbm>> -> memref<80x128xf32, #tpu.memory_space<hbm>>
      %dma_start3A_50 = arith.constant 0 : i32
      %dma_start3A_51 = tpu.memref_slice %arg4[%arg0, %add3A_39, %dma_start3A_50] : memref<2x10240x128xf32, #tpu.memory_space<hbm>> -> memref<1x80x128xf32, #tpu.memory_space<hbm>>
      %dma_start3A_52 = tpu.memref_squeeze %dma_start3A_51 : memref<1x80x128xf32, #tpu.memory_space<hbm>> -> memref<80x128xf32, #tpu.memory_space<hbm>>
      tpu.enqueue_dma source(%arg8 : memref<80x128xf32, #tpu.memory_space<vmem>>) target(%dma_start3A_52 : memref<80x128xf32, #tpu.memory_space<hbm>>) target_semaphore(%run_scoped3A : memref<!tpu.dma_semaphore, #tpu.memory_space<semaphore_mem>>)
      %dma_wait3A = arith.constant 0 : i32
      %dma_wait3A_53 = tpu.memref_slice %arg4[%arg0, %add3A_39, %dma_wait3A] : memref<2x10240x128xf32, #tpu.memory_space<hbm>> -> memref<1x80x128xf32, #tpu.memory_space<hbm>>
      %dma_wait3A_54 = tpu.memref_squeeze %dma_wait3A_53 : memref<1x80x128xf32, #tpu.memory_space<hbm>> -> memref<80x128xf32, #tpu.memory_space<hbm>>
      %dma_wait3A_55 = arith.constant 0 : i32
      %dma_wait3A_56 = tpu.memref_slice %arg4[%arg0, %add3A_39, %dma_wait3A_55] : memref<2x10240x128xf32, #tpu.memory_space<hbm>> -> memref<1x80x128xf32, #tpu.memory_space<hbm>>
      %dma_wait3A_57 = tpu.memref_squeeze %dma_wait3A_56 : memref<1x80x128xf32, #tpu.memory_space<hbm>> -> memref<80x128xf32, #tpu.memory_space<hbm>>
      tpu.wait_dma2 semaphore(%run_scoped3A : memref<!tpu.dma_semaphore, #tpu.memory_space<semaphore_mem>>) src(%arg8 : memref<80x128xf32, #tpu.memory_space<vmem>>) dst(%dma_wait3A_57 : memref<80x128xf32, #tpu.memory_space<hbm>>)
      tpu.yield
    }) : () -> ()
    %add3A_40 = arith.constant 320 : i32
    %add3A_41 = arith.addi %mul3A_0, %add3A_40 : i32
    "tpu.region"() ({
      %run_scoped3A = tpu.sem_alloc : memref<!tpu.dma_semaphore, #tpu.memory_space<semaphore_mem>>
      %dma_start3A = arith.constant 0 : i32
      %dma_start3A_48 = tpu.memref_slice %arg5[%add3A_41, %dma_start3A] : memref<10240x128xf32, #tpu.memory_space<vmem_shared>> -> memref<80x128xf32, #tpu.memory_space<vmem_shared>>
      %dma_start3A_49 = arith.constant 0 : i32
      %dma_start3A_50 = tpu.memref_slice %arg5[%add3A_41, %dma_start3A_49] : memref<10240x128xf32, #tpu.memory_space<vmem_shared>> -> memref<80x128xf32, #tpu.memory_space<vmem_shared>>
      tpu.enqueue_dma source(%dma_start3A_50 : memref<80x128xf32, #tpu.memory_space<vmem_shared>>) target(%arg8 : memref<80x128xf32, #tpu.memory_space<vmem>>) target_semaphore(%run_scoped3A : memref<!tpu.dma_semaphore, #tpu.memory_space<semaphore_mem>>)
      %dma_wait3A = arith.constant 0 : i32
      %dma_wait3A_51 = tpu.memref_slice %arg5[%add3A_41, %dma_wait3A] : memref<10240x128xf32, #tpu.memory_space<vmem_shared>> -> memref<80x128xf32, #tpu.memory_space<vmem_shared>>
      %dma_wait3A_52 = arith.constant 0 : i32
      %dma_wait3A_53 = tpu.memref_slice %arg5[%add3A_41, %dma_wait3A_52] : memref<10240x128xf32, #tpu.memory_space<vmem_shared>> -> memref<80x128xf32, #tpu.memory_space<vmem_shared>>
      tpu.wait_dma2 semaphore(%run_scoped3A : memref<!tpu.dma_semaphore, #tpu.memory_space<semaphore_mem>>) src(%dma_wait3A_53 : memref<80x128xf32, #tpu.memory_space<vmem_shared>>) dst(%arg8 : memref<80x128xf32, #tpu.memory_space<vmem>>)
      tpu.yield
    }) : () -> ()
    "tpu.region"() ({
      %run_scoped3A = tpu.sem_alloc : memref<!tpu.dma_semaphore, #tpu.memory_space<semaphore_mem>>
      %dma_start3A = arith.constant 0 : i32
      %dma_start3A_48 = tpu.memref_slice %arg4[%arg0, %add3A_41, %dma_start3A] : memref<2x10240x128xf32, #tpu.memory_space<hbm>> -> memref<1x80x128xf32, #tpu.memory_space<hbm>>
      %dma_start3A_49 = tpu.memref_squeeze %dma_start3A_48 : memref<1x80x128xf32, #tpu.memory_space<hbm>> -> memref<80x128xf32, #tpu.memory_space<hbm>>
      %dma_start3A_50 = arith.constant 0 : i32
      %dma_start3A_51 = tpu.memref_slice %arg4[%arg0, %add3A_41, %dma_start3A_50] : memref<2x10240x128xf32, #tpu.memory_space<hbm>> -> memref<1x80x128xf32, #tpu.memory_space<hbm>>
      %dma_start3A_52 = tpu.memref_squeeze %dma_start3A_51 : memref<1x80x128xf32, #tpu.memory_space<hbm>> -> memref<80x128xf32, #tpu.memory_space<hbm>>
      tpu.enqueue_dma source(%arg8 : memref<80x128xf32, #tpu.memory_space<vmem>>) target(%dma_start3A_52 : memref<80x128xf32, #tpu.memory_space<hbm>>) target_semaphore(%run_scoped3A : memref<!tpu.dma_semaphore, #tpu.memory_space<semaphore_mem>>)
      %dma_wait3A = arith.constant 0 : i32
      %dma_wait3A_53 = tpu.memref_slice %arg4[%arg0, %add3A_41, %dma_wait3A] : memref<2x10240x128xf32, #tpu.memory_space<hbm>> -> memref<1x80x128xf32, #tpu.memory_space<hbm>>
      %dma_wait3A_54 = tpu.memref_squeeze %dma_wait3A_53 : memref<1x80x128xf32, #tpu.memory_space<hbm>> -> memref<80x128xf32, #tpu.memory_space<hbm>>
      %dma_wait3A_55 = arith.constant 0 : i32
      %dma_wait3A_56 = tpu.memref_slice %arg4[%arg0, %add3A_41, %dma_wait3A_55] : memref<2x10240x128xf32, #tpu.memory_space<hbm>> -> memref<1x80x128xf32, #tpu.memory_space<hbm>>
      %dma_wait3A_57 = tpu.memref_squeeze %dma_wait3A_56 : memref<1x80x128xf32, #tpu.memory_space<hbm>> -> memref<80x128xf32, #tpu.memory_space<hbm>>
      tpu.wait_dma2 semaphore(%run_scoped3A : memref<!tpu.dma_semaphore, #tpu.memory_space<semaphore_mem>>) src(%arg8 : memref<80x128xf32, #tpu.memory_space<vmem>>) dst(%dma_wait3A_57 : memref<80x128xf32, #tpu.memory_space<hbm>>)
      tpu.yield
    }) : () -> ()
    %add3A_42 = arith.constant 400 : i32
    %add3A_43 = arith.addi %mul3A_0, %add3A_42 : i32
    "tpu.region"() ({
      %run_scoped3A = tpu.sem_alloc : memref<!tpu.dma_semaphore, #tpu.memory_space<semaphore_mem>>
      %dma_start3A = arith.constant 0 : i32
      %dma_start3A_48 = tpu.memref_slice %arg5[%add3A_43, %dma_start3A] : memref<10240x128xf32, #tpu.memory_space<vmem_shared>> -> memref<80x128xf32, #tpu.memory_space<vmem_shared>>
      %dma_start3A_49 = arith.constant 0 : i32
      %dma_start3A_50 = tpu.memref_slice %arg5[%add3A_43, %dma_start3A_49] : memref<10240x128xf32, #tpu.memory_space<vmem_shared>> -> memref<80x128xf32, #tpu.memory_space<vmem_shared>>
      tpu.enqueue_dma source(%dma_start3A_50 : memref<80x128xf32, #tpu.memory_space<vmem_shared>>) target(%arg8 : memref<80x128xf32, #tpu.memory_space<vmem>>) target_semaphore(%run_scoped3A : memref<!tpu.dma_semaphore, #tpu.memory_space<semaphore_mem>>)
      %dma_wait3A = arith.constant 0 : i32
      %dma_wait3A_51 = tpu.memref_slice %arg5[%add3A_43, %dma_wait3A] : memref<10240x128xf32, #tpu.memory_space<vmem_shared>> -> memref<80x128xf32, #tpu.memory_space<vmem_shared>>
      %dma_wait3A_52 = arith.constant 0 : i32
      %dma_wait3A_53 = tpu.memref_slice %arg5[%add3A_43, %dma_wait3A_52] : memref<10240x128xf32, #tpu.memory_space<vmem_shared>> -> memref<80x128xf32, #tpu.memory_space<vmem_shared>>
      tpu.wait_dma2 semaphore(%run_scoped3A : memref<!tpu.dma_semaphore, #tpu.memory_space<semaphore_mem>>) src(%dma_wait3A_53 : memref<80x128xf32, #tpu.memory_space<vmem_shared>>) dst(%arg8 : memref<80x128xf32, #tpu.memory_space<vmem>>)
      tpu.yield
    }) : () -> ()
    "tpu.region"() ({
      %run_scoped3A = tpu.sem_alloc : memref<!tpu.dma_semaphore, #tpu.memory_space<semaphore_mem>>
      %dma_start3A = arith.constant 0 : i32
      %dma_start3A_48 = tpu.memref_slice %arg4[%arg0, %add3A_43, %dma_start3A] : memref<2x10240x128xf32, #tpu.memory_space<hbm>> -> memref<1x80x128xf32, #tpu.memory_space<hbm>>
      %dma_start3A_49 = tpu.memref_squeeze %dma_start3A_48 : memref<1x80x128xf32, #tpu.memory_space<hbm>> -> memref<80x128xf32, #tpu.memory_space<hbm>>
      %dma_start3A_50 = arith.constant 0 : i32
      %dma_start3A_51 = tpu.memref_slice %arg4[%arg0, %add3A_43, %dma_start3A_50] : memref<2x10240x128xf32, #tpu.memory_space<hbm>> -> memref<1x80x128xf32, #tpu.memory_space<hbm>>
      %dma_start3A_52 = tpu.memref_squeeze %dma_start3A_51 : memref<1x80x128xf32, #tpu.memory_space<hbm>> -> memref<80x128xf32, #tpu.memory_space<hbm>>
      tpu.enqueue_dma source(%arg8 : memref<80x128xf32, #tpu.memory_space<vmem>>) target(%dma_start3A_52 : memref<80x128xf32, #tpu.memory_space<hbm>>) target_semaphore(%run_scoped3A : memref<!tpu.dma_semaphore, #tpu.memory_space<semaphore_mem>>)
      %dma_wait3A = arith.constant 0 : i32
      %dma_wait3A_53 = tpu.memref_slice %arg4[%arg0, %add3A_43, %dma_wait3A] : memref<2x10240x128xf32, #tpu.memory_space<hbm>> -> memref<1x80x128xf32, #tpu.memory_space<hbm>>
      %dma_wait3A_54 = tpu.memref_squeeze %dma_wait3A_53 : memref<1x80x128xf32, #tpu.memory_space<hbm>> -> memref<80x128xf32, #tpu.memory_space<hbm>>
      %dma_wait3A_55 = arith.constant 0 : i32
      %dma_wait3A_56 = tpu.memref_slice %arg4[%arg0, %add3A_43, %dma_wait3A_55] : memref<2x10240x128xf32, #tpu.memory_space<hbm>> -> memref<1x80x128xf32, #tpu.memory_space<hbm>>
      %dma_wait3A_57 = tpu.memref_squeeze %dma_wait3A_56 : memref<1x80x128xf32, #tpu.memory_space<hbm>> -> memref<80x128xf32, #tpu.memory_space<hbm>>
      tpu.wait_dma2 semaphore(%run_scoped3A : memref<!tpu.dma_semaphore, #tpu.memory_space<semaphore_mem>>) src(%arg8 : memref<80x128xf32, #tpu.memory_space<vmem>>) dst(%dma_wait3A_57 : memref<80x128xf32, #tpu.memory_space<hbm>>)
      tpu.yield
    }) : () -> ()
    %add3A_44 = arith.constant 480 : i32
    %add3A_45 = arith.addi %mul3A_0, %add3A_44 : i32
    "tpu.region"() ({
      %run_scoped3A = tpu.sem_alloc : memref<!tpu.dma_semaphore, #tpu.memory_space<semaphore_mem>>
      %dma_start3A = arith.constant 0 : i32
      %dma_start3A_48 = tpu.memref_slice %arg5[%add3A_45, %dma_start3A] : memref<10240x128xf32, #tpu.memory_space<vmem_shared>> -> memref<80x128xf32, #tpu.memory_space<vmem_shared>>
      %dma_start3A_49 = arith.constant 0 : i32
      %dma_start3A_50 = tpu.memref_slice %arg5[%add3A_45, %dma_start3A_49] : memref<10240x128xf32, #tpu.memory_space<vmem_shared>> -> memref<80x128xf32, #tpu.memory_space<vmem_shared>>
      tpu.enqueue_dma source(%dma_start3A_50 : memref<80x128xf32, #tpu.memory_space<vmem_shared>>) target(%arg8 : memref<80x128xf32, #tpu.memory_space<vmem>>) target_semaphore(%run_scoped3A : memref<!tpu.dma_semaphore, #tpu.memory_space<semaphore_mem>>)
      %dma_wait3A = arith.constant 0 : i32
      %dma_wait3A_51 = tpu.memref_slice %arg5[%add3A_45, %dma_wait3A] : memref<10240x128xf32, #tpu.memory_space<vmem_shared>> -> memref<80x128xf32, #tpu.memory_space<vmem_shared>>
      %dma_wait3A_52 = arith.constant 0 : i32
      %dma_wait3A_53 = tpu.memref_slice %arg5[%add3A_45, %dma_wait3A_52] : memref<10240x128xf32, #tpu.memory_space<vmem_shared>> -> memref<80x128xf32, #tpu.memory_space<vmem_shared>>
      tpu.wait_dma2 semaphore(%run_scoped3A : memref<!tpu.dma_semaphore, #tpu.memory_space<semaphore_mem>>) src(%dma_wait3A_53 : memref<80x128xf32, #tpu.memory_space<vmem_shared>>) dst(%arg8 : memref<80x128xf32, #tpu.memory_space<vmem>>)
      tpu.yield
    }) : () -> ()
    "tpu.region"() ({
      %run_scoped3A = tpu.sem_alloc : memref<!tpu.dma_semaphore, #tpu.memory_space<semaphore_mem>>
      %dma_start3A = arith.constant 0 : i32
      %dma_start3A_48 = tpu.memref_slice %arg4[%arg0, %add3A_45, %dma_start3A] : memref<2x10240x128xf32, #tpu.memory_space<hbm>> -> memref<1x80x128xf32, #tpu.memory_space<hbm>>
      %dma_start3A_49 = tpu.memref_squeeze %dma_start3A_48 : memref<1x80x128xf32, #tpu.memory_space<hbm>> -> memref<80x128xf32, #tpu.memory_space<hbm>>
      %dma_start3A_50 = arith.constant 0 : i32
      %dma_start3A_51 = tpu.memref_slice %arg4[%arg0, %add3A_45, %dma_start3A_50] : memref<2x10240x128xf32, #tpu.memory_space<hbm>> -> memref<1x80x128xf32, #tpu.memory_space<hbm>>
      %dma_start3A_52 = tpu.memref_squeeze %dma_start3A_51 : memref<1x80x128xf32, #tpu.memory_space<hbm>> -> memref<80x128xf32, #tpu.memory_space<hbm>>
      tpu.enqueue_dma source(%arg8 : memref<80x128xf32, #tpu.memory_space<vmem>>) target(%dma_start3A_52 : memref<80x128xf32, #tpu.memory_space<hbm>>) target_semaphore(%run_scoped3A : memref<!tpu.dma_semaphore, #tpu.memory_space<semaphore_mem>>)
      %dma_wait3A = arith.constant 0 : i32
      %dma_wait3A_53 = tpu.memref_slice %arg4[%arg0, %add3A_45, %dma_wait3A] : memref<2x10240x128xf32, #tpu.memory_space<hbm>> -> memref<1x80x128xf32, #tpu.memory_space<hbm>>
      %dma_wait3A_54 = tpu.memref_squeeze %dma_wait3A_53 : memref<1x80x128xf32, #tpu.memory_space<hbm>> -> memref<80x128xf32, #tpu.memory_space<hbm>>
      %dma_wait3A_55 = arith.constant 0 : i32
      %dma_wait3A_56 = tpu.memref_slice %arg4[%arg0, %add3A_45, %dma_wait3A_55] : memref<2x10240x128xf32, #tpu.memory_space<hbm>> -> memref<1x80x128xf32, #tpu.memory_space<hbm>>
      %dma_wait3A_57 = tpu.memref_squeeze %dma_wait3A_56 : memref<1x80x128xf32, #tpu.memory_space<hbm>> -> memref<80x128xf32, #tpu.memory_space<hbm>>
      tpu.wait_dma2 semaphore(%run_scoped3A : memref<!tpu.dma_semaphore, #tpu.memory_space<semaphore_mem>>) src(%arg8 : memref<80x128xf32, #tpu.memory_space<vmem>>) dst(%dma_wait3A_57 : memref<80x128xf32, #tpu.memory_space<hbm>>)
      tpu.yield
    }) : () -> ()
    %add3A_46 = arith.constant 560 : i32
    %add3A_47 = arith.addi %mul3A_0, %add3A_46 : i32
    "tpu.region"() ({
      %run_scoped3A = tpu.sem_alloc : memref<!tpu.dma_semaphore, #tpu.memory_space<semaphore_mem>>
      %dma_start3A = arith.constant 0 : i32
      %dma_start3A_48 = tpu.memref_slice %arg5[%add3A_47, %dma_start3A] : memref<10240x128xf32, #tpu.memory_space<vmem_shared>> -> memref<80x128xf32, #tpu.memory_space<vmem_shared>>
      %dma_start3A_49 = arith.constant 0 : i32
      %dma_start3A_50 = tpu.memref_slice %arg5[%add3A_47, %dma_start3A_49] : memref<10240x128xf32, #tpu.memory_space<vmem_shared>> -> memref<80x128xf32, #tpu.memory_space<vmem_shared>>
      tpu.enqueue_dma source(%dma_start3A_50 : memref<80x128xf32, #tpu.memory_space<vmem_shared>>) target(%arg8 : memref<80x128xf32, #tpu.memory_space<vmem>>) target_semaphore(%run_scoped3A : memref<!tpu.dma_semaphore, #tpu.memory_space<semaphore_mem>>)
      %dma_wait3A = arith.constant 0 : i32
      %dma_wait3A_51 = tpu.memref_slice %arg5[%add3A_47, %dma_wait3A] : memref<10240x128xf32, #tpu.memory_space<vmem_shared>> -> memref<80x128xf32, #tpu.memory_space<vmem_shared>>
      %dma_wait3A_52 = arith.constant 0 : i32
      %dma_wait3A_53 = tpu.memref_slice %arg5[%add3A_47, %dma_wait3A_52] : memref<10240x128xf32, #tpu.memory_space<vmem_shared>> -> memref<80x128xf32, #tpu.memory_space<vmem_shared>>
      tpu.wait_dma2 semaphore(%run_scoped3A : memref<!tpu.dma_semaphore, #tpu.memory_space<semaphore_mem>>) src(%dma_wait3A_53 : memref<80x128xf32, #tpu.memory_space<vmem_shared>>) dst(%arg8 : memref<80x128xf32, #tpu.memory_space<vmem>>)
      tpu.yield
    }) : () -> ()
    "tpu.region"() ({
      %run_scoped3A = tpu.sem_alloc : memref<!tpu.dma_semaphore, #tpu.memory_space<semaphore_mem>>
      %dma_start3A = arith.constant 0 : i32
      %dma_start3A_48 = tpu.memref_slice %arg4[%arg0, %add3A_47, %dma_start3A] : memref<2x10240x128xf32, #tpu.memory_space<hbm>> -> memref<1x80x128xf32, #tpu.memory_space<hbm>>
      %dma_start3A_49 = tpu.memref_squeeze %dma_start3A_48 : memref<1x80x128xf32, #tpu.memory_space<hbm>> -> memref<80x128xf32, #tpu.memory_space<hbm>>
      %dma_start3A_50 = arith.constant 0 : i32
      %dma_start3A_51 = tpu.memref_slice %arg4[%arg0, %add3A_47, %dma_start3A_50] : memref<2x10240x128xf32, #tpu.memory_space<hbm>> -> memref<1x80x128xf32, #tpu.memory_space<hbm>>
      %dma_start3A_52 = tpu.memref_squeeze %dma_start3A_51 : memref<1x80x128xf32, #tpu.memory_space<hbm>> -> memref<80x128xf32, #tpu.memory_space<hbm>>
      tpu.enqueue_dma source(%arg8 : memref<80x128xf32, #tpu.memory_space<vmem>>) target(%dma_start3A_52 : memref<80x128xf32, #tpu.memory_space<hbm>>) target_semaphore(%run_scoped3A : memref<!tpu.dma_semaphore, #tpu.memory_space<semaphore_mem>>)
      %dma_wait3A = arith.constant 0 : i32
      %dma_wait3A_53 = tpu.memref_slice %arg4[%arg0, %add3A_47, %dma_wait3A] : memref<2x10240x128xf32, #tpu.memory_space<hbm>> -> memref<1x80x128xf32, #tpu.memory_space<hbm>>
      %dma_wait3A_54 = tpu.memref_squeeze %dma_wait3A_53 : memref<1x80x128xf32, #tpu.memory_space<hbm>> -> memref<80x128xf32, #tpu.memory_space<hbm>>
      %dma_wait3A_55 = arith.constant 0 : i32
      %dma_wait3A_56 = tpu.memref_slice %arg4[%arg0, %add3A_47, %dma_wait3A_55] : memref<2x10240x128xf32, #tpu.memory_space<hbm>> -> memref<1x80x128xf32, #tpu.memory_space<hbm>>
      %dma_wait3A_57 = tpu.memref_squeeze %dma_wait3A_56 : memref<1x80x128xf32, #tpu.memory_space<hbm>> -> memref<80x128xf32, #tpu.memory_space<hbm>>
      tpu.wait_dma2 semaphore(%run_scoped3A : memref<!tpu.dma_semaphore, #tpu.memory_space<semaphore_mem>>) src(%arg8 : memref<80x128xf32, #tpu.memory_space<vmem>>) dst(%dma_wait3A_57 : memref<80x128xf32, #tpu.memory_space<hbm>>)
      tpu.yield
    }) : () -> ()
    return
  }
}

#map = affine_map<(d0, d1) -> (0)>
#map1 = affine_map<(d0, d1) -> (0, 0)>
module attributes {stable_mosaic.version = 14 : i64} {
  func.func @_sc_gather(%arg0: i32, %arg1: i32, %arg2: memref<320000xi32, #tpu.memory_space<hbm>>, %arg3: memref<320000xi32, #tpu.memory_space<hbm>>, %arg4: memref<10000x128xf32, #tpu.memory_space<hbm>>, %arg5: memref<10000x128xi32, #tpu.memory_space<hbm>>, %arg6: memref<320000x128xf32, #tpu.memory_space<hbm>>, %arg7: memref<320000x128xi32, #tpu.memory_space<hbm>>, %arg8: memref<80xi32, #tpu.memory_space<vmem>>, %arg9: memref<80xi32, #tpu.memory_space<vmem>>, %arg10: memref<80xi32, #tpu.memory_space<vmem>>, %arg11: memref<80xi32, #tpu.memory_space<vmem>>, %arg12: memref<80x128xf32, #tpu.memory_space<vmem>>, %arg13: memref<80x128xi32, #tpu.memory_space<vmem>>, %arg14: memref<80x128xf32, #tpu.memory_space<vmem>>, %arg15: memref<80x128xi32, #tpu.memory_space<vmem>>, %arg16: memref<!tpu.dma_semaphore, #tpu.memory_space<semaphore_mem>>, %arg17: memref<!tpu.dma_semaphore, #tpu.memory_space<semaphore_mem>>, %arg18: memref<!tpu.dma_semaphore, #tpu.memory_space<semaphore_mem>>, %arg19: memref<!tpu.dma_semaphore, #tpu.memory_space<semaphore_mem>>) attributes {dimension_semantics = [#tpu.dimension_semantics<core_parallel>, #tpu.dimension_semantics<subcore_parallel>], iteration_bounds = array<i64: 2, 16>, scalar_prefetch = 0 : i64, scratch_operands = 12 : i64, tpu.core_type = #tpu.core_type<sc_vector_subcore>, window_params = [{transform_indices = #map}, {transform_indices = #map}, {transform_indices = #map1}, {transform_indices = #map1}, {transform_indices = #map1}, {transform_indices = #map1}]} {
    %mul3A = arith.constant 2 : i32
    %mul3A_0 = arith.muli %arg1, %mul3A : i32
    %add3A = arith.addi %mul3A_0, %arg0 : i32
    %mul3A_1 = arith.constant 10000 : i32
    %mul3A_2 = arith.muli %add3A, %mul3A_1 : i32
    %scan3A = arith.constant 0 : i32
    %scan3A_3 = arith.constant 0 : i32
    %scan3A_4 = arith.constant 62 : i32
    %scan3A_5 = arith.addi %scan3A_3, %scan3A_4 : i32
    %scan3A_6 = arith.constant 1 : i32
    %scan3A_7 = scf.for %scan3A_21 = %scan3A_3 to %scan3A_5 step %scan3A_6 iter_args(%scan3A_22 = %scan3A) -> (i32)  : i32 {
      %mul3A_23 = arith.constant 2 : i32
      %mul3A_24 = arith.muli %mul3A_23, %scan3A_21 : i32
      %mul3A_25 = arith.constant 80 : i32
      %mul3A_26 = arith.muli %mul3A_24, %mul3A_25 : i32
      %add3A_27 = arith.addi %mul3A_2, %mul3A_26 : i32
      %add3A_28 = arith.constant 80 : i32
      %add3A_29 = arith.addi %add3A_27, %add3A_28 : i32
      "tpu.region"() ({
        %run_scoped3A = tpu.sem_alloc : memref<!tpu.dma_semaphore, #tpu.memory_space<semaphore_mem>>
        %dma_start3A_87 = tpu.memref_slice %arg2[%add3A_27] : memref<320000xi32, #tpu.memory_space<hbm>> -> memref<80xi32, #tpu.memory_space<hbm>>
        %dma_start3A_88 = tpu.memref_slice %arg2[%add3A_27] : memref<320000xi32, #tpu.memory_space<hbm>> -> memref<80xi32, #tpu.memory_space<hbm>>
        tpu.enqueue_dma source(%dma_start3A_88 : memref<80xi32, #tpu.memory_space<hbm>>) target(%arg8 : memref<80xi32, #tpu.memory_space<vmem>>) target_semaphore(%run_scoped3A : memref<!tpu.dma_semaphore, #tpu.memory_space<semaphore_mem>>)
        %dma_wait3A_89 = tpu.memref_slice %arg2[%add3A_27] : memref<320000xi32, #tpu.memory_space<hbm>> -> memref<80xi32, #tpu.memory_space<hbm>>
        %dma_wait3A_90 = tpu.memref_slice %arg2[%add3A_27] : memref<320000xi32, #tpu.memory_space<hbm>> -> memref<80xi32, #tpu.memory_space<hbm>>
        tpu.wait_dma2 semaphore(%run_scoped3A : memref<!tpu.dma_semaphore, #tpu.memory_space<semaphore_mem>>) src(%dma_wait3A_90 : memref<80xi32, #tpu.memory_space<hbm>>) dst(%arg8 : memref<80xi32, #tpu.memory_space<vmem>>)
        tpu.yield
      }) : () -> ()
      "tpu.region"() ({
        %run_scoped3A = tpu.sem_alloc : memref<!tpu.dma_semaphore, #tpu.memory_space<semaphore_mem>>
        %dma_start3A_87 = tpu.memref_slice %arg3[%add3A_27] : memref<320000xi32, #tpu.memory_space<hbm>> -> memref<80xi32, #tpu.memory_space<hbm>>
        %dma_start3A_88 = tpu.memref_slice %arg3[%add3A_27] : memref<320000xi32, #tpu.memory_space<hbm>> -> memref<80xi32, #tpu.memory_space<hbm>>
        tpu.enqueue_dma source(%dma_start3A_88 : memref<80xi32, #tpu.memory_space<hbm>>) target(%arg9 : memref<80xi32, #tpu.memory_space<vmem>>) target_semaphore(%run_scoped3A : memref<!tpu.dma_semaphore, #tpu.memory_space<semaphore_mem>>)
        %dma_wait3A_89 = tpu.memref_slice %arg3[%add3A_27] : memref<320000xi32, #tpu.memory_space<hbm>> -> memref<80xi32, #tpu.memory_space<hbm>>
        %dma_wait3A_90 = tpu.memref_slice %arg3[%add3A_27] : memref<320000xi32, #tpu.memory_space<hbm>> -> memref<80xi32, #tpu.memory_space<hbm>>
        tpu.wait_dma2 semaphore(%run_scoped3A : memref<!tpu.dma_semaphore, #tpu.memory_space<semaphore_mem>>) src(%dma_wait3A_90 : memref<80xi32, #tpu.memory_space<hbm>>) dst(%arg9 : memref<80xi32, #tpu.memory_space<vmem>>)
        tpu.yield
      }) : () -> ()
      %dma_start3A_30 = arith.constant 0 : i32
      %dma_start3A_31 = arith.constant 0 : i32
      %dma_start3A_32 = tpu.memref_slice %arg5[%dma_start3A_30, %dma_start3A_31] : memref<10000x128xi32, #tpu.memory_space<hbm>> -> memref<10000x128xi32, #tpu.memory_space<hbm>>
      tpu.enqueue_indirect_dma source(%dma_start3A_32 : memref<10000x128xi32, #tpu.memory_space<hbm>>) target(%arg13 : memref<80x128xi32, #tpu.memory_space<vmem>>) offsets(%arg8 : memref<80xi32, #tpu.memory_space<vmem>>) semaphore(%arg16 : memref<!tpu.dma_semaphore, #tpu.memory_space<semaphore_mem>>)
      %dma_start3A_33 = arith.constant 0 : i32
      %dma_start3A_34 = arith.constant 0 : i32
      %dma_start3A_35 = tpu.memref_slice %arg4[%dma_start3A_33, %dma_start3A_34] : memref<10000x128xf32, #tpu.memory_space<hbm>> -> memref<10000x128xf32, #tpu.memory_space<hbm>>
      tpu.enqueue_indirect_dma source(%dma_start3A_35 : memref<10000x128xf32, #tpu.memory_space<hbm>>) target(%arg12 : memref<80x128xf32, #tpu.memory_space<vmem>>) offsets(%arg9 : memref<80xi32, #tpu.memory_space<vmem>>) semaphore(%arg16 : memref<!tpu.dma_semaphore, #tpu.memory_space<semaphore_mem>>)
      "tpu.region"() ({
        %run_scoped3A = tpu.sem_alloc : memref<!tpu.dma_semaphore, #tpu.memory_space<semaphore_mem>>
        %dma_start3A_87 = tpu.memref_slice %arg2[%add3A_29] : memref<320000xi32, #tpu.memory_space<hbm>> -> memref<80xi32, #tpu.memory_space<hbm>>
        %dma_start3A_88 = tpu.memref_slice %arg2[%add3A_29] : memref<320000xi32, #tpu.memory_space<hbm>> -> memref<80xi32, #tpu.memory_space<hbm>>
        tpu.enqueue_dma source(%dma_start3A_88 : memref<80xi32, #tpu.memory_space<hbm>>) target(%arg10 : memref<80xi32, #tpu.memory_space<vmem>>) target_semaphore(%run_scoped3A : memref<!tpu.dma_semaphore, #tpu.memory_space<semaphore_mem>>)
        %dma_wait3A_89 = tpu.memref_slice %arg2[%add3A_29] : memref<320000xi32, #tpu.memory_space<hbm>> -> memref<80xi32, #tpu.memory_space<hbm>>
        %dma_wait3A_90 = tpu.memref_slice %arg2[%add3A_29] : memref<320000xi32, #tpu.memory_space<hbm>> -> memref<80xi32, #tpu.memory_space<hbm>>
        tpu.wait_dma2 semaphore(%run_scoped3A : memref<!tpu.dma_semaphore, #tpu.memory_space<semaphore_mem>>) src(%dma_wait3A_90 : memref<80xi32, #tpu.memory_space<hbm>>) dst(%arg10 : memref<80xi32, #tpu.memory_space<vmem>>)
        tpu.yield
      }) : () -> ()
      "tpu.region"() ({
        %run_scoped3A = tpu.sem_alloc : memref<!tpu.dma_semaphore, #tpu.memory_space<semaphore_mem>>
        %dma_start3A_87 = tpu.memref_slice %arg3[%add3A_29] : memref<320000xi32, #tpu.memory_space<hbm>> -> memref<80xi32, #tpu.memory_space<hbm>>
        %dma_start3A_88 = tpu.memref_slice %arg3[%add3A_29] : memref<320000xi32, #tpu.memory_space<hbm>> -> memref<80xi32, #tpu.memory_space<hbm>>
        tpu.enqueue_dma source(%dma_start3A_88 : memref<80xi32, #tpu.memory_space<hbm>>) target(%arg11 : memref<80xi32, #tpu.memory_space<vmem>>) target_semaphore(%run_scoped3A : memref<!tpu.dma_semaphore, #tpu.memory_space<semaphore_mem>>)
        %dma_wait3A_89 = tpu.memref_slice %arg3[%add3A_29] : memref<320000xi32, #tpu.memory_space<hbm>> -> memref<80xi32, #tpu.memory_space<hbm>>
        %dma_wait3A_90 = tpu.memref_slice %arg3[%add3A_29] : memref<320000xi32, #tpu.memory_space<hbm>> -> memref<80xi32, #tpu.memory_space<hbm>>
        tpu.wait_dma2 semaphore(%run_scoped3A : memref<!tpu.dma_semaphore, #tpu.memory_space<semaphore_mem>>) src(%dma_wait3A_90 : memref<80xi32, #tpu.memory_space<hbm>>) dst(%arg11 : memref<80xi32, #tpu.memory_space<vmem>>)
        tpu.yield
      }) : () -> ()
      %dma_start3A_36 = arith.constant 0 : i32
      %dma_start3A_37 = arith.constant 0 : i32
      %dma_start3A_38 = tpu.memref_slice %arg5[%dma_start3A_36, %dma_start3A_37] : memref<10000x128xi32, #tpu.memory_space<hbm>> -> memref<10000x128xi32, #tpu.memory_space<hbm>>
      tpu.enqueue_indirect_dma source(%dma_start3A_38 : memref<10000x128xi32, #tpu.memory_space<hbm>>) target(%arg15 : memref<80x128xi32, #tpu.memory_space<vmem>>) offsets(%arg10 : memref<80xi32, #tpu.memory_space<vmem>>) semaphore(%arg17 : memref<!tpu.dma_semaphore, #tpu.memory_space<semaphore_mem>>)
      %dma_start3A_39 = arith.constant 0 : i32
      %dma_start3A_40 = arith.constant 0 : i32
      %dma_start3A_41 = tpu.memref_slice %arg4[%dma_start3A_39, %dma_start3A_40] : memref<10000x128xf32, #tpu.memory_space<hbm>> -> memref<10000x128xf32, #tpu.memory_space<hbm>>
      tpu.enqueue_indirect_dma source(%dma_start3A_41 : memref<10000x128xf32, #tpu.memory_space<hbm>>) target(%arg14 : memref<80x128xf32, #tpu.memory_space<vmem>>) offsets(%arg11 : memref<80xi32, #tpu.memory_space<vmem>>) semaphore(%arg17 : memref<!tpu.dma_semaphore, #tpu.memory_space<semaphore_mem>>)
      %dma_wait3A_42 = arith.constant 0 : i32
      %dma_wait3A_43 = arith.constant 0 : i32
      %dma_wait3A_44 = tpu.memref_slice %arg5[%dma_wait3A_42, %dma_wait3A_43] : memref<10000x128xi32, #tpu.memory_space<hbm>> -> memref<10000x128xi32, #tpu.memory_space<hbm>>
      tpu.wait_indirect_dma semaphore(%arg16 : memref<!tpu.dma_semaphore, #tpu.memory_space<semaphore_mem>>) src(%dma_wait3A_44 : memref<10000x128xi32, #tpu.memory_space<hbm>>) dst(%arg13 : memref<80x128xi32, #tpu.memory_space<vmem>>)
      %dma_wait3A_45 = arith.constant 0 : i32
      %dma_wait3A_46 = arith.constant 0 : i32
      %dma_wait3A_47 = tpu.memref_slice %arg4[%dma_wait3A_45, %dma_wait3A_46] : memref<10000x128xf32, #tpu.memory_space<hbm>> -> memref<10000x128xf32, #tpu.memory_space<hbm>>
      tpu.wait_indirect_dma semaphore(%arg16 : memref<!tpu.dma_semaphore, #tpu.memory_space<semaphore_mem>>) src(%dma_wait3A_47 : memref<10000x128xf32, #tpu.memory_space<hbm>>) dst(%arg12 : memref<80x128xf32, #tpu.memory_space<vmem>>)
      %dma_start3A_48 = arith.constant 0 : i32
      %dma_start3A_49 = tpu.memref_slice %arg7[%add3A_27, %dma_start3A_48] : memref<320000x128xi32, #tpu.memory_space<hbm>> -> memref<80x128xi32, #tpu.memory_space<hbm>>
      %dma_start3A_50 = arith.constant 0 : i32
      %dma_start3A_51 = tpu.memref_slice %arg7[%add3A_27, %dma_start3A_50] : memref<320000x128xi32, #tpu.memory_space<hbm>> -> memref<80x128xi32, #tpu.memory_space<hbm>>
      tpu.enqueue_dma source(%arg13 : memref<80x128xi32, #tpu.memory_space<vmem>>) target(%dma_start3A_51 : memref<80x128xi32, #tpu.memory_space<hbm>>) target_semaphore(%arg18 : memref<!tpu.dma_semaphore, #tpu.memory_space<semaphore_mem>>)
      %dma_start3A_52 = arith.constant 0 : i32
      %dma_start3A_53 = tpu.memref_slice %arg6[%add3A_27, %dma_start3A_52] : memref<320000x128xf32, #tpu.memory_space<hbm>> -> memref<80x128xf32, #tpu.memory_space<hbm>>
      %dma_start3A_54 = arith.constant 0 : i32
      %dma_start3A_55 = tpu.memref_slice %arg6[%add3A_27, %dma_start3A_54] : memref<320000x128xf32, #tpu.memory_space<hbm>> -> memref<80x128xf32, #tpu.memory_space<hbm>>
      tpu.enqueue_dma source(%arg12 : memref<80x128xf32, #tpu.memory_space<vmem>>) target(%dma_start3A_55 : memref<80x128xf32, #tpu.memory_space<hbm>>) target_semaphore(%arg18 : memref<!tpu.dma_semaphore, #tpu.memory_space<semaphore_mem>>)
      %dma_wait3A_56 = arith.constant 0 : i32
      %dma_wait3A_57 = arith.constant 0 : i32
      %dma_wait3A_58 = tpu.memref_slice %arg5[%dma_wait3A_56, %dma_wait3A_57] : memref<10000x128xi32, #tpu.memory_space<hbm>> -> memref<10000x128xi32, #tpu.memory_space<hbm>>
      tpu.wait_indirect_dma semaphore(%arg17 : memref<!tpu.dma_semaphore, #tpu.memory_space<semaphore_mem>>) src(%dma_wait3A_58 : memref<10000x128xi32, #tpu.memory_space<hbm>>) dst(%arg15 : memref<80x128xi32, #tpu.memory_space<vmem>>)
      %dma_wait3A_59 = arith.constant 0 : i32
      %dma_wait3A_60 = arith.constant 0 : i32
      %dma_wait3A_61 = tpu.memref_slice %arg4[%dma_wait3A_59, %dma_wait3A_60] : memref<10000x128xf32, #tpu.memory_space<hbm>> -> memref<10000x128xf32, #tpu.memory_space<hbm>>
      tpu.wait_indirect_dma semaphore(%arg17 : memref<!tpu.dma_semaphore, #tpu.memory_space<semaphore_mem>>) src(%dma_wait3A_61 : memref<10000x128xf32, #tpu.memory_space<hbm>>) dst(%arg14 : memref<80x128xf32, #tpu.memory_space<vmem>>)
      %dma_start3A_62 = arith.constant 0 : i32
      %dma_start3A_63 = tpu.memref_slice %arg7[%add3A_29, %dma_start3A_62] : memref<320000x128xi32, #tpu.memory_space<hbm>> -> memref<80x128xi32, #tpu.memory_space<hbm>>
      %dma_start3A_64 = arith.constant 0 : i32
      %dma_start3A_65 = tpu.memref_slice %arg7[%add3A_29, %dma_start3A_64] : memref<320000x128xi32, #tpu.memory_space<hbm>> -> memref<80x128xi32, #tpu.memory_space<hbm>>
      tpu.enqueue_dma source(%arg15 : memref<80x128xi32, #tpu.memory_space<vmem>>) target(%dma_start3A_65 : memref<80x128xi32, #tpu.memory_space<hbm>>) target_semaphore(%arg19 : memref<!tpu.dma_semaphore, #tpu.memory_space<semaphore_mem>>)
      %dma_start3A_66 = arith.constant 0 : i32
      %dma_start3A_67 = tpu.memref_slice %arg6[%add3A_29, %dma_start3A_66] : memref<320000x128xf32, #tpu.memory_space<hbm>> -> memref<80x128xf32, #tpu.memory_space<hbm>>
      %dma_start3A_68 = arith.constant 0 : i32
      %dma_start3A_69 = tpu.memref_slice %arg6[%add3A_29, %dma_start3A_68] : memref<320000x128xf32, #tpu.memory_space<hbm>> -> memref<80x128xf32, #tpu.memory_space<hbm>>
      tpu.enqueue_dma source(%arg14 : memref<80x128xf32, #tpu.memory_space<vmem>>) target(%dma_start3A_69 : memref<80x128xf32, #tpu.memory_space<hbm>>) target_semaphore(%arg19 : memref<!tpu.dma_semaphore, #tpu.memory_space<semaphore_mem>>)
      %dma_wait3A_70 = arith.constant 0 : i32
      %dma_wait3A_71 = tpu.memref_slice %arg7[%add3A_27, %dma_wait3A_70] : memref<320000x128xi32, #tpu.memory_space<hbm>> -> memref<80x128xi32, #tpu.memory_space<hbm>>
      %dma_wait3A_72 = arith.constant 0 : i32
      %dma_wait3A_73 = tpu.memref_slice %arg7[%add3A_27, %dma_wait3A_72] : memref<320000x128xi32, #tpu.memory_space<hbm>> -> memref<80x128xi32, #tpu.memory_space<hbm>>
      tpu.wait_dma2 semaphore(%arg18 : memref<!tpu.dma_semaphore, #tpu.memory_space<semaphore_mem>>) src(%arg13 : memref<80x128xi32, #tpu.memory_space<vmem>>) dst(%dma_wait3A_73 : memref<80x128xi32, #tpu.memory_space<hbm>>)
      %dma_wait3A_74 = arith.constant 0 : i32
      %dma_wait3A_75 = tpu.memref_slice %arg6[%add3A_27, %dma_wait3A_74] : memref<320000x128xf32, #tpu.memory_space<hbm>> -> memref<80x128xf32, #tpu.memory_space<hbm>>
      %dma_wait3A_76 = arith.constant 0 : i32
      %dma_wait3A_77 = tpu.memref_slice %arg6[%add3A_27, %dma_wait3A_76] : memref<320000x128xf32, #tpu.memory_space<hbm>> -> memref<80x128xf32, #tpu.memory_space<hbm>>
      tpu.wait_dma2 semaphore(%arg18 : memref<!tpu.dma_semaphore, #tpu.memory_space<semaphore_mem>>) src(%arg12 : memref<80x128xf32, #tpu.memory_space<vmem>>) dst(%dma_wait3A_77 : memref<80x128xf32, #tpu.memory_space<hbm>>)
      %dma_wait3A_78 = arith.constant 0 : i32
      %dma_wait3A_79 = tpu.memref_slice %arg7[%add3A_29, %dma_wait3A_78] : memref<320000x128xi32, #tpu.memory_space<hbm>> -> memref<80x128xi32, #tpu.memory_space<hbm>>
      %dma_wait3A_80 = arith.constant 0 : i32
      %dma_wait3A_81 = tpu.memref_slice %arg7[%add3A_29, %dma_wait3A_80] : memref<320000x128xi32, #tpu.memory_space<hbm>> -> memref<80x128xi32, #tpu.memory_space<hbm>>
      tpu.wait_dma2 semaphore(%arg19 : memref<!tpu.dma_semaphore, #tpu.memory_space<semaphore_mem>>) src(%arg15 : memref<80x128xi32, #tpu.memory_space<vmem>>) dst(%dma_wait3A_81 : memref<80x128xi32, #tpu.memory_space<hbm>>)
      %dma_wait3A_82 = arith.constant 0 : i32
      %dma_wait3A_83 = tpu.memref_slice %arg6[%add3A_29, %dma_wait3A_82] : memref<320000x128xf32, #tpu.memory_space<hbm>> -> memref<80x128xf32, #tpu.memory_space<hbm>>
      %dma_wait3A_84 = arith.constant 0 : i32
      %dma_wait3A_85 = tpu.memref_slice %arg6[%add3A_29, %dma_wait3A_84] : memref<320000x128xf32, #tpu.memory_space<hbm>> -> memref<80x128xf32, #tpu.memory_space<hbm>>
      tpu.wait_dma2 semaphore(%arg19 : memref<!tpu.dma_semaphore, #tpu.memory_space<semaphore_mem>>) src(%arg14 : memref<80x128xf32, #tpu.memory_space<vmem>>) dst(%dma_wait3A_85 : memref<80x128xf32, #tpu.memory_space<hbm>>)
      %scan3A_86 = arith.constant 0 : i32
      scf.yield %scan3A_86 : i32
    }
    %scan3A_8 = arith.constant 62 : i32
    %add3A_9 = arith.constant 9920 : i32
    %add3A_10 = arith.addi %mul3A_2, %add3A_9 : i32
    "tpu.region"() ({
      %run_scoped3A = tpu.sem_alloc : memref<!tpu.dma_semaphore, #tpu.memory_space<semaphore_mem>>
      %dma_start3A_21 = tpu.memref_slice %arg2[%add3A_10] : memref<320000xi32, #tpu.memory_space<hbm>> -> memref<80xi32, #tpu.memory_space<hbm>>
      %dma_start3A_22 = tpu.memref_slice %arg2[%add3A_10] : memref<320000xi32, #tpu.memory_space<hbm>> -> memref<80xi32, #tpu.memory_space<hbm>>
      tpu.enqueue_dma source(%dma_start3A_22 : memref<80xi32, #tpu.memory_space<hbm>>) target(%arg8 : memref<80xi32, #tpu.memory_space<vmem>>) target_semaphore(%run_scoped3A : memref<!tpu.dma_semaphore, #tpu.memory_space<semaphore_mem>>)
      %dma_wait3A_23 = tpu.memref_slice %arg2[%add3A_10] : memref<320000xi32, #tpu.memory_space<hbm>> -> memref<80xi32, #tpu.memory_space<hbm>>
      %dma_wait3A_24 = tpu.memref_slice %arg2[%add3A_10] : memref<320000xi32, #tpu.memory_space<hbm>> -> memref<80xi32, #tpu.memory_space<hbm>>
      tpu.wait_dma2 semaphore(%run_scoped3A : memref<!tpu.dma_semaphore, #tpu.memory_space<semaphore_mem>>) src(%dma_wait3A_24 : memref<80xi32, #tpu.memory_space<hbm>>) dst(%arg8 : memref<80xi32, #tpu.memory_space<vmem>>)
      tpu.yield
    }) : () -> ()
    "tpu.region"() ({
      %run_scoped3A = tpu.sem_alloc : memref<!tpu.dma_semaphore, #tpu.memory_space<semaphore_mem>>
      %dma_start3A_21 = tpu.memref_slice %arg3[%add3A_10] : memref<320000xi32, #tpu.memory_space<hbm>> -> memref<80xi32, #tpu.memory_space<hbm>>
      %dma_start3A_22 = tpu.memref_slice %arg3[%add3A_10] : memref<320000xi32, #tpu.memory_space<hbm>> -> memref<80xi32, #tpu.memory_space<hbm>>
      tpu.enqueue_dma source(%dma_start3A_22 : memref<80xi32, #tpu.memory_space<hbm>>) target(%arg9 : memref<80xi32, #tpu.memory_space<vmem>>) target_semaphore(%run_scoped3A : memref<!tpu.dma_semaphore, #tpu.memory_space<semaphore_mem>>)
      %dma_wait3A_23 = tpu.memref_slice %arg3[%add3A_10] : memref<320000xi32, #tpu.memory_space<hbm>> -> memref<80xi32, #tpu.memory_space<hbm>>
      %dma_wait3A_24 = tpu.memref_slice %arg3[%add3A_10] : memref<320000xi32, #tpu.memory_space<hbm>> -> memref<80xi32, #tpu.memory_space<hbm>>
      tpu.wait_dma2 semaphore(%run_scoped3A : memref<!tpu.dma_semaphore, #tpu.memory_space<semaphore_mem>>) src(%dma_wait3A_24 : memref<80xi32, #tpu.memory_space<hbm>>) dst(%arg9 : memref<80xi32, #tpu.memory_space<vmem>>)
      tpu.yield
    }) : () -> ()
    %dma_start3A = arith.constant 0 : i32
    %dma_start3A_11 = arith.constant 0 : i32
    %dma_start3A_12 = tpu.memref_slice %arg5[%dma_start3A, %dma_start3A_11] : memref<10000x128xi32, #tpu.memory_space<hbm>> -> memref<10000x128xi32, #tpu.memory_space<hbm>>
    tpu.enqueue_indirect_dma source(%dma_start3A_12 : memref<10000x128xi32, #tpu.memory_space<hbm>>) target(%arg13 : memref<80x128xi32, #tpu.memory_space<vmem>>) offsets(%arg8 : memref<80xi32, #tpu.memory_space<vmem>>) semaphore(%arg16 : memref<!tpu.dma_semaphore, #tpu.memory_space<semaphore_mem>>)
    %dma_start3A_13 = arith.constant 0 : i32
    %dma_start3A_14 = arith.constant 0 : i32
    %dma_start3A_15 = tpu.memref_slice %arg4[%dma_start3A_13, %dma_start3A_14] : memref<10000x128xf32, #tpu.memory_space<hbm>> -> memref<10000x128xf32, #tpu.memory_space<hbm>>
    tpu.enqueue_indirect_dma source(%dma_start3A_15 : memref<10000x128xf32, #tpu.memory_space<hbm>>) target(%arg12 : memref<80x128xf32, #tpu.memory_space<vmem>>) offsets(%arg9 : memref<80xi32, #tpu.memory_space<vmem>>) semaphore(%arg16 : memref<!tpu.dma_semaphore, #tpu.memory_space<semaphore_mem>>)
    %dma_wait3A = arith.constant 0 : i32
    %dma_wait3A_16 = arith.constant 0 : i32
    %dma_wait3A_17 = tpu.memref_slice %arg5[%dma_wait3A, %dma_wait3A_16] : memref<10000x128xi32, #tpu.memory_space<hbm>> -> memref<10000x128xi32, #tpu.memory_space<hbm>>
    tpu.wait_indirect_dma semaphore(%arg16 : memref<!tpu.dma_semaphore, #tpu.memory_space<semaphore_mem>>) src(%dma_wait3A_17 : memref<10000x128xi32, #tpu.memory_space<hbm>>) dst(%arg13 : memref<80x128xi32, #tpu.memory_space<vmem>>)
    %dma_wait3A_18 = arith.constant 0 : i32
    %dma_wait3A_19 = arith.constant 0 : i32
    %dma_wait3A_20 = tpu.memref_slice %arg4[%dma_wait3A_18, %dma_wait3A_19] : memref<10000x128xf32, #tpu.memory_space<hbm>> -> memref<10000x128xf32, #tpu.memory_space<hbm>>
    tpu.wait_indirect_dma semaphore(%arg16 : memref<!tpu.dma_semaphore, #tpu.memory_space<semaphore_mem>>) src(%dma_wait3A_20 : memref<10000x128xf32, #tpu.memory_space<hbm>>) dst(%arg12 : memref<80x128xf32, #tpu.memory_space<vmem>>)
    "tpu.region"() ({
      %run_scoped3A = tpu.sem_alloc : memref<!tpu.dma_semaphore, #tpu.memory_space<semaphore_mem>>
      %dma_start3A_21 = arith.constant 0 : i32
      %dma_start3A_22 = tpu.memref_slice %arg7[%add3A_10, %dma_start3A_21] : memref<320000x128xi32, #tpu.memory_space<hbm>> -> memref<80x128xi32, #tpu.memory_space<hbm>>
      %dma_start3A_23 = arith.constant 0 : i32
      %dma_start3A_24 = tpu.memref_slice %arg7[%add3A_10, %dma_start3A_23] : memref<320000x128xi32, #tpu.memory_space<hbm>> -> memref<80x128xi32, #tpu.memory_space<hbm>>
      tpu.enqueue_dma source(%arg13 : memref<80x128xi32, #tpu.memory_space<vmem>>) target(%dma_start3A_24 : memref<80x128xi32, #tpu.memory_space<hbm>>) target_semaphore(%run_scoped3A : memref<!tpu.dma_semaphore, #tpu.memory_space<semaphore_mem>>)
      %dma_wait3A_25 = arith.constant 0 : i32
      %dma_wait3A_26 = tpu.memref_slice %arg7[%add3A_10, %dma_wait3A_25] : memref<320000x128xi32, #tpu.memory_space<hbm>> -> memref<80x128xi32, #tpu.memory_space<hbm>>
      %dma_wait3A_27 = arith.constant 0 : i32
      %dma_wait3A_28 = tpu.memref_slice %arg7[%add3A_10, %dma_wait3A_27] : memref<320000x128xi32, #tpu.memory_space<hbm>> -> memref<80x128xi32, #tpu.memory_space<hbm>>
      tpu.wait_dma2 semaphore(%run_scoped3A : memref<!tpu.dma_semaphore, #tpu.memory_space<semaphore_mem>>) src(%arg13 : memref<80x128xi32, #tpu.memory_space<vmem>>) dst(%dma_wait3A_28 : memref<80x128xi32, #tpu.memory_space<hbm>>)
      tpu.yield
    }) : () -> ()
    "tpu.region"() ({
      %run_scoped3A = tpu.sem_alloc : memref<!tpu.dma_semaphore, #tpu.memory_space<semaphore_mem>>
      %dma_start3A_21 = arith.constant 0 : i32
      %dma_start3A_22 = tpu.memref_slice %arg6[%add3A_10, %dma_start3A_21] : memref<320000x128xf32, #tpu.memory_space<hbm>> -> memref<80x128xf32, #tpu.memory_space<hbm>>
      %dma_start3A_23 = arith.constant 0 : i32
      %dma_start3A_24 = tpu.memref_slice %arg6[%add3A_10, %dma_start3A_23] : memref<320000x128xf32, #tpu.memory_space<hbm>> -> memref<80x128xf32, #tpu.memory_space<hbm>>
      tpu.enqueue_dma source(%arg12 : memref<80x128xf32, #tpu.memory_space<vmem>>) target(%dma_start3A_24 : memref<80x128xf32, #tpu.memory_space<hbm>>) target_semaphore(%run_scoped3A : memref<!tpu.dma_semaphore, #tpu.memory_space<semaphore_mem>>)
      %dma_wait3A_25 = arith.constant 0 : i32
      %dma_wait3A_26 = tpu.memref_slice %arg6[%add3A_10, %dma_wait3A_25] : memref<320000x128xf32, #tpu.memory_space<hbm>> -> memref<80x128xf32, #tpu.memory_space<hbm>>
      %dma_wait3A_27 = arith.constant 0 : i32
      %dma_wait3A_28 = tpu.memref_slice %arg6[%add3A_10, %dma_wait3A_27] : memref<320000x128xf32, #tpu.memory_space<hbm>> -> memref<80x128xf32, #tpu.memory_space<hbm>>
      tpu.wait_dma2 semaphore(%run_scoped3A : memref<!tpu.dma_semaphore, #tpu.memory_space<semaphore_mem>>) src(%arg12 : memref<80x128xf32, #tpu.memory_space<vmem>>) dst(%dma_wait3A_28 : memref<80x128xf32, #tpu.memory_space<hbm>>)
      tpu.yield
    }) : () -> ()
    return
  }
}

module attributes {stable_mosaic.version = 14 : i64} {
  func.func @_proj_body(%arg0: i32, %arg1: memref<1000x128xf32, #tpu.memory_space<vmem>>, %arg2: memref<128x384xf32, #tpu.memory_space<vmem>>, %arg3: memref<1x384xf32, #tpu.memory_space<vmem>>, %arg4: memref<1000x128xf32, #tpu.memory_space<vmem>>, %arg5: memref<1000x128xi32, #tpu.memory_space<vmem>>) attributes {dimension_semantics = [#tpu.dimension_semantics<arbitrary>], iteration_bounds = array<i64: 10>, scalar_prefetch = 0 : i64, scratch_operands = 0 : i64, tpu.core_type = #tpu.core_type<tc>, window_params = [{transform_indices = @transform_0, window_bounds = array<i64: 1000, 128>}, {pipeline_mode = #tpu.pipeline_mode<synchronous>, transform_indices = @transform_1, window_bounds = array<i64: 128, 384>}, {pipeline_mode = #tpu.pipeline_mode<synchronous>, transform_indices = @transform_2, window_bounds = array<i64: 1, 384>}, {transform_indices = @transform_3, window_bounds = array<i64: 1000, 128>}, {transform_indices = @transform_4, window_bounds = array<i64: 1000, 128>}]} {
    %get3A = arith.constant 0 : index
    %get3A_0 = arith.constant 0 : index
    %get3A_1 = vector.load %arg1[%get3A, %get3A_0] : memref<1000x128xf32, #tpu.memory_space<vmem>>, vector<1000x128xf32>
    %get3A_2 = arith.constant 0 : index
    %get3A_3 = arith.constant 0 : index
    %get3A_4 = vector.load %arg2[%get3A_2, %get3A_3] : memref<128x384xf32, #tpu.memory_space<vmem>>, vector<128x384xf32>
    %dot_general3A = arith.constant dense<0.000000e+00> : vector<1000x384xf32>
    %dot_general3A_5 = tpu.matmul %get3A_1, %get3A_4, %dot_general3A {dimension_numbers = #tpu.dot_dimension_numbers<[1], [0], [0], [1], [0, 0, 1, 1], [], []>, transpose_lhs_hint = false} : vector<1000x128xf32>, vector<128x384xf32>, vector<1000x384xf32> -> vector<1000x384xf32>
    %get3A_6 = arith.constant 0 : index
    %get3A_7 = arith.constant 0 : index
    %get3A_8 = vector.load %arg3[%get3A_6, %get3A_7] : memref<1x384xf32, #tpu.memory_space<vmem>>, vector<1x384xf32>
    %add3A = vector.broadcast %get3A_8 : vector<1x384xf32> to vector<1000x384xf32>
    %add3A_9 = arith.addf %dot_general3A_5, %add3A : vector<1000x384xf32>
    %slice3A = vector.extract_strided_slice %add3A_9 {offsets = [0, 0], sizes = [1000, 128], strides = [1, 1]} : vector<1000x384xf32> to vector<1000x128xf32>
    %swap3A = arith.constant 0 : index
    %swap3A_10 = arith.constant 0 : index
    %swap3A_11 = vector.load %arg4[%swap3A, %swap3A_10] : memref<1000x128xf32, #tpu.memory_space<vmem>>, vector<1000x128xf32>
    tpu.vector_store %arg4[%swap3A, %swap3A_10], %slice3A {strides = array<i32>} : memref<1000x128xf32, #tpu.memory_space<vmem>>, vector<1000x128xf32>,
    %slice3A_12 = vector.extract_strided_slice %add3A_9 {offsets = [0, 128], sizes = [1000, 128], strides = [1, 1]} : vector<1000x384xf32> to vector<1000x128xf32>
    %convert_element_type3A = arith.truncf %slice3A_12 : vector<1000x128xf32> to vector<1000x128xbf16>
    %bitcast_convert_type3A = tpu.bitcast %convert_element_type3A : vector<1000x128xbf16> -> vector<1000x128xi16>
    %convert_element_type3A_13 = arith.extui %bitcast_convert_type3A : vector<1000x128xi16> to vector<1000x128xi32>
    %slice3A_14 = vector.extract_strided_slice %add3A_9 {offsets = [0, 256], sizes = [1000, 128], strides = [1, 1]} : vector<1000x384xf32> to vector<1000x128xf32>
    %convert_element_type3A_15 = arith.truncf %slice3A_14 : vector<1000x128xf32> to vector<1000x128xbf16>
    %bitcast_convert_type3A_16 = tpu.bitcast %convert_element_type3A_15 : vector<1000x128xbf16> -> vector<1000x128xi16>
    %convert_element_type3A_17 = arith.extui %bitcast_convert_type3A_16 : vector<1000x128xi16> to vector<1000x128xi32>
    %shift_left3A = arith.constant 16 : i32
    %shift_left3A_18 = vector.broadcast %shift_left3A : i32 to vector<1000x128xi32>
    %shift_left3A_19 = arith.shli %convert_element_type3A_17, %shift_left3A_18 : vector<1000x128xi32>
    %or3A = arith.ori %convert_element_type3A_13, %shift_left3A_19 : vector<1000x128xi32>
    %bitcast_convert_type3A_20 = tpu.bitcast %or3A : vector<1000x128xi32> -> vector<1000x128xi32>
    %swap3A_21 = arith.constant 0 : index
    %swap3A_22 = arith.constant 0 : index
    %swap3A_23 = vector.load %arg5[%swap3A_21, %swap3A_22] : memref<1000x128xi32, #tpu.memory_space<vmem>>, vector<1000x128xi32>
    tpu.vector_store %arg5[%swap3A_21, %swap3A_22], %bitcast_convert_type3A_20 {strides = array<i32>} : memref<1000x128xi32, #tpu.memory_space<vmem>>, vector<1000x128xi32>,
    return
  }
  func.func @transform_0(%arg0: i32) -> (i32, i32) {
    %c0_i32 = arith.constant 0 : i32
    %c0_i32_0 = arith.constant 0 : i32
    return %arg0, %c0_i32 : i32, i32
  }
  func.func @transform_1(%arg0: i32) -> (i32, i32) {
    %c0_i32 = arith.constant 0 : i32
    %c0_i32_0 = arith.constant 0 : i32
    %c0_i32_1 = arith.constant 0 : i32
    return %c0_i32, %c0_i32_0 : i32, i32
  }
  func.func @transform_2(%arg0: i32) -> (i32, i32) {
    %c0_i32 = arith.constant 0 : i32
    %c0_i32_0 = arith.constant 0 : i32
    %c0_i32_1 = arith.constant 0 : i32
    return %c0_i32, %c0_i32_0 : i32, i32
  }
  func.func @transform_3(%arg0: i32) -> (i32, i32) {
    %c0_i32 = arith.constant 0 : i32
    %c0_i32_0 = arith.constant 0 : i32
    return %arg0, %c0_i32 : i32, i32
  }
  func.func @transform_4(%arg0: i32) -> (i32, i32) {
    %c0_i32 = arith.constant 0 : i32
    %c0_i32_0 = arith.constant 0 : i32
    return %arg0, %c0_i32 : i32, i32
  }
}

module attributes {stable_mosaic.version = 14 : i64} {
  func.func @_edge_body(%arg0: i32, %arg1: memref<1280x128xf32, #tpu.memory_space<vmem>>, %arg2: memref<1280x128xf32, #tpu.memory_space<vmem>>, %arg3: memref<1280x128xi32, #tpu.memory_space<vmem>>, %arg4: memref<128x128xbf16, #tpu.memory_space<vmem>>, %arg5: memref<128x128xbf16, #tpu.memory_space<vmem>>, %arg6: memref<1x128xf32, #tpu.memory_space<vmem>>, %arg7: memref<1x128xf32, #tpu.memory_space<vmem>>, %arg8: memref<128x16xf32, #tpu.memory_space<vmem>>, %arg9: memref<16x128xf32, #tpu.memory_space<vmem>>, %arg10: memref<1280x128xf32, #tpu.memory_space<vmem>>, %arg11: memref<1280x256xf32, #tpu.memory_space<vmem>>, %arg12: memref<1280x128xf32, #tpu.memory_space<vmem>>) attributes {dimension_semantics = [#tpu.dimension_semantics<arbitrary>], iteration_bounds = array<i64: 250>, scalar_prefetch = 0 : i64, scratch_operands = 0 : i64, tpu.core_type = #tpu.core_type<tc>, window_params = [{transform_indices = @transform_0, window_bounds = array<i64: 1280, 128>}, {transform_indices = @transform_1, window_bounds = array<i64: 1280, 128>}, {transform_indices = @transform_2, window_bounds = array<i64: 1280, 128>}, {pipeline_mode = #tpu.pipeline_mode<synchronous>, transform_indices = @transform_3, window_bounds = array<i64: 128, 128>}, {pipeline_mode = #tpu.pipeline_mode<synchronous>, transform_indices = @transform_4, window_bounds = array<i64: 128, 128>}, {pipeline_mode = #tpu.pipeline_mode<synchronous>, transform_indices = @transform_5, window_bounds = array<i64: 1, 128>}, {pipeline_mode = #tpu.pipeline_mode<synchronous>, transform_indices = @transform_6, window_bounds = array<i64: 1, 128>}, {pipeline_mode = #tpu.pipeline_mode<synchronous>, transform_indices = @transform_7, window_bounds = array<i64: 128, 16>}, {pipeline_mode = #tpu.pipeline_mode<synchronous>, transform_indices = @transform_8, window_bounds = array<i64: 16, 128>}, {transform_indices = @transform_9, window_bounds = array<i64: 1280, 128>}, {transform_indices = @transform_10, window_bounds = array<i64: 1280, 256>}, {transform_indices = @transform_11, window_bounds = array<i64: 1280, 128>}]} {
    %get3A = arith.constant 0 : index
    %get3A_0 = arith.constant 0 : index
    %get3A_1 = vector.load %arg1[%get3A, %get3A_0] : memref<1280x128xf32, #tpu.memory_space<vmem>>, vector<1280x128xf32>
    %convert_element_type3A = arith.truncf %get3A_1 : vector<1280x128xf32> to vector<1280x128xbf16>
    %get3A_2 = arith.constant 0 : index
    %get3A_3 = arith.constant 0 : index
    %get3A_4 = vector.load %arg4[%get3A_2, %get3A_3] : memref<128x128xbf16, #tpu.memory_space<vmem>>, vector<128x128xbf16>
    %dot_general3A = arith.constant dense<0.000000e+00> : vector<1280x128xf32>
    %dot_general3A_5 = tpu.matmul %convert_element_type3A, %get3A_4, %dot_general3A {dimension_numbers = #tpu.dot_dimension_numbers<[1], [0], [0], [1], [0, 0, 1, 1], [], []>, transpose_lhs_hint = false} : vector<1280x128xbf16>, vector<128x128xbf16>, vector<1280x128xf32> -> vector<1280x128xf32>
    %get3A_6 = arith.constant 0 : index
    %get3A_7 = arith.constant 0 : index
    %get3A_8 = vector.load %arg6[%get3A_6, %get3A_7] : memref<1x128xf32, #tpu.memory_space<vmem>>, vector<1x128xf32>
    %add3A = vector.broadcast %get3A_8 : vector<1x128xf32> to vector<1280x128xf32>
    %add3A_9 = arith.addf %dot_general3A_5, %add3A : vector<1280x128xf32>
    %get3A_10 = arith.constant 0 : index
    %get3A_11 = arith.constant 0 : index
    %get3A_12 = vector.load %arg5[%get3A_10, %get3A_11] : memref<128x128xbf16, #tpu.memory_space<vmem>>, vector<128x128xbf16>
    %dot_general3A_13 = arith.constant dense<0.000000e+00> : vector<1280x128xf32>
    %dot_general3A_14 = tpu.matmul %convert_element_type3A, %get3A_12, %dot_general3A_13 {dimension_numbers = #tpu.dot_dimension_numbers<[1], [0], [0], [1], [0, 0, 1, 1], [], []>, transpose_lhs_hint = false} : vector<1280x128xbf16>, vector<128x128xbf16>, vector<1280x128xf32> -> vector<1280x128xf32>
    %get3A_15 = arith.constant 0 : index
    %get3A_16 = arith.constant 0 : index
    %get3A_17 = vector.load %arg7[%get3A_15, %get3A_16] : memref<1x128xf32, #tpu.memory_space<vmem>>, vector<1x128xf32>
    %add3A_18 = vector.broadcast %get3A_17 : vector<1x128xf32> to vector<1280x128xf32>
    %add3A_19 = arith.addf %dot_general3A_14, %add3A_18 : vector<1280x128xf32>
    %get3A_20 = arith.constant 0 : index
    %get3A_21 = arith.constant 0 : index
    %get3A_22 = vector.load %arg3[%get3A_20, %get3A_21] : memref<1280x128xi32, #tpu.memory_space<vmem>>, vector<1280x128xi32>
    %shift_left3A = arith.constant 16 : i32
    %shift_left3A_23 = vector.broadcast %shift_left3A : i32 to vector<1280x128xi32>
    %shift_left3A_24 = arith.shli %get3A_22, %shift_left3A_23 : vector<1280x128xi32>
    %bitcast_convert_type3A = tpu.bitcast %shift_left3A_24 : vector<1280x128xi32> -> vector<1280x128xf32>
    %and3A = arith.constant -65536 : i32
    %and3A_25 = vector.broadcast %and3A : i32 to vector<1280x128xi32>
    %and3A_26 = arith.andi %get3A_22, %and3A_25 : vector<1280x128xi32>
    %bitcast_convert_type3A_27 = tpu.bitcast %and3A_26 : vector<1280x128xi32> -> vector<1280x128xf32>
    %get3A_28 = arith.constant 0 : index
    %get3A_29 = arith.constant 0 : index
    %get3A_30 = vector.load %arg2[%get3A_28, %get3A_29] : memref<1280x128xf32, #tpu.memory_space<vmem>>, vector<1280x128xf32>
    %add3A_31 = arith.addf %bitcast_convert_type3A, %get3A_30 : vector<1280x128xf32>
    %mul3A = arith.mulf %add3A_31, %add3A_9 : vector<1280x128xf32>
    %add3A_32 = arith.addf %mul3A, %add3A_19 : vector<1280x128xf32>
    %max3A = arith.constant 0.000000e+00 : f32
    %max3A_33 = vector.broadcast %max3A : f32 to vector<1280x128xf32>
    %max3A_34 = arith.maximumf %add3A_32, %max3A_33 : vector<1280x128xf32>
    %swap3A = arith.constant 0 : index
    %swap3A_35 = arith.constant 0 : index
    %swap3A_36 = vector.load %arg10[%swap3A, %swap3A_35] : memref<1280x128xf32, #tpu.memory_space<vmem>>, vector<1280x128xf32>
    tpu.vector_store %arg10[%swap3A, %swap3A_35], %max3A_34 {strides = array<i32>} : memref<1280x128xf32, #tpu.memory_space<vmem>>, vector<1280x128xf32>,
    %get3A_37 = arith.constant 0 : index
    %get3A_38 = arith.constant 0 : index
    %get3A_39 = vector.load %arg8[%get3A_37, %get3A_38] : memref<128x16xf32, #tpu.memory_space<vmem>>, vector<128x16xf32>
    %dot_general3A_40 = arith.constant dense<0.000000e+00> : vector<1280x16xf32>
    %dot_general3A_41 = tpu.matmul %max3A_34, %get3A_39, %dot_general3A_40 {dimension_numbers = #tpu.dot_dimension_numbers<[1], [0], [0], [1], [0, 0, 1, 1], [], []>, transpose_lhs_hint = false} : vector<1280x128xf32>, vector<128x16xf32>, vector<1280x16xf32> -> vector<1280x16xf32>
    %jit3A = arith.constant -5.000000e+00 : f32
    %jit3A_42 = arith.constant 5.000000e+00 : f32
    %max3A_43 = vector.broadcast %jit3A : f32 to vector<1280x16xf32>
    %max3A_44 = arith.maximumf %max3A_43, %dot_general3A_41 : vector<1280x16xf32>
    %min3A = vector.broadcast %jit3A_42 : f32 to vector<1280x16xf32>
    %min3A_45 = arith.minimumf %min3A, %max3A_44 : vector<1280x16xf32>
    %exp3A = math.exp %min3A_45 : vector<1280x16xf32>
    %get3A_46 = arith.constant 0 : index
    %get3A_47 = arith.constant 0 : index
    %get3A_48 = vector.load %arg9[%get3A_46, %get3A_47] : memref<16x128xf32, #tpu.memory_space<vmem>>, vector<16x128xf32>
    %dot_general3A_49 = arith.constant dense<0.000000e+00> : vector<1280x128xf32>
    %dot_general3A_50 = tpu.matmul %exp3A, %get3A_48, %dot_general3A_49 {dimension_numbers = #tpu.dot_dimension_numbers<[1], [0], [0], [1], [0, 0, 1, 1], [], []>, transpose_lhs_hint = false} : vector<1280x16xf32>, vector<16x128xf32>, vector<1280x128xf32> -> vector<1280x128xf32>
    %swap3A_51 = arith.constant 0 : index
    %swap3A_52 = arith.constant 0 : index
    %swap3A_53 = vector.load %arg12[%swap3A_51, %swap3A_52] : memref<1280x128xf32, #tpu.memory_space<vmem>>, vector<1280x128xf32>
    tpu.vector_store %arg12[%swap3A_51, %swap3A_52], %dot_general3A_50 {strides = array<i32>} : memref<1280x128xf32, #tpu.memory_space<vmem>>, vector<1280x128xf32>,
    %mul3A_54 = arith.mulf %bitcast_convert_type3A_27, %dot_general3A_50 : vector<1280x128xf32>
    %mul3A_55 = arith.mulf %max3A_34, %dot_general3A_50 : vector<1280x128xf32>
    %concatenate3A = tpu.concatenate %mul3A_54, %mul3A_55 in 1 : vector<1280x128xf32>, vector<1280x128xf32> -> vector<1280x256xf32>
    %swap3A_56 = arith.constant 0 : index
    %swap3A_57 = arith.constant 0 : index
    %swap3A_58 = vector.load %arg11[%swap3A_56, %swap3A_57] : memref<1280x256xf32, #tpu.memory_space<vmem>>, vector<1280x256xf32>
    tpu.vector_store %arg11[%swap3A_56, %swap3A_57], %concatenate3A {strides = array<i32>} : memref<1280x256xf32, #tpu.memory_space<vmem>>, vector<1280x256xf32>,
    return
  }
  func.func @transform_0(%arg0: i32) -> (i32, i32) {
    %c0_i32 = arith.constant 0 : i32
    %c0_i32_0 = arith.constant 0 : i32
    return %arg0, %c0_i32 : i32, i32
  }
  func.func @transform_1(%arg0: i32) -> (i32, i32) {
    %c0_i32 = arith.constant 0 : i32
    %c0_i32_0 = arith.constant 0 : i32
    return %arg0, %c0_i32 : i32, i32
  }
  func.func @transform_2(%arg0: i32) -> (i32, i32) {
    %c0_i32 = arith.constant 0 : i32
    %c0_i32_0 = arith.constant 0 : i32
    return %arg0, %c0_i32 : i32, i32
  }
  func.func @transform_3(%arg0: i32) -> (i32, i32) {
    %c0_i32 = arith.constant 0 : i32
    %c0_i32_0 = arith.constant 0 : i32
    %c0_i32_1 = arith.constant 0 : i32
    return %c0_i32, %c0_i32_0 : i32, i32
  }
  func.func @transform_4(%arg0: i32) -> (i32, i32) {
    %c0_i32 = arith.constant 0 : i32
    %c0_i32_0 = arith.constant 0 : i32
    %c0_i32_1 = arith.constant 0 : i32
    return %c0_i32, %c0_i32_0 : i32, i32
  }
  func.func @transform_5(%arg0: i32) -> (i32, i32) {
    %c0_i32 = arith.constant 0 : i32
    %c0_i32_0 = arith.constant 0 : i32
    %c0_i32_1 = arith.constant 0 : i32
    return %c0_i32, %c0_i32_0 : i32, i32
  }
  func.func @transform_6(%arg0: i32) -> (i32, i32) {
    %c0_i32 = arith.constant 0 : i32
    %c0_i32_0 = arith.constant 0 : i32
    %c0_i32_1 = arith.constant 0 : i32
    return %c0_i32, %c0_i32_0 : i32, i32
  }
  func.func @transform_7(%arg0: i32) -> (i32, i32) {
    %c0_i32 = arith.constant 0 : i32
    %c0_i32_0 = arith.constant 0 : i32
    %c0_i32_1 = arith.constant 0 : i32
    return %c0_i32, %c0_i32_0 : i32, i32
  }
  func.func @transform_8(%arg0: i32) -> (i32, i32) {
    %c0_i32 = arith.constant 0 : i32
    %c0_i32_0 = arith.constant 0 : i32
    %c0_i32_1 = arith.constant 0 : i32
    return %c0_i32, %c0_i32_0 : i32, i32
  }
  func.func @transform_9(%arg0: i32) -> (i32, i32) {
    %c0_i32 = arith.constant 0 : i32
    %c0_i32_0 = arith.constant 0 : i32
    return %arg0, %c0_i32 : i32, i32
  }
  func.func @transform_10(%arg0: i32) -> (i32, i32) {
    %c0_i32 = arith.constant 0 : i32
    %c0_i32_0 = arith.constant 0 : i32
    return %arg0, %c0_i32 : i32, i32
  }
  func.func @transform_11(%arg0: i32) -> (i32, i32) {
    %c0_i32 = arith.constant 0 : i32
    %c0_i32_0 = arith.constant 0 : i32
    return %arg0, %c0_i32 : i32, i32
  }
}

module attributes {stable_mosaic.version = 14 : i64} {
  func.func @_final_body(%arg0: i32, %arg1: memref<1x1024x128xf32, #tpu.memory_space<vmem>>, %arg2: memref<1x1024x128xf32, #tpu.memory_space<vmem>>, %arg3: memref<1x1024x128xf32, #tpu.memory_space<vmem>>, %arg4: memref<1x1024x128xf32, #tpu.memory_space<vmem>>, %arg5: memref<128x128xf32, #tpu.memory_space<vmem>>, %arg6: memref<1024x128xf32, #tpu.memory_space<vmem>>) attributes {dimension_semantics = [#tpu.dimension_semantics<arbitrary>], iteration_bounds = array<i64: 10>, scalar_prefetch = 0 : i64, scratch_operands = 0 : i64, tpu.core_type = #tpu.core_type<tc>, window_params = [{transform_indices = @transform_0, window_bounds = array<i64: 1, 1024, 128>}, {transform_indices = @transform_1, window_bounds = array<i64: 1, 1024, 128>}, {transform_indices = @transform_2, window_bounds = array<i64: 1, 1024, 128>}, {transform_indices = @transform_3, window_bounds = array<i64: 1, 1024, 128>}, {pipeline_mode = #tpu.pipeline_mode<synchronous>, transform_indices = @transform_4, window_bounds = array<i64: 128, 128>}, {transform_indices = @transform_5, window_bounds = array<i64: 1024, 128>}]} {
    %get3A = arith.constant 0 : index
    %get3A_0 = arith.constant 0 : index
    %get3A_1 = arith.constant 0 : index
    %get3A_2 = vector.load %arg3[%get3A, %get3A_0, %get3A_1] : memref<1x1024x128xf32, #tpu.memory_space<vmem>>, vector<1x1024x128xf32>
    %get3A_3 = vector.shape_cast %get3A_2 : vector<1x1024x128xf32> to vector<1024x128xf32>
    %get3A_4 = arith.constant 0 : index
    %get3A_5 = arith.constant 0 : index
    %get3A_6 = arith.constant 0 : index
    %get3A_7 = vector.load %arg4[%get3A_4, %get3A_5, %get3A_6] : memref<1x1024x128xf32, #tpu.memory_space<vmem>>, vector<1x1024x128xf32>
    %get3A_8 = vector.shape_cast %get3A_7 : vector<1x1024x128xf32> to vector<1024x128xf32>
    %add3A = arith.addf %get3A_3, %get3A_8 : vector<1024x128xf32>
    %add3A_9 = arith.constant 1.000000e-16 : f32
    %add3A_10 = vector.broadcast %add3A_9 : f32 to vector<1024x128xf32>
    %add3A_11 = arith.addf %add3A, %add3A_10 : vector<1024x128xf32>
    %div3A = arith.constant 1.000000e+00 : f32
    %div3A_12 = vector.broadcast %div3A : f32 to vector<1024x128xf32>
    %div3A_13 = arith.divf %div3A_12, %add3A_11 : vector<1024x128xf32>
    %get3A_14 = arith.constant 0 : index
    %get3A_15 = arith.constant 0 : index
    %get3A_16 = arith.constant 0 : index
    %get3A_17 = vector.load %arg2[%get3A_14, %get3A_15, %get3A_16] : memref<1x1024x128xf32, #tpu.memory_space<vmem>>, vector<1x1024x128xf32>
    %get3A_18 = vector.shape_cast %get3A_17 : vector<1x1024x128xf32> to vector<1024x128xf32>
    %mul3A = arith.mulf %get3A_18, %div3A_13 : vector<1024x128xf32>
    %get3A_19 = arith.constant 0 : index
    %get3A_20 = arith.constant 0 : index
    %get3A_21 = arith.constant 0 : index
    %get3A_22 = vector.load %arg1[%get3A_19, %get3A_20, %get3A_21] : memref<1x1024x128xf32, #tpu.memory_space<vmem>>, vector<1x1024x128xf32>
    %get3A_23 = vector.shape_cast %get3A_22 : vector<1x1024x128xf32> to vector<1024x128xf32>
    %mul3A_24 = arith.mulf %get3A_23, %div3A_13 : vector<1024x128xf32>
    %get3A_25 = arith.constant 0 : index
    %get3A_26 = arith.constant 0 : index
    %get3A_27 = vector.load %arg5[%get3A_25, %get3A_26] : memref<128x128xf32, #tpu.memory_space<vmem>>, vector<128x128xf32>
    %dot_general3A = arith.constant dense<0.000000e+00> : vector<1024x128xf32>
    %dot_general3A_28 = tpu.matmul %mul3A, %get3A_27, %dot_general3A {dimension_numbers = #tpu.dot_dimension_numbers<[1], [0], [0], [1], [0, 0, 1, 1], [], []>, transpose_lhs_hint = false} : vector<1024x128xf32>, vector<128x128xf32>, vector<1024x128xf32> -> vector<1024x128xf32>
    %add3A_29 = arith.addf %mul3A_24, %dot_general3A_28 : vector<1024x128xf32>
    %swap3A = arith.constant 0 : index
    %swap3A_30 = arith.constant 0 : index
    %swap3A_31 = vector.load %arg6[%swap3A, %swap3A_30] : memref<1024x128xf32, #tpu.memory_space<vmem>>, vector<1024x128xf32>
    tpu.vector_store %arg6[%swap3A, %swap3A_30], %add3A_29 {strides = array<i32>} : memref<1024x128xf32, #tpu.memory_space<vmem>>, vector<1024x128xf32>,
    return
  }
  func.func @transform_0(%arg0: i32) -> (i32, i32, i32) {
    %c0_i32 = arith.constant 0 : i32
    %c0_i32_0 = arith.constant 0 : i32
    %c0_i32_1 = arith.constant 0 : i32
    return %c0_i32, %arg0, %c0_i32_0 : i32, i32, i32
  }
  func.func @transform_1(%arg0: i32) -> (i32, i32, i32) {
    %c1_i32 = arith.constant 1 : i32
    %c0_i32 = arith.constant 0 : i32
    %c0_i32_0 = arith.constant 0 : i32
    return %c1_i32, %arg0, %c0_i32 : i32, i32, i32
  }
  func.func @transform_2(%arg0: i32) -> (i32, i32, i32) {
    %c0_i32 = arith.constant 0 : i32
    %c0_i32_0 = arith.constant 0 : i32
    %c0_i32_1 = arith.constant 0 : i32
    return %c0_i32, %arg0, %c0_i32_0 : i32, i32, i32
  }
  func.func @transform_3(%arg0: i32) -> (i32, i32, i32) {
    %c1_i32 = arith.constant 1 : i32
    %c0_i32 = arith.constant 0 : i32
    %c0_i32_0 = arith.constant 0 : i32
    return %c1_i32, %arg0, %c0_i32 : i32, i32, i32
  }
  func.func @transform_4(%arg0: i32) -> (i32, i32) {
    %c0_i32 = arith.constant 0 : i32
    %c0_i32_0 = arith.constant 0 : i32
    %c0_i32_1 = arith.constant 0 : i32
    return %c0_i32, %c0_i32_0 : i32, i32
  }
  func.func @transform_5(%arg0: i32) -> (i32, i32) {
    %c0_i32 = arith.constant 0 : i32
    %c0_i32_0 = arith.constant 0 : i32
    return %arg0, %c0_i32 : i32, i32
  }
}

</mosaic_0001>

<sc_bundles>
// kernel: kernel.11.cloned.1.call-start
scs
__scs_entry_jumppad:
0x0: {  	(pc) =	sbr.rel $0x88, $3  }
0x1: {  	(tag) =	ssettag $0x0;
	lr =	simm.s32 $0x1  }
0x2: {  	[smem:$0x3F96] =	sst lr;
	_ =	strace $0xD0000000  }
0x3: {  	_ = 	snop  }
0x4: {  	_ = 	snop  }
0x5: {  	_ = 	snop  }
0x6: {  	_ = 	snop  }
0x7: {  	_ = 	snop  }
__scs_overlays_trampoline_lowered:
0x8: {  	[smem:$0x3FA5] =	sst s0  }
0x9: {  	[smem:$0x3FA6] =	sst s1  }
0xa: {  	[smem:$0x3FA7] =	sst s2  }
0xb: {  	[smem:$0x3FA8] =	sst s3  }
0xc: {  	[smem:$0x3FA9] =	sst s4  }
0xd: {  	[smem:$0x3FAA] =	sst s5  }
0xe: {  	[smem:$0x3FAB] =	sst s6  }
0xf: {  	[smem:$0x3FAC] =	sst s7  }
0x10: {  	[smem:$0x3FAD] =	sst s8  }
0x11: {  	[smem:$0x3FAE] =	sst s9;
	s0 =	simm.s32 @!p0 $0x0  }
0x12: {  	s1 =	sld [smem:$0x3F94];
	s0 =	simm.s32 @p0 $0x1  }
0x13: {  	[smem:$0x3FAF] =	sst s0;
	s0 =	simm.s32 @!p1 $0x0  }
0x14: {  	s2 =	sld [smem:$0x3F93];
	s0 =	simm.s32 @p1 $0x1  }
0x15: {  	[smem:$0x3FB0] =	sst s0;
	s0 =	simm.s32 @!p2 $0x0  }
0x16: {  	s3 =	sld [smem:$0x3FDB];
	s0 =	simm.s32 @p2 $0x1  }
0x17: {  	s4 =	simm.s32 $0x1BF5;
	[smem:$0x3FB2] =	sst s0  }
0x18: {  	s0 =	sld [smem:$0x3F95];
	_ =	swait.ge [sflag:s4], $0x0  }
0x19: {  	s7 =	sld [smem:$0x3F96]  }
0x1a: {  	s8 =	sadd.s32 $0xFFFFE003, lr  }
0x1b: {  	s9 =	sadd.s32 $0xFFFFFEF7, lr;
	s5 =	simm.s32 $0xFFFFFFFF;
	p2 =	slt.u32 s8, $0xFFFFF086  }
0x1c: {  	p1 =	slt.u32 s9, $0xF7A;
	s5 =	simm.s32 @!p2 $0x0  }
0x1d: {  	s5 =	simm.s32 @p1 $0x1;
	p0 =	seq.s32 s7, s2  }
0x1e: {  	s7 =	smul.u32 @!p0 $0xF7A, s2;
	p2 =	seq.s32 @!p0 s5, $0x0  }
0x1f: {  	s9 =	smul.u32 $0xF7A, s1;
	s8 =	simm.s32 @!p0 $0x1BF5;
	p2 =	por !p2, p0  }
0x20: {  	[sflag:s8] =	ssyncset.s32 @!p0 $0xFFFFF086;
	s6 =	sadd.s32 @!p0 s3, s7;
	s7 =	simm.s32 @!p0 $0x108  }
0x21: {  	s3 =	sadd.s32 s3, s9;
	s6 =	sadd.s32 @!p0 $0x88, s6;
	s7 =	simm.s32 @p2 $0x1082  }
0x22: {  	[simem:s7], [sflag:s8] =	dma.local @!p0 [hbm:s6], $0xF7A  }
0x23: {  	s9 =	sor.u32 $0xD0000000, s2;
	s6 =	simm.s32 $0x108;
	_ =	swait.ge @!p0 [sflag:s8], $0x0  }
0x24: {  	s3 =	sadd.s32 $0x88, s3;
	s6 =	simm.s32 @!p1 $0x1082;
	[sflag:s4] =	ssyncset.s32 $0xFFFFF086  }
0x25: {  	[simem:s6], [sflag:s4] =	dma.local [hbm:s3], $0xF7A  }
0x26: {  	[smem:$0x3F96] =	sst s1;
	(tag) =	ssettag s2;
	_ =	strace s9  }
0x27: {  	s1 =	sld [smem:$0x3FA6]  }
0x28: {  	s2 =	sld [smem:$0x3FA7]  }
0x29: {  	s4 =	sld [smem:$0x3FA9]  }
0x2a: {  	p0 =	seq.s32 s5, $0x0;
	s5 =	sld [smem:$0x3FAA]  }
0x2b: {  	s6 =	sld [smem:$0x3FAB]  }
0x2c: {  	s7 =	sld [smem:$0x3FAC]  }
0x2d: {  	s3 =	simm.s32 $0x108;
	s8 =	sld [smem:$0x3FAD]  }
0x2e: {  	s3 =	simm.s32 @!p0 $0x1082;
	s9 =	sld [smem:$0x3FAE]  }
0x2f: {  	lr =	sadd.s32 s0, s3;
	s0 =	sld [smem:$0x3FA5]  }
0x30: {  	s3 =	sld [smem:$0x3FA8]  }
0x31: {  	[smem:$0x3FB1] =	sst s10  }
0x32: {  	s10 =	sld [smem:$0x3FAF];
	_ =	sdelay $0x3  }
0x33: {  	p0 =	seq.s32 s10, $0x1;
	s10 =	sld [smem:$0x3FB1];
	_ =	sdelay $0x3  }
0x34: {  	[smem:$0x3FB1] =	sst s10  }
0x35: {  	s10 =	sld [smem:$0x3FB0];
	_ =	sdelay $0x3  }
0x36: {  	p1 =	seq.s32 s10, $0x1;
	s10 =	sld [smem:$0x3FB1];
	_ =	sdelay $0x3  }
0x37: {  	[smem:$0x3FB1] =	sst s10  }
0x38: {  	s10 =	sld [smem:$0x3FB2]  }
0x39: {  	_ = 	snop;
	(pc) =	sbr.ind lr, $3  }
0x3a: {  	_ = 	snop  }
0x3b: {  	_ = 	snop  }
0x3c: {  	p2 =	seq.s32 s10, $0x1;
	s10 =	sld [smem:$0x3FB1]  }
0x3d: {  	_ =	shalt  }
0x3e: {  	_ =	shalt  }
0x3f: {  	_ =	shalt  }
0x40: {  	_ =	shalt  }
0x41: {  	_ =	shalt  }
0x42: {  	_ =	shalt  }
0x43: {  	_ =	shalt  }
0x44: {  	_ =	shalt  }
0x45: {  	_ =	shalt  }
0x46: {  	_ =	shalt  }
0x47: {  	_ =	shalt  }
0x48: {  	_ =	shalt  }
0x49: {  	_ =	shalt  }
0x4a: {  	_ =	shalt  }
0x4b: {  	_ =	shalt  }
0x4c: {  	_ =	shalt  }
0x4d: {  	_ =	shalt  }
0x4e: {  	_ =	shalt  }
0x4f: {  	_ =	shalt  }
0x50: {  	_ =	shalt  }
0x51: {  	_ =	shalt  }
0x52: {  	_ =	shalt  }
0x53: {  	_ =	shalt  }
0x54: {  	_ =	shalt  }
0x55: {  	_ =	shalt  }
0x56: {  	_ =	shalt  }
0x57: {  	_ =	shalt  }
0x58: {  	_ =	shalt  }
0x59: {  	_ =	shalt  }
0x5a: {  	_ =	shalt  }
0x5b: {  	_ =	shalt  }
0x5c: {  	_ =	shalt  }
0x5d: {  	_ =	shalt  }
0x5e: {  	_ =	shalt  }
0x5f: {  	_ =	shalt  }
0x60: {  	_ =	shalt  }
0x61: {  	_ =	shalt  }
0x62: {  	_ =	shalt  }
0x63: {  	_ =	shalt  }
0x64: {  	_ =	shalt  }
0x65: {  	_ =	shalt  }
0x66: {  	_ =	shalt  }
0x67: {  	_ =	shalt  }
0x68: {  	_ =	shalt  }
0x69: {  	_ =	shalt  }
0x6a: {  	_ =	shalt  }
0x6b: {  	_ =	shalt  }
0x6c: {  	_ =	shalt  }
0x6d: {  	_ =	shalt  }
0x6e: {  	_ =	shalt  }
0x6f: {  	_ =	shalt  }
0x70: {  	_ =	shalt  }
0x71: {  	_ =	shalt  }
0x72: {  	_ =	shalt  }
0x73: {  	_ =	shalt  }
0x74: {  	_ =	shalt  }
0x75: {  	_ =	shalt  }
0x76: {  	_ =	shalt  }
0x77: {  	_ =	shalt  }
0x78: {  	_ =	shalt  }
0x79: {  	_ =	shalt  }
0x7a: {  	_ =	shalt  }
0x7b: {  	_ =	shalt  }
0x7c: {  	_ =	shalt  }
0x7d: {  	_ =	shalt  }
0x7e: {  	_ =	shalt  }
0x7f: {  	_ =	shalt  }
0x80: {  	_ =	shalt  }
0x81: {  	_ =	shalt  }
0x82: {  	_ =	shalt  }
0x83: {  	_ =	shalt  }
0x84: {  	_ =	shalt  }
0x85: {  	_ =	shalt  }
0x86: {  	_ =	shalt  }
0x87: {  	_ =	shalt  }
.Lfunc_end0:
.L_simem_size_0:
called_computation.1_lowered:
.L_overlay_start_0:
0x88: {  	s2 =	sld [smem:$0x3FD9]  }
0x89: {  	s3 =	sld [smem:$0x3FFE];
	_ =	sdelay $0x1  }
0x8a: {  	s1 =	srdreg.scid  }
0x8b: {  	s0 =	sand.u32 $0x1, s1  }
0x8c: {  	s17 =	sshll.u32 s0, $0xA;
	s2 =	sadd.s32 s3, s2  }
0x8d: {  	s2 =	sadd.s32 s2, s17  }
0x8e: {  	[smem:$0x3FBD] =	sst s2  }
0x8f: {  	_ = 	snop  }
0x90: {  	(tm) =	ssettm $0x1  }
0x91: {  	s18 =	sld [smem:$0x3FFB];
	_ =	sdelay $0x3  }
0x92: {  	_ =	strace s18  }
0x93: {  	s2 =	sld [smem:$0x3FFC];
	_ =	sdelay $0x3  }
0x94: {  	_ =	strace s2  }
0x95: {  	s2 =	sld [smem:$0x3FFD];
	_ =	sdelay $0x3  }
0x96: {  	_ =	strace s2  }
0x97: {  	_ =	strace $0x8FFFFFFF  }
0x98: {  	s19 =	sld [smem:$0x3FDB];
	_ =	sdelay $0x1  }
0x99: {  	s20 =	simm.s32 $_scs_section_size  }
0x9a: {  	s4 =	simm.s32 $_size__tile_overlayer_lowered;
	s5 =	simm.s32 $_tile_overlayer_lowered  }
0x9b: {  	s6 =	simm.s32 $0x1BFF;
	s21 =	sshll.u32 s5, $0x1;
	s3 =	sadd.s32 s20, s19  }
0x9c: {  	s22 =	simm.s32 $0x0;
	s4 =	sshll.u32 s4, $0x1;
	s5 =	sadd.s32 s21, s3  }
0x9d: {  	[timem:s22], [sflag:s6] =	dma.local [hbm:s5], s4  }
0x9e: {  	_ =	swait.ge [sflag:s6], s4  }
0x9f: {  	s4 =	ssub.s32 $0x0, s4;
	[sflag:s6] =	ssyncset.done $0x0  }
0xa0: {  	[sflag:s6] =	ssyncadd.s32 s4;
	_ =	sdelay $0x1  }
0xa1: {  	s23 =	simm.s32 $0x1B8B  }
0xa2: {  	_ =	swait.ge [sflag:s23], $0x1  }
0xa3: {  	[sflag:s23] =	ssyncset.done $0x0  }
0xa4: {  	[sflag:s23] =	ssyncadd.s32 $0xFFFFFFFF  }
0xa5: {  	s4 =	sld [smem:$0x0]  }
0xa6: {  	s5 =	sand.u32 $0xFFFFFFFE, s1  }
0xa7: {  	p0 =	sne.s32 s1, s5  }
0xa8: {  	s5 =	sshll.u32 @p0 s5, $0xE  }
0xa9: {  	s5 =	sadd.s32 @p0 $0x11B8D, s5;
	s6 =	sshll.u32 @p0 s4, $0x11  }
0xaa: {  	s5 =	sor.u32 @p0 s6, s5  }
0xab: {  	[sflag:s5] =	ssyncadd.remote.s32 @p0 $0x1;
	_ =	sdelay $0x1  }
0xac: {  	s5 =	simm.s32 @p0 $0x1B8D  }
0xad: {  	_ =	swait.eq @p0 [sflag:s5], $0x1  }
0xae: {  	[sflag:s5] =	ssyncadd.s32 @p0 $0xFFFFFFFF  }
0xaf: {  	s6 =	sshll.u32 @!p0 s1, $0xE  }
0xb0: {  	s6 =	sor.u32 @!p0 $0x4000, s6;
	s5 =	simm.s32 @!p0 $0x1B8D  }
0xb1: {  	s4 =	sshll.u32 @!p0 s4, $0x11;
	s6 =	sadd.s32 @!p0 $0x11B8D, s6;
	_ =	swait.eq @!p0 [sflag:s5], $0x1  }
0xb2: {  	s4 =	sor.u32 @!p0 s4, s6;
	[sflag:s5] =	ssyncadd.s32 @!p0 $0xFFFFFFFF  }
0xb3: {  	s25 =	simm.s32 $0x1B8E;
	s24 =	sld [smem:$0x3FFE];
	[sflag:s4] =	ssyncadd.remote.s32 @!p0 $0x1  }
0xb4: {  	s26 =	simm.s32 $execute0_lowered;
	[smem:$0x3FD2] =	sst s25  }
0xb5: {  	s5 =	sshll.u32 s26, $0x1;
	_ =	strace $0x8000004C;
	[dreg:$0x1] =	wrdreg $0xFFFFFFFF  }
0xb6: {  	s28 =	simm.s32 $_size_execute0_lowered;
	s3 =	sadd.s32 s3, s5;
	[dreg:$0x0] =	wrdreg $0x0  }
0xb7: {  	s5 =	sshll.u32 s28, $0x1;
	[dreg:$0x2] =	wrdreg s3  }
0xb8: {  	[dreg:$0x3] =	wrdreg s5  }
0xb9: {  	[dreg:$0x4] =	wrdreg $0xC0  }
0xba: {  	_ =	task [dreg:s22], $0x5FFFF  }
0xbb: {  	[dreg:$0x1] =	wrdreg $0xFFFFFFFF  }
0xbc: {  	[dreg:$0x0] =	wrdreg $0x60  }
0xbd: {  	[dreg:$0x2] =	wrdreg s24  }
0xbe: {  	[dreg:$0x3] =	wrdreg $0x0  }
0xbf: {  	[dreg:$0x4] =	wrdreg $0x9  }
0xc0: {  	_ =	task.clear_ibuf [dreg:s22], $0x5FFFF;
	_ =	strace $0x9000004C  }
0xc1: {  	s29 =	simm.s32 $0x9;
	_ =	strace $0x8000004E  }
0xc2: {  	_ =	swait.ge [sflag:s29], $0x1  }
0xc3: {  	[sflag:s29] =	ssyncadd.s32 $0xFFFFFFFF  }
0xc4: {  	_ =	strace $0x9000004E  }
0xc5: {  	_ =	sfence  }
0xc6: {  	s30 =	sld [smem:$0x0];
	_ =	sdelay $0x2  }
0xc7: {  	s31 =	sshll.u32 s1, $0xD;
	s1 =	sshrl.u32 s1, $0x2  }
0xc8: {  	s4 =	sand.u32 $0x4000, s31;
	s1 =	sadd.s32 s1, s30  }
0xc9: {  	s0 =	sor.u32 s4, s0;
	s1 =	sshll.u32 s1, $0x11  }
0xca: {  	s0 =	sor.u32 s1, s0  }
0xcb: {  	s0 =	sadd.s32 $0x8F2B, s0  }
0xcc: {  	[sflag:s0] =	ssyncadd.remote.s32 $0x1  }
0xcd: {  	_ =	sfence.sel $0xFFFF  }
0xce: {  	[dreg:$0x0] =	wrdreg $0xFFFFFFFF;
	(pc) =	sbr.abs _section_cstart, $3  }
0xcf: {  	[dreg:$0x1] =	wrdreg $0xFFFFFFFF  }
0xd0: {  	_ =	task.clear_ibuf [dreg:s22], $0x2FFFF;
	_ =	strace $0x9FFFFFFF  }
0xd1: {  	(tm) =	ssettm $0x7FFFFFFF  }
tec
execute0_lowered:
.L_overlay_start_1:
0x0: {  	(tag) =	ssettag $0x1  }
0x1: {  	s0 =	rddreg [dreg:$0x0]  }
0x2: {  	s2 =	rddreg [dreg:$0x1]  }
0x3: {  	s3 =	simm.s32 $0x0;
	s24 =	stileid.u32;
	s4 =	srdreg.scid  }
0x4: {  	s28 =	simm.s32 $0x400;
	s29 =	simm.s32 $0x800;
	s1 =	smul.u32 $0x9C4, s24  }
0x5: {  	s30 =	simm.s32 $0x14080;
	s31 =	simm.s32 $0x16900;
	s5 =	smul.u32 $0x50000, s24  }
0x6: {  	[smem:$0x7FF] =	sst s3;
	s12 =	sand.u32 $0x1, s4;
	s13 =	smul.u32 $0x14000, s24  }
0x7: {  	s14 =	sadd.s32 $0xEBB200, s0;
	_ =	strace $0x8000004D;
	s4 =	ssub.s32 $0x2, s12  }
0x8: {  	s22 =	smul.u32 $0x140000, s12;
	s12 =	sshll.u32 s12, $0xA;
	s1 =	sadd.s32 s1, s0  }
0x9: {  	s0 =	sadd.s32 $0x65200, s0;
	s6 =	sshrl.u32 s4, $0x1;
	s5 =	sshrl.u32 s5, $0x2  }
0xa: {  	s15 =	sor.u32 $0x2800, s13;
	s17 =	sadd.s32 $0x5000, s13;
	s18 =	sadd.s32 $0x7800, s13  }
0xb: {  	s19 =	sadd.s32 $0xA000, s13;
	s20 =	sadd.s32 $0xC800, s13;
	s21 =	sadd.s32 $0xF000, s13  }
0xc: {  	s23 =	sadd.s32 $0x11800, s13;
	s16 =	ssub.s32 s4, s6;
	s4 =	sadd.s32 s5, s2  }
0xd: {  	s5 =	sadd.s32 s15, s2;
	s6 =	sadd.s32 s17, s2;
	s7 =	sadd.s32 s18, s2  }
0xe: {  	s8 =	sadd.s32 s19, s2;
	s9 =	sadd.s32 s20, s2;
	s10 =	sadd.s32 s21, s2  }
0xf: {  	s11 =	sadd.s32 s23, s2;
	s13 =	sadd.s32 s13, s22;
	s15 =	sadd.s32 s22, s15  }
0x10: {  	s17 =	sadd.s32 s22, s17;
	s18 =	sadd.s32 s22, s18;
	s13 =	sshrl.u32 s13, $0x3  }
0x11: {  	s25 =	sshrl.u32 s15, $0x3;
	s26 =	sshrl.u32 s17, $0x3;
	s13 =	sadd.s32 s0, s13  }
0x12: {  	s17 =	sadd.s32 s0, s26;
	s26 =	sadd.s32 s22, s20;
	[dreg:$0x3] =	wrdreg s13  }
0x13: {  	s20 =	sadd.s32 s22, s23;
	s13 =	sadd.s32 s0, s25;
	[dreg:$0x5] =	wrdreg s17  }
0x14: {  	s25 =	sadd.s32 s22, s19;
	s19 =	sadd.s32 s22, s21;
	s21 =	smul.u32 $0x4E2000, s24  }
0x15: {  	s24 =	sshrl.u32 s20, $0x3;
	s20 =	smax.u32 s16, $0x1;
	s17 =	sadd.s32 $0xB400, s1  }
0x16: {  	s1 =	simm.s32 $0x50;
	[dreg:$0x4] =	wrdreg s13;
	s13 =	sshrl.u32 s18, $0x3  }
0x17: {  	s15 =	sshrl.u32 s25, $0x3;
	s18 =	sshrl.u32 s26, $0x3;
	s13 =	sadd.s32 s0, s13  }
0x18: {  	s23 =	sshrl.u32 s19, $0x3;
	s22 =	sadd.s32 s0, s18;
	[dreg:$0x6] =	wrdreg s13  }
0x19: {  	s12 =	sor.u32 s12, s21;
	s13 =	sadd.s32 s0, s15;
	[dreg:$0x8] =	wrdreg s22  }
0x1a: {  	s25 =	sshrl.u32 s12, $0x3;
	s12 =	sadd.s32 $0x5000, s12;
	s15 =	simm.s32 $0x0  }
0x1b: {  	[dreg:$0x7] =	wrdreg s13;
	s13 =	sadd.s32 s0, s23;
	s0 =	sadd.s32 s0, s24  }
0x1c: {  	s21 =	sadd.s32 s25, s14;
	s26 =	sshrl.u32 s12, $0x3;
	s24 =	simm.s32 $0x14100  }
0x1d: {  	s25 =	simm.s32 $0x5;
	s12 =	simm.s32 $0x2;
	[dreg:$0x9] =	wrdreg s13  }
0x1e: {  	[dreg:$0xa] =	wrdreg s0;
	s23 =	sadd.s32 s26, s14;
	s26 =	simm.s32 $0x14000  }
0x1f: {  	v0 =	vimm.f32 $0.0e+00;
	s0 =	simm.s32 $0x1;
	s13 =	simm.s32 $0x3;
	s14 =	simm.s32 $0x4  }
.LBB2_1:
0x20: {  	s16 =	simm.s32 $0x0;
	s22 =	simm.s32 $0x200  }
.LBB2_2:
0x21: {  	p0 =	sne.s32 s22, $0x9E00;
	[tilespmem:s16+$0x14170] =	vst v0  }
0x22: {  	[tilespmem:s16+$0x14100] =	vst v0  }
0x23: {  	[tilespmem:s16+$0x14110] =	vst v0  }
.Ltmp0:
0x24: {  	[tilespmem:s16+$0x14120] =	vst v0;
	(pc) =	sbr.rel @p0 .LBB2_2-.Ltmp0, $4  }
0x25: {  	[tilespmem:s16+$0x14130] =	vst v0  }
0x26: {  	[tilespmem:s16+$0x14140] =	vst v0  }
0x27: {  	[tilespmem:s16+$0x14150] =	vst v0  }
0x28: {  	[tilespmem:s16+$0x14160] =	vst v0;
	s16 =	sshra.s32 s22, $0x2;
	s22 =	sadd.s32 $0x200, s22  }
0x29: {  	[tilespmem:s16+$0x14170] =	vst v0  }
0x2a: {  	[tilespmem:s16+$0x14100] =	vst v0  }
0x2b: {  	[tilespmem:s16+$0x14110] =	vst v0  }
0x2c: {  	[tilespmem:s16+$0x14120] =	vst v0  }
0x2d: {  	[tilespmem:s16+$0x14130] =	vst v0  }
0x2e: {  	[tilespmem:s16+$0x14140] =	vst v0  }
0x2f: {  	[tilespmem:s16+$0x14150] =	vst v0  }
0x30: {  	[tilespmem:s16+$0x14160] =	vst v0  }
0x31: {  	[spmem:s4] =	stream.linear.scatter [tilespmem:s24], [sflag:$0x5], $0x2800, $0x38;
	[tilespmem:$0x19100] =	vst v63  }
0x32: {  	_ =	swait.ge [sflag:s25], $0x2800  }
0x33: {  	[sflag:s25] =	ssyncset.done $0x0  }
0x34: {  	[sflag:s25] =	ssyncadd.s32 $0xFFFFD800  }
0x35: {  	[spmem:s5] =	stream.linear.scatter [tilespmem:s24], [sflag:$0x5], $0x2800, $0x38;
	[tilespmem:$0x19100] =	vst v63  }
0x36: {  	_ =	swait.ge [sflag:s25], $0x2800  }
0x37: {  	[sflag:s25] =	ssyncset.done $0x0  }
0x38: {  	[sflag:s25] =	ssyncadd.s32 $0xFFFFD800  }
0x39: {  	[spmem:s6] =	stream.linear.scatter [tilespmem:s24], [sflag:$0x5], $0x2800, $0x38;
	[tilespmem:$0x19100] =	vst v63  }
0x3a: {  	_ =	swait.ge [sflag:s25], $0x2800  }
0x3b: {  	[sflag:s25] =	ssyncset.done $0x0  }
0x3c: {  	[sflag:s25] =	ssyncadd.s32 $0xFFFFD800  }
0x3d: {  	[spmem:s7] =	stream.linear.scatter [tilespmem:s24], [sflag:$0x5], $0x2800, $0x38;
	[tilespmem:$0x19100] =	vst v63  }
0x3e: {  	_ =	swait.ge [sflag:s25], $0x2800  }
0x3f: {  	[sflag:s25] =	ssyncset.done $0x0  }
0x40: {  	[sflag:s25] =	ssyncadd.s32 $0xFFFFD800  }
0x41: {  	[spmem:s8] =	stream.linear.scatter [tilespmem:s24], [sflag:$0x5], $0x2800, $0x38;
	[tilespmem:$0x19100] =	vst v63  }
0x42: {  	_ =	swait.ge [sflag:s25], $0x2800  }
0x43: {  	[sflag:s25] =	ssyncset.done $0x0  }
0x44: {  	[sflag:s25] =	ssyncadd.s32 $0xFFFFD800  }
0x45: {  	[spmem:s9] =	stream.linear.scatter [tilespmem:s24], [sflag:$0x5], $0x2800, $0x38;
	[tilespmem:$0x19100] =	vst v63  }
0x46: {  	_ =	swait.ge [sflag:s25], $0x2800  }
0x47: {  	[sflag:s25] =	ssyncset.done $0x0  }
0x48: {  	[sflag:s25] =	ssyncadd.s32 $0xFFFFD800  }
0x49: {  	[spmem:s10] =	stream.linear.scatter [tilespmem:s24], [sflag:$0x5], $0x2800, $0x38;
	[tilespmem:$0x19100] =	vst v63  }
0x4a: {  	_ =	swait.ge [sflag:s25], $0x2800  }
0x4b: {  	[sflag:s25] =	ssyncset.done $0x0  }
0x4c: {  	[sflag:s25] =	ssyncadd.s32 $0xFFFFD800  }
0x4d: {  	[spmem:s11] =	stream.linear.scatter [tilespmem:s24], [sflag:$0x5], $0x2800, $0x38;
	[tilespmem:$0x19100] =	vst v63  }
0x4e: {  	_ =	swait.ge [sflag:s25], $0x2800  }
0x4f: {  	[sflag:s25] =	ssyncset.done $0x0  }
0x50: {  	[sflag:s25] =	ssyncadd.s32 $0xFFFFD800  }
0x51: {  	[bflag:$0x0] =	sbarrier.arrive $0xFFFF  }
0x52: {  	[tilespmem:s26], [sflag:$0x5] =	stream.linear.gather [hbm4b:s17+s3], $0x50, $0x38;
	[tilespmem:$0x19100] =	vst v63  }
0x53: {  	_ =	swait.ge [sflag:s25], $0x50  }
0x54: {  	[sflag:s25] =	ssyncset.done $0x0  }
0x55: {  	s18 =	sadd.s32 $0x0, s21;
	[sflag:s25] =	ssyncadd.s32 $0xFFFFFFB0  }
0x56: {  	[tilespmem:s24], [sflag:$0x1] =	stream.strided.gather [hbm4b:s18+s28], $0x2800, s29, s28, $0x38;
	[tilespmem:$0x19100] =	vst v63  }
0x57: {  	s19 =	sadd.s32 $0xA, s17  }
0x58: {  	[tilespmem:s30], [sflag:$0x5] =	stream.linear.gather [hbm4b:s19+s3], $0x50, $0x38;
	[tilespmem:$0x19100] =	vst v63  }
0x59: {  	_ =	swait.ge [sflag:s25], $0x50  }
0x5a: {  	[sflag:s25] =	ssyncset.done $0x0  }
0x5b: {  	s22 =	sadd.s32 $0x0, s23;
	[sflag:s25] =	ssyncadd.s32 $0xFFFFFFB0  }
0x5c: {  	[tilespmem:s31], [sflag:$0x2] =	stream.strided.gather [hbm4b:s22+s28], $0x2800, s29, s28, $0x38;
	[tilespmem:$0x19100] =	vst v63  }
0x5d: {  	_ =	swait.ge [sflag:s0], $0x2800  }
0x5e: {  	[sflag:s0] =	ssyncset.done $0x0  }
0x5f: {  	[sflag:s0] =	ssyncadd.s32 $0xFFFFD800  }
0x60: {  	[spmem:s2] =	stream.indirect.scatter.add.f32 [tilespmem:s24], [sflag:$0x3], $0x80, s26, s1, $0xb8;
	[tilespmem:$0x19100] =	vst v63  }
0x61: {  	_ =	swait.ge [sflag:s12], $0x2800  }
0x62: {  	[sflag:s12] =	ssyncset.done $0x0  }
0x63: {  	[sflag:s12] =	ssyncadd.s32 $0xFFFFD800  }
0x64: {  	[spmem:s2] =	stream.indirect.scatter.add.f32 [tilespmem:s31], [sflag:$0x4], $0x80, s30, s1, $0xb8;
	[tilespmem:$0x19100] =	vst v63  }
0x65: {  	_ =	swait.ge [sflag:s13], $0x2800  }
0x66: {  	[sflag:s13] =	ssyncset.done $0x0  }
0x67: {  	[sflag:s13] =	ssyncadd.s32 $0xFFFFD800  }
0x68: {  	_ =	swait.ge [sflag:s14], $0x2800  }
0x69: {  	s16 =	simm.s32 $0x1400;
	s22 =	smov.u32 s17;
	[sflag:s14] =	ssyncset.done $0x0  }
.LBB2_4:
0x6a: {  	p0 =	sne.s32 s16, $0x9B000;
	[sflag:s14] =	ssyncadd.s32 $0xFFFFD800;
	s22 =	sadd.s32 $0x14, s22  }
0x6b: {  	[tilespmem:s26], [sflag:$0x5] =	stream.linear.gather [hbm4b:s22+s3], $0x50, $0x38;
	[tilespmem:$0x19100] =	vst v63  }
0x6c: {  	s18 =	smov.u32 s16;
	s16 =	sadd.s32 $0x1400, s16;
	_ =	swait.ge [sflag:s25], $0x50  }
0x6d: {  	[sflag:s25] =	ssyncset.done $0x0  }
0x6e: {  	s19 =	sadd.s32 s18, s21;
	[sflag:s25] =	ssyncadd.s32 $0xFFFFFFB0  }
0x6f: {  	[tilespmem:s24], [sflag:$0x1] =	stream.strided.gather [hbm4b:s19+s28], $0x2800, s29, s28, $0x38;
	[tilespmem:$0x19100] =	vst v63  }
0x70: {  	s19 =	sadd.s32 $0xA, s22  }
0x71: {  	[tilespmem:s30], [sflag:$0x5] =	stream.linear.gather [hbm4b:s19+s3], $0x50, $0x38;
	[tilespmem:$0x19100] =	vst v63  }
0x72: {  	_ =	swait.ge [sflag:s25], $0x50  }
0x73: {  	[sflag:s25] =	ssyncset.done $0x0  }
0x74: {  	s18 =	sadd.s32 s18, s23;
	[sflag:s25] =	ssyncadd.s32 $0xFFFFFFB0  }
0x75: {  	[tilespmem:s31], [sflag:$0x2] =	stream.strided.gather [hbm4b:s18+s28], $0x2800, s29, s28, $0x38;
	[tilespmem:$0x19100] =	vst v63  }
0x76: {  	_ =	swait.ge [sflag:s0], $0x2800  }
0x77: {  	[sflag:s0] =	ssyncset.done $0x0  }
0x78: {  	[sflag:s0] =	ssyncadd.s32 $0xFFFFD800  }
0x79: {  	[spmem:s2] =	stream.indirect.scatter.add.f32 [tilespmem:s24], [sflag:$0x3], $0x80, s26, s1, $0xb8;
	[tilespmem:$0x19100] =	vst v63  }
0x7a: {  	_ =	swait.ge [sflag:s12], $0x2800  }
0x7b: {  	[sflag:s12] =	ssyncset.done $0x0  }
0x7c: {  	[sflag:s12] =	ssyncadd.s32 $0xFFFFD800  }
0x7d: {  	[spmem:s2] =	stream.indirect.scatter.add.f32 [tilespmem:s31], [sflag:$0x4], $0x80, s30, s1, $0xb8;
	[tilespmem:$0x19100] =	vst v63  }
.Ltmp1:
0x7e: {  	_ =	swait.ge [sflag:s13], $0x2800;
	(pc) =	sbr.rel @p0 .LBB2_4-.Ltmp1, $4  }
0x7f: {  	[sflag:s13] =	ssyncset.done $0x0  }
0x80: {  	[sflag:s13] =	ssyncadd.s32 $0xFFFFD800  }
0x81: {  	_ =	swait.ge [sflag:s14], $0x2800  }
0x82: {  	[sflag:s14] =	ssyncset.done $0x0  }
0x83: {  	[sflag:s14] =	ssyncadd.s32 $0xFFFFD800  }
0x84: {  	[bflag:$0x0] =	sbarrier.arrive $0xFFFF  }
0x85: {  	[tilespmem:s24], [sflag:$0x5] =	stream.linear.gather [spmem:s4], $0x2800, $0x38;
	[tilespmem:$0x19100] =	vst v63  }
0x86: {  	_ =	swait.ge [sflag:s25], $0x2800  }
0x87: {  	[sflag:s25] =	ssyncset.done $0x0  }
0x88: {  	s16 =	rddreg [dreg:$0x3];
	[sflag:s25] =	ssyncadd.s32 $0xFFFFD800  }
0x89: {  	[hbm4b:s16+s3] =	stream.linear.scatter [tilespmem:s24], [sflag:$0x5], $0x2800, $0x38;
	[tilespmem:$0x19100] =	vst v63  }
0x8a: {  	_ =	swait.ge [sflag:s25], $0x2800  }
0x8b: {  	[sflag:s25] =	ssyncset.done $0x0  }
0x8c: {  	[sflag:s25] =	ssyncadd.s32 $0xFFFFD800  }
0x8d: {  	[tilespmem:s24], [sflag:$0x5] =	stream.linear.gather [spmem:s5], $0x2800, $0x38;
	[tilespmem:$0x19100] =	vst v63  }
0x8e: {  	_ =	swait.ge [sflag:s25], $0x2800  }
0x8f: {  	[sflag:s25] =	ssyncset.done $0x0  }
0x90: {  	s22 =	rddreg [dreg:$0x4];
	[sflag:s25] =	ssyncadd.s32 $0xFFFFD800  }
0x91: {  	[hbm4b:s22+s3] =	stream.linear.scatter [tilespmem:s24], [sflag:$0x5], $0x2800, $0x38;
	[tilespmem:$0x19100] =	vst v63  }
0x92: {  	_ =	swait.ge [sflag:s25], $0x2800  }
0x93: {  	[sflag:s25] =	ssyncset.done $0x0  }
0x94: {  	[sflag:s25] =	ssyncadd.s32 $0xFFFFD800  }
0x95: {  	[tilespmem:s24], [sflag:$0x5] =	stream.linear.gather [spmem:s6], $0x2800, $0x38;
	[tilespmem:$0x19100] =	vst v63  }
0x96: {  	_ =	swait.ge [sflag:s25], $0x2800  }
0x97: {  	[sflag:s25] =	ssyncset.done $0x0  }
0x98: {  	s18 =	rddreg [dreg:$0x5];
	[sflag:s25] =	ssyncadd.s32 $0xFFFFD800  }
0x99: {  	[hbm4b:s18+s3] =	stream.linear.scatter [tilespmem:s24], [sflag:$0x5], $0x2800, $0x38;
	[tilespmem:$0x19100] =	vst v63  }
0x9a: {  	_ =	swait.ge [sflag:s25], $0x2800  }
0x9b: {  	[sflag:s25] =	ssyncset.done $0x0  }
0x9c: {  	[sflag:s25] =	ssyncadd.s32 $0xFFFFD800  }
0x9d: {  	[tilespmem:s24], [sflag:$0x5] =	stream.linear.gather [spmem:s7], $0x2800, $0x38;
	[tilespmem:$0x19100] =	vst v63  }
0x9e: {  	_ =	swait.ge [sflag:s25], $0x2800  }
0x9f: {  	[sflag:s25] =	ssyncset.done $0x0  }
0xa0: {  	s19 =	rddreg [dreg:$0x6];
	[sflag:s25] =	ssyncadd.s32 $0xFFFFD800  }
0xa1: {  	[hbm4b:s19+s3] =	stream.linear.scatter [tilespmem:s24], [sflag:$0x5], $0x2800, $0x38;
	[tilespmem:$0x19100] =	vst v63  }
0xa2: {  	_ =	swait.ge [sflag:s25], $0x2800  }
0xa3: {  	[sflag:s25] =	ssyncset.done $0x0  }
0xa4: {  	[sflag:s25] =	ssyncadd.s32 $0xFFFFD800  }
0xa5: {  	[tilespmem:s24], [sflag:$0x5] =	stream.linear.gather [spmem:s8], $0x2800, $0x38;
	[tilespmem:$0x19100] =	vst v63  }
0xa6: {  	_ =	swait.ge [sflag:s25], $0x2800  }
0xa7: {  	[sflag:s25] =	ssyncset.done $0x0  }
0xa8: {  	s22 =	rddreg [dreg:$0x7];
	[sflag:s25] =	ssyncadd.s32 $0xFFFFD800  }
0xa9: {  	[hbm4b:s22+s3] =	stream.linear.scatter [tilespmem:s24], [sflag:$0x5], $0x2800, $0x38;
	[tilespmem:$0x19100] =	vst v63  }
0xaa: {  	_ =	swait.ge [sflag:s25], $0x2800  }
0xab: {  	[sflag:s25] =	ssyncset.done $0x0  }
0xac: {  	[sflag:s25] =	ssyncadd.s32 $0xFFFFD800  }
0xad: {  	[tilespmem:s24], [sflag:$0x5] =	stream.linear.gather [spmem:s9], $0x2800, $0x38;
	[tilespmem:$0x19100] =	vst v63  }
0xae: {  	_ =	swait.ge [sflag:s25], $0x2800  }
0xaf: {  	[sflag:s25] =	ssyncset.done $0x0  }
0xb0: {  	s18 =	rddreg [dreg:$0x8];
	[sflag:s25] =	ssyncadd.s32 $0xFFFFD800  }
0xb1: {  	[hbm4b:s18+s3] =	stream.linear.scatter [tilespmem:s24], [sflag:$0x5], $0x2800, $0x38;
	[tilespmem:$0x19100] =	vst v63  }
0xb2: {  	_ =	swait.ge [sflag:s25], $0x2800  }
0xb3: {  	[sflag:s25] =	ssyncset.done $0x0  }
0xb4: {  	[sflag:s25] =	ssyncadd.s32 $0xFFFFD800  }
0xb5: {  	[tilespmem:s24], [sflag:$0x5] =	stream.linear.gather [spmem:s10], $0x2800, $0x38;
	[tilespmem:$0x19100] =	vst v63  }
0xb6: {  	_ =	swait.ge [sflag:s25], $0x2800  }
0xb7: {  	[sflag:s25] =	ssyncset.done $0x0  }
0xb8: {  	s19 =	rddreg [dreg:$0x9];
	[sflag:s25] =	ssyncadd.s32 $0xFFFFD800  }
0xb9: {  	[hbm4b:s19+s3] =	stream.linear.scatter [tilespmem:s24], [sflag:$0x5], $0x2800, $0x38;
	[tilespmem:$0x19100] =	vst v63  }
0xba: {  	_ =	swait.ge [sflag:s25], $0x2800  }
0xbb: {  	[sflag:s25] =	ssyncset.done $0x0  }
0xbc: {  	[sflag:s25] =	ssyncadd.s32 $0xFFFFD800  }
0xbd: {  	[tilespmem:s24], [sflag:$0x5] =	stream.linear.gather [spmem:s11], $0x2800, $0x38;
	[tilespmem:$0x19100] =	vst v63  }
0xbe: {  	s15 =	sadd.s32 $0x1, s15;
	_ =	swait.ge [sflag:s25], $0x2800  }
0xbf: {  	p0 =	sne.s32 s15, s20;
	[sflag:s25] =	ssyncset.done $0x0  }
.Ltmp2:
0xc0: {  	s22 =	rddreg [dreg:$0xa];
	[sflag:s25] =	ssyncadd.s32 $0xFFFFD800;
	(pc) =	sbr.rel @p0 .LBB2_1-.Ltmp2, $4  }
0xc1: {  	[hbm4b:s22+s3] =	stream.linear.scatter [tilespmem:s24], [sflag:$0x5], $0x2800, $0x38;
	[tilespmem:$0x19100] =	vst v63  }
0xc2: {  	_ =	swait.ge [sflag:s25], $0x2800  }
0xc3: {  	[sflag:s25] =	ssyncset.done $0x0  }
0xc4: {  	[sflag:s25] =	ssyncadd.s32 $0xFFFFD800  }
0xc5: {  	_ =	sfence.sel $0x180000  }
0xc6: {  	[bflag:$0x0] =	sbarrier.arrive $0xFFFF  }
0xc7: {  	_ =	strace $0x9000004D  }
0xc8: {  	s0 =	stileid.u32;
	[bflag:$0x2] =	sbarrier.arrive $0xFFFF  }
0xc9: {  	p0 =	sne.s32 s0, $0x0;
	s0 =	rddreg [dreg:$0x2]  }
0xca: {  	s0 =	sadd.s32 @!p0 $0x100000, s0  }
0xcb: {  	[sflag:s0] =	ssyncadd.tile.s32 @!p0 $0x1;
	_ =	shalt  }
.Lfunc_end2:
_tile_overlayer_lowered:
.L_overlay_start_2:
0xcc: {  	(tag) =	ssettag $0x2  }
0xcd: {  	s0 =	rddreg [dreg:$0x0];
	s2 =	stileid.u32  }
0xce: {  	s1 =	rddreg [dreg:$0x1];
	p0 =	sne.s32 s2, $0x0  }
0xcf: {  	s3 =	rddreg [dreg:$0x2];
	[bflag:$0x3] =	sbarrier.arrive $0xFFFF;
	s2 =	simm.s32 @!p0 $0x1C05  }
0xd0: {  	[timem:s3], [sflag:s2] =	dma.local @!p0 [hbm:s0], s1  }
0xd1: {  	s0 =	simm.s32 @!p0 $0x5  }
0xd2: {  	_ =	swait.ge @!p0 [sflag:s0], s1  }
0xd3: {  	s1 =	ssub.s32 @!p0 $0x0, s1;
	[sflag:s0] =	ssyncset.done @!p0 $0x0  }
0xd4: {  	[sflag:s0] =	ssyncadd.s32 @!p0 s1  }
0xd5: {  	[bflag:$0x3] =	sbarrier.arrive $0xFFFF  }
0xd6: {  	_ =	shalt  }

// kernel: kernel.14.cloned.1.call-start
scs
__scs_entry_jumppad:
0x0: {  	(pc) =	sbr.rel $0x88, $3  }
0x1: {  	(tag) =	ssettag $0x0;
	lr =	simm.s32 $0x1  }
0x2: {  	[smem:$0x3F96] =	sst lr;
	_ =	strace $0xD0000000  }
0x3: {  	_ = 	snop  }
0x4: {  	_ = 	snop  }
0x5: {  	_ = 	snop  }
0x6: {  	_ = 	snop  }
0x7: {  	_ = 	snop  }
__scs_overlays_trampoline_lowered:
0x8: {  	[smem:$0x3FA5] =	sst s0  }
0x9: {  	[smem:$0x3FA6] =	sst s1  }
0xa: {  	[smem:$0x3FA7] =	sst s2  }
0xb: {  	[smem:$0x3FA8] =	sst s3  }
0xc: {  	[smem:$0x3FA9] =	sst s4  }
0xd: {  	[smem:$0x3FAA] =	sst s5  }
0xe: {  	[smem:$0x3FAB] =	sst s6  }
0xf: {  	[smem:$0x3FAC] =	sst s7  }
0x10: {  	[smem:$0x3FAD] =	sst s8  }
0x11: {  	[smem:$0x3FAE] =	sst s9;
	s0 =	simm.s32 @!p0 $0x0  }
0x12: {  	s1 =	sld [smem:$0x3F94];
	s0 =	simm.s32 @p0 $0x1  }
0x13: {  	[smem:$0x3FAF] =	sst s0;
	s0 =	simm.s32 @!p1 $0x0  }
0x14: {  	s2 =	sld [smem:$0x3F93];
	s0 =	simm.s32 @p1 $0x1  }
0x15: {  	[smem:$0x3FB0] =	sst s0;
	s0 =	simm.s32 @!p2 $0x0  }
0x16: {  	s3 =	sld [smem:$0x3FDB];
	s0 =	simm.s32 @p2 $0x1  }
0x17: {  	s4 =	simm.s32 $0x1BF5;
	[smem:$0x3FB2] =	sst s0  }
0x18: {  	s0 =	sld [smem:$0x3F95];
	_ =	swait.ge [sflag:s4], $0x0  }
0x19: {  	s7 =	sld [smem:$0x3F96]  }
0x1a: {  	s8 =	sadd.s32 $0xFFFFE003, lr  }
0x1b: {  	s9 =	sadd.s32 $0xFFFFFEF7, lr;
	s5 =	simm.s32 $0xFFFFFFFF;
	p2 =	slt.u32 s8, $0xFFFFF086  }
0x1c: {  	p1 =	slt.u32 s9, $0xF7A;
	s5 =	simm.s32 @!p2 $0x0  }
0x1d: {  	s5 =	simm.s32 @p1 $0x1;
	p0 =	seq.s32 s7, s2  }
0x1e: {  	s7 =	smul.u32 @!p0 $0xF7A, s2;
	p2 =	seq.s32 @!p0 s5, $0x0  }
0x1f: {  	s9 =	smul.u32 $0xF7A, s1;
	s8 =	simm.s32 @!p0 $0x1BF5;
	p2 =	por !p2, p0  }
0x20: {  	[sflag:s8] =	ssyncset.s32 @!p0 $0xFFFFF086;
	s6 =	sadd.s32 @!p0 s3, s7;
	s7 =	simm.s32 @!p0 $0x108  }
0x21: {  	s3 =	sadd.s32 s3, s9;
	s6 =	sadd.s32 @!p0 $0x88, s6;
	s7 =	simm.s32 @p2 $0x1082  }
0x22: {  	[simem:s7], [sflag:s8] =	dma.local @!p0 [hbm:s6], $0xF7A  }
0x23: {  	s9 =	sor.u32 $0xD0000000, s2;
	s6 =	simm.s32 $0x108;
	_ =	swait.ge @!p0 [sflag:s8], $0x0  }
0x24: {  	s3 =	sadd.s32 $0x88, s3;
	s6 =	simm.s32 @!p1 $0x1082;
	[sflag:s4] =	ssyncset.s32 $0xFFFFF086  }
0x25: {  	[simem:s6], [sflag:s4] =	dma.local [hbm:s3], $0xF7A  }
0x26: {  	[smem:$0x3F96] =	sst s1;
	(tag) =	ssettag s2;
	_ =	strace s9  }
0x27: {  	s1 =	sld [smem:$0x3FA6]  }
0x28: {  	s2 =	sld [smem:$0x3FA7]  }
0x29: {  	s4 =	sld [smem:$0x3FA9]  }
0x2a: {  	p0 =	seq.s32 s5, $0x0;
	s5 =	sld [smem:$0x3FAA]  }
0x2b: {  	s6 =	sld [smem:$0x3FAB]  }
0x2c: {  	s7 =	sld [smem:$0x3FAC]  }
0x2d: {  	s3 =	simm.s32 $0x108;
	s8 =	sld [smem:$0x3FAD]  }
0x2e: {  	s3 =	simm.s32 @!p0 $0x1082;
	s9 =	sld [smem:$0x3FAE]  }
0x2f: {  	lr =	sadd.s32 s0, s3;
	s0 =	sld [smem:$0x3FA5]  }
0x30: {  	s3 =	sld [smem:$0x3FA8]  }
0x31: {  	[smem:$0x3FB1] =	sst s10  }
0x32: {  	s10 =	sld [smem:$0x3FAF];
	_ =	sdelay $0x3  }
0x33: {  	p0 =	seq.s32 s10, $0x1;
	s10 =	sld [smem:$0x3FB1];
	_ =	sdelay $0x3  }
0x34: {  	[smem:$0x3FB1] =	sst s10  }
0x35: {  	s10 =	sld [smem:$0x3FB0];
	_ =	sdelay $0x3  }
0x36: {  	p1 =	seq.s32 s10, $0x1;
	s10 =	sld [smem:$0x3FB1];
	_ =	sdelay $0x3  }
0x37: {  	[smem:$0x3FB1] =	sst s10  }
0x38: {  	s10 =	sld [smem:$0x3FB2]  }
0x39: {  	_ = 	snop;
	(pc) =	sbr.ind lr, $3  }
0x3a: {  	_ = 	snop  }
0x3b: {  	_ = 	snop  }
0x3c: {  	p2 =	seq.s32 s10, $0x1;
	s10 =	sld [smem:$0x3FB1]  }
0x3d: {  	_ =	shalt  }
0x3e: {  	_ =	shalt  }
0x3f: {  	_ =	shalt  }
0x40: {  	_ =	shalt  }
0x41: {  	_ =	shalt  }
0x42: {  	_ =	shalt  }
0x43: {  	_ =	shalt  }
0x44: {  	_ =	shalt  }
0x45: {  	_ =	shalt  }
0x46: {  	_ =	shalt  }
0x47: {  	_ =	shalt  }
0x48: {  	_ =	shalt  }
0x49: {  	_ =	shalt  }
0x4a: {  	_ =	shalt  }
0x4b: {  	_ =	shalt  }
0x4c: {  	_ =	shalt  }
0x4d: {  	_ =	shalt  }
0x4e: {  	_ =	shalt  }
0x4f: {  	_ =	shalt  }
0x50: {  	_ =	shalt  }
0x51: {  	_ =	shalt  }
0x52: {  	_ =	shalt  }
0x53: {  	_ =	shalt  }
0x54: {  	_ =	shalt  }
0x55: {  	_ =	shalt  }
0x56: {  	_ =	shalt  }
0x57: {  	_ =	shalt  }
0x58: {  	_ =	shalt  }
0x59: {  	_ =	shalt  }
0x5a: {  	_ =	shalt  }
0x5b: {  	_ =	shalt  }
0x5c: {  	_ =	shalt  }
0x5d: {  	_ =	shalt  }
0x5e: {  	_ =	shalt  }
0x5f: {  	_ =	shalt  }
0x60: {  	_ =	shalt  }
0x61: {  	_ =	shalt  }
0x62: {  	_ =	shalt  }
0x63: {  	_ =	shalt  }
0x64: {  	_ =	shalt  }
0x65: {  	_ =	shalt  }
0x66: {  	_ =	shalt  }
0x67: {  	_ =	shalt  }
0x68: {  	_ =	shalt  }
0x69: {  	_ =	shalt  }
0x6a: {  	_ =	shalt  }
0x6b: {  	_ =	shalt  }
0x6c: {  	_ =	shalt  }
0x6d: {  	_ =	shalt  }
0x6e: {  	_ =	shalt  }
0x6f: {  	_ =	shalt  }
0x70: {  	_ =	shalt  }
0x71: {  	_ =	shalt  }
0x72: {  	_ =	shalt  }
0x73: {  	_ =	shalt  }
0x74: {  	_ =	shalt  }
0x75: {  	_ =	shalt  }
0x76: {  	_ =	shalt  }
0x77: {  	_ =	shalt  }
0x78: {  	_ =	shalt  }
0x79: {  	_ =	shalt  }
0x7a: {  	_ =	shalt  }
0x7b: {  	_ =	shalt  }
0x7c: {  	_ =	shalt  }
0x7d: {  	_ =	shalt  }
0x7e: {  	_ =	shalt  }
0x7f: {  	_ =	shalt  }
0x80: {  	_ =	shalt  }
0x81: {  	_ =	shalt  }
0x82: {  	_ =	shalt  }
0x83: {  	_ =	shalt  }
0x84: {  	_ =	shalt  }
0x85: {  	_ =	shalt  }
0x86: {  	_ =	shalt  }
0x87: {  	_ =	shalt  }
.Lfunc_end0:
.L_simem_size_0:
called_computation.2_lowered:
.L_overlay_start_0:
0x88: {  	s2 =	sld [smem:$0x3FD9]  }
0x89: {  	s3 =	sld [smem:$0x3FFE];
	_ =	sdelay $0x1  }
0x8a: {  	s1 =	srdreg.scid  }
0x8b: {  	s0 =	sand.u32 $0x1, s1  }
0x8c: {  	s16 =	sshll.u32 s0, $0xA;
	s2 =	sadd.s32 s3, s2  }
0x8d: {  	s2 =	sadd.s32 s2, s16  }
0x8e: {  	[smem:$0x3FBD] =	sst s2  }
0x8f: {  	_ = 	snop  }
0x90: {  	(tm) =	ssettm $0x1  }
0x91: {  	s17 =	sld [smem:$0x3FFB];
	_ =	sdelay $0x3  }
0x92: {  	_ =	strace s17  }
0x93: {  	s2 =	sld [smem:$0x3FFC];
	_ =	sdelay $0x3  }
0x94: {  	_ =	strace s2  }
0x95: {  	s2 =	sld [smem:$0x3FFD];
	_ =	sdelay $0x3  }
0x96: {  	_ =	strace s2  }
0x97: {  	_ =	strace $0x8FFFFFFF  }
0x98: {  	s18 =	sld [smem:$0x3FDB];
	_ =	sdelay $0x1  }
0x99: {  	s19 =	simm.s32 $_scs_section_size  }
0x9a: {  	s4 =	simm.s32 $_size__tile_overlayer_lowered;
	s5 =	simm.s32 $_tile_overlayer_lowered  }
0x9b: {  	s22 =	simm.s32 $0x1BFF;
	s21 =	sshll.u32 s5, $0x1;
	s2 =	sadd.s32 s19, s18  }
0x9c: {  	s6 =	simm.s32 $0x0;
	s20 =	sshll.u32 s4, $0x1;
	s4 =	sadd.s32 s21, s2  }
0x9d: {  	[timem:s6], [sflag:s22] =	dma.local [hbm:s4], s20  }
0x9e: {  	_ =	swait.ge [sflag:s22], s20  }
0x9f: {  	s3 =	ssub.s32 $0x0, s20;
	[sflag:s22] =	ssyncset.done $0x0  }
0xa0: {  	[sflag:s22] =	ssyncadd.s32 s3;
	_ =	sdelay $0x1  }
0xa1: {  	s23 =	simm.s32 $0x1B8B  }
0xa2: {  	_ =	swait.ge [sflag:s23], $0x1  }
0xa3: {  	[sflag:s23] =	ssyncset.done $0x0  }
0xa4: {  	s25 =	simm.s32 $0x1B8E;
	s24 =	sld [smem:$0x3FFE];
	[sflag:s23] =	ssyncadd.s32 $0xFFFFFFFF  }
0xa5: {  	s26 =	simm.s32 $execute0_lowered;
	[smem:$0x3FD2] =	sst s25  }
0xa6: {  	s4 =	sshll.u32 s26, $0x1;
	_ =	strace $0x80000049;
	[dreg:$0x1] =	wrdreg $0xFFFFFFFF  }
0xa7: {  	s28 =	simm.s32 $_size_execute0_lowered;
	s2 =	sadd.s32 s2, s4;
	[dreg:$0x0] =	wrdreg $0x0  }
0xa8: {  	s4 =	sshll.u32 s28, $0x1;
	[dreg:$0x2] =	wrdreg s2  }
0xa9: {  	[dreg:$0x3] =	wrdreg s4  }
0xaa: {  	[dreg:$0x4] =	wrdreg $0xC0  }
0xab: {  	_ =	task [dreg:s6], $0x5FFFF  }
0xac: {  	[dreg:$0x1] =	wrdreg $0xFFFFFFFF  }
0xad: {  	[dreg:$0x0] =	wrdreg $0x60  }
0xae: {  	[dreg:$0x2] =	wrdreg s24  }
0xaf: {  	[dreg:$0x3] =	wrdreg $0x0  }
0xb0: {  	[dreg:$0x4] =	wrdreg $0xA  }
0xb1: {  	_ =	task.clear_ibuf [dreg:s6], $0x5FFFF;
	_ =	strace $0x90000049  }
0xb2: {  	s29 =	simm.s32 $0xA;
	_ =	strace $0x8000004B  }
0xb3: {  	_ =	swait.ge [sflag:s29], $0x1  }
0xb4: {  	[sflag:s29] =	ssyncadd.s32 $0xFFFFFFFF  }
0xb5: {  	_ =	strace $0x9000004B  }
0xb6: {  	_ =	sfence  }
0xb7: {  	s30 =	sld [smem:$0x0];
	_ =	sdelay $0x2  }
0xb8: {  	s31 =	sshll.u32 s1, $0xD;
	s1 =	sshrl.u32 s1, $0x2  }
0xb9: {  	s3 =	sand.u32 $0x4000, s31;
	s1 =	sadd.s32 s1, s30  }
0xba: {  	s0 =	sor.u32 s3, s0;
	s1 =	sshll.u32 s1, $0x11  }
0xbb: {  	s0 =	sor.u32 s1, s0  }
0xbc: {  	s0 =	sadd.s32 $0x8F2B, s0  }
0xbd: {  	[sflag:s0] =	ssyncadd.remote.s32 $0x1  }
0xbe: {  	_ =	sfence.sel $0xFFFF  }
0xbf: {  	[dreg:$0x0] =	wrdreg $0xFFFFFFFF;
	(pc) =	sbr.abs _section_cstart, $3  }
0xc0: {  	[dreg:$0x1] =	wrdreg $0xFFFFFFFF  }
0xc1: {  	_ =	task.clear_ibuf [dreg:s6], $0x2FFFF;
	_ =	strace $0x9FFFFFFF  }
0xc2: {  	(tm) =	ssettm $0x7FFFFFFF  }
0xc3: {  	_ =	shalt  }
tec
execute0_lowered:
.L_overlay_start_1:
0x0: {  	(tag) =	ssettag $0x1  }
0x1: {  	s0 =	rddreg [dreg:$0x0]  }
0x2: {  	s1 =	srdreg.scid;
	s14 =	stileid.u32  }
0x3: {  	s2 =	rddreg [dreg:$0x1];
	s28 =	simm.s32 $0x5;
	s5 =	smul.u32 $0x2710, s14  }
0x4: {  	s29 =	simm.s32 $0x14000;
	s1 =	sand.u32 $0x1, s1;
	s8 =	smul.u32 $0x14000, s14  }
0x5: {  	s30 =	simm.s32 $0x14080;
	s31 =	simm.s32 $0x16900;
	s3 =	smul.u32 $0x27100, s1  }
0x6: {  	s6 =	sadd.s32 $0xB400, s0;
	s9 =	sadd.s32 $0x9D9200, s0;
	s11 =	smul.u32 $0x140000, s1  }
0x7: {  	s0 =	sadd.s32 $0x15200, s0;
	s4 =	ssub.s32 $0x2, s1;
	s1 =	smul.u32 $0x271000, s1  }
0x8: {  	s7 =	sshrl.u32 s4, $0x1;
	s20 =	sadd.s32 $0x7800, s8;
	s21 =	sadd.s32 $0xA000, s8  }
0x9: {  	s22 =	sadd.s32 $0xC800, s8;
	s23 =	sadd.s32 $0xF000, s8;
	s24 =	sadd.s32 $0x11800, s8  }
0xa: {  	s4 =	ssub.s32 s4, s7;
	s3 =	sadd.s32 s5, s3;
	s5 =	sor.u32 $0x2800, s8  }
0xb: {  	s7 =	sadd.s32 $0x5000, s8;
	s8 =	sadd.s32 s8, s11;
	s15 =	sadd.s32 s11, s20  }
0xc: {  	s16 =	sadd.s32 s11, s21;
	s17 =	sadd.s32 s11, s22;
	s25 =	sadd.s32 s11, s23  }
0xd: {  	s1 =	sadd.s32 s1, s9;
	s20 =	sadd.s32 s20, s2;
	s21 =	sadd.s32 s21, s2  }
0xe: {  	s22 =	sadd.s32 s22, s2;
	s23 =	sadd.s32 s23, s2;
	s10 =	sadd.s32 $0x26C0, s3  }
0xf: {  	s26 =	sadd.s32 s11, s5;
	s8 =	sshrl.u32 s8, $0x3;
	s13 =	sadd.s32 s11, s7  }
0x10: {  	s12 =	sshrl.u32 s10, $0x3;
	s10 =	sshll.u32 s10, $0x4;
	s8 =	sadd.s32 s0, s8  }
0x11: {  	s13 =	sshrl.u32 s13, $0x3;
	s10 =	sadd.s32 s9, s10;
	[dreg:$0x4] =	wrdreg s8  }
0x12: {  	s19 =	sshrl.u32 s17, $0x3;
	s8 =	sadd.s32 s0, s13;
	[dreg:$0x3] =	wrdreg s10  }
0x13: {  	s17 =	sadd.s32 s6, s12;
	s10 =	sshrl.u32 s26, $0x3;
	[dreg:$0x6] =	wrdreg s8  }
0x14: {  	s8 =	sshrl.u32 s15, $0x3;
	[dreg:$0xc] =	wrdreg s17;
	s15 =	simm.s32 $0x0  }
0x15: {  	s26 =	sadd.s32 s11, s24;
	s10 =	sadd.s32 s0, s10;
	[smem:$0x7FF] =	sst s15  }
0x16: {  	s24 =	sadd.s32 s24, s2;
	s8 =	sadd.s32 s0, s8;
	[dreg:$0x5] =	wrdreg s10  }
0x17: {  	s11 =	sshrl.u32 s26, $0x3;
	s10 =	sshrl.u32 s16, $0x3;
	[dreg:$0x7] =	wrdreg s8  }
0x18: {  	s8 =	sadd.s32 s0, s19;
	s19 =	sadd.s32 $0x50, s3;
	s18 =	sadd.s32 s0, s10  }
0x19: {  	[dreg:$0x9] =	wrdreg s8;
	s8 =	sshrl.u32 s25, $0x3;
	s10 =	smul.u32 $0x27100, s14  }
0x1a: {  	s25 =	sshrl.u32 s19, $0x3;
	s19 =	sadd.s32 s7, s2;
	[dreg:$0x8] =	wrdreg s18  }
0x1b: {  	s8 =	sadd.s32 s0, s8;
	s0 =	sadd.s32 s0, s11;
	s11 =	smul.u32 $0x50000, s14  }
0x1c: {  	s18 =	sshrl.u32 s3, $0x3;
	s16 =	sadd.s32 s25, s6;
	s25 =	smax.u32 s4, $0x1  }
0x1d: {  	s3 =	simm.s32 $0x2;
	s4 =	simm.s32 $0x3;
	[dreg:$0xa] =	wrdreg s8  }
0x1e: {  	[dreg:$0xb] =	wrdreg s0;
	s13 =	sadd.s32 s10, s1;
	s14 =	sadd.s32 s18, s6  }
0x1f: {  	s18 =	sadd.s32 s5, s2;
	s0 =	simm.s32 $0x1;
	s1 =	simm.s32 $0x50  }
0x20: {  	s5 =	simm.s32 $0x4;
	s6 =	simm.s32 $0x0;
	s26 =	sshrl.u32 s11, $0x2  }
0x21: {  	v0 =	vimm.f32 $0.0e+00;
	_ =	strace $0x8000004A;
	s17 =	sadd.s32 s26, s2;
	s26 =	simm.s32 $0x14100  }
.LBB2_1:
0x22: {  	s7 =	simm.s32 $0x0;
	s8 =	simm.s32 $0x200  }
.LBB2_2:
0x23: {  	p0 =	sne.s32 s8, $0x9E00;
	[tilespmem:s7+$0x14170] =	vst v0  }
0x24: {  	[tilespmem:s7+$0x14100] =	vst v0  }
0x25: {  	[tilespmem:s7+$0x14110] =	vst v0  }
.Ltmp0:
0x26: {  	[tilespmem:s7+$0x14120] =	vst v0;
	(pc) =	sbr.rel @p0 .LBB2_2-.Ltmp0, $4  }
0x27: {  	[tilespmem:s7+$0x14130] =	vst v0  }
0x28: {  	[tilespmem:s7+$0x14140] =	vst v0  }
0x29: {  	[tilespmem:s7+$0x14150] =	vst v0  }
0x2a: {  	[tilespmem:s7+$0x14160] =	vst v0;
	s7 =	sshra.s32 s8, $0x2;
	s8 =	sadd.s32 $0x200, s8  }
0x2b: {  	[tilespmem:s7+$0x14170] =	vst v0  }
0x2c: {  	[tilespmem:s7+$0x14100] =	vst v0  }
0x2d: {  	[tilespmem:s7+$0x14110] =	vst v0  }
0x2e: {  	[tilespmem:s7+$0x14120] =	vst v0  }
0x2f: {  	[tilespmem:s7+$0x14130] =	vst v0  }
0x30: {  	[tilespmem:s7+$0x14140] =	vst v0  }
0x31: {  	[tilespmem:s7+$0x14150] =	vst v0  }
0x32: {  	[tilespmem:s7+$0x14160] =	vst v0  }
0x33: {  	[spmem:s17] =	stream.linear.scatter [tilespmem:s26], [sflag:$0x5], $0x2800, $0x38;
	[tilespmem:$0x19100] =	vst v63  }
0x34: {  	_ =	swait.ge [sflag:s28], $0x2800  }
0x35: {  	[sflag:s28] =	ssyncset.done $0x0  }
0x36: {  	[sflag:s28] =	ssyncadd.s32 $0xFFFFD800  }
0x37: {  	[spmem:s18] =	stream.linear.scatter [tilespmem:s26], [sflag:$0x5], $0x2800, $0x38;
	[tilespmem:$0x19100] =	vst v63  }
0x38: {  	_ =	swait.ge [sflag:s28], $0x2800  }
0x39: {  	[sflag:s28] =	ssyncset.done $0x0  }
0x3a: {  	[sflag:s28] =	ssyncadd.s32 $0xFFFFD800  }
0x3b: {  	[spmem:s19] =	stream.linear.scatter [tilespmem:s26], [sflag:$0x5], $0x2800, $0x38;
	[tilespmem:$0x19100] =	vst v63  }
0x3c: {  	_ =	swait.ge [sflag:s28], $0x2800  }
0x3d: {  	[sflag:s28] =	ssyncset.done $0x0  }
0x3e: {  	[sflag:s28] =	ssyncadd.s32 $0xFFFFD800  }
0x3f: {  	[spmem:s20] =	stream.linear.scatter [tilespmem:s26], [sflag:$0x5], $0x2800, $0x38;
	[tilespmem:$0x19100] =	vst v63  }
0x40: {  	_ =	swait.ge [sflag:s28], $0x2800  }
0x41: {  	[sflag:s28] =	ssyncset.done $0x0  }
0x42: {  	[sflag:s28] =	ssyncadd.s32 $0xFFFFD800  }
0x43: {  	[spmem:s21] =	stream.linear.scatter [tilespmem:s26], [sflag:$0x5], $0x2800, $0x38;
	[tilespmem:$0x19100] =	vst v63  }
0x44: {  	_ =	swait.ge [sflag:s28], $0x2800  }
0x45: {  	[sflag:s28] =	ssyncset.done $0x0  }
0x46: {  	[sflag:s28] =	ssyncadd.s32 $0xFFFFD800  }
0x47: {  	[spmem:s22] =	stream.linear.scatter [tilespmem:s26], [sflag:$0x5], $0x2800, $0x38;
	[tilespmem:$0x19100] =	vst v63  }
0x48: {  	_ =	swait.ge [sflag:s28], $0x2800  }
0x49: {  	[sflag:s28] =	ssyncset.done $0x0  }
0x4a: {  	[sflag:s28] =	ssyncadd.s32 $0xFFFFD800  }
0x4b: {  	[spmem:s23] =	stream.linear.scatter [tilespmem:s26], [sflag:$0x5], $0x2800, $0x38;
	[tilespmem:$0x19100] =	vst v63  }
0x4c: {  	_ =	swait.ge [sflag:s28], $0x2800  }
0x4d: {  	[sflag:s28] =	ssyncset.done $0x0  }
0x4e: {  	[sflag:s28] =	ssyncadd.s32 $0xFFFFD800  }
0x4f: {  	[spmem:s24] =	stream.linear.scatter [tilespmem:s26], [sflag:$0x5], $0x2800, $0x38;
	[tilespmem:$0x19100] =	vst v63  }
0x50: {  	_ =	swait.ge [sflag:s28], $0x2800  }
0x51: {  	[sflag:s28] =	ssyncset.done $0x0  }
0x52: {  	[sflag:s28] =	ssyncadd.s32 $0xFFFFD800  }
0x53: {  	s10 =	sadd.s32 $0x0, s14;
	[bflag:$0x0] =	sbarrier.arrive $0xFFFF  }
0x54: {  	[tilespmem:s29], [sflag:$0x5] =	stream.linear.gather [hbm4b:s10+s15], $0x50, $0x38;
	[tilespmem:$0x19100] =	vst v63  }
0x55: {  	_ =	swait.ge [sflag:s28], $0x50  }
0x56: {  	[sflag:s28] =	ssyncset.done $0x0  }
0x57: {  	[sflag:s28] =	ssyncadd.s32 $0xFFFFFFB0  }
0x58: {  	[tilespmem:s26], [sflag:$0x1] =	stream.linear.gather [hbm4b:s13+s15], $0x2800, $0x38;
	[tilespmem:$0x19100] =	vst v63  }
0x59: {  	s11 =	sadd.s32 $0x0, s16  }
0x5a: {  	[tilespmem:s30], [sflag:$0x5] =	stream.linear.gather [hbm4b:s11+s15], $0x50, $0x38;
	[tilespmem:$0x19100] =	vst v63  }
0x5b: {  	_ =	swait.ge [sflag:s28], $0x50  }
0x5c: {  	[sflag:s28] =	ssyncset.done $0x0  }
0x5d: {  	s12 =	sadd.s32 $0x500, s13;
	[sflag:s28] =	ssyncadd.s32 $0xFFFFFFB0  }
0x5e: {  	[tilespmem:s31], [sflag:$0x2] =	stream.linear.gather [hbm4b:s12+s15], $0x2800, $0x38;
	[tilespmem:$0x19100] =	vst v63  }
0x5f: {  	_ =	swait.ge [sflag:s0], $0x2800  }
0x60: {  	[sflag:s0] =	ssyncset.done $0x0  }
0x61: {  	[sflag:s0] =	ssyncadd.s32 $0xFFFFD800  }
0x62: {  	[spmem:s2] =	stream.indirect.scatter.add.f32 [tilespmem:s26], [sflag:$0x3], $0x80, s29, s1, $0xb8;
	[tilespmem:$0x19100] =	vst v63  }
0x63: {  	_ =	swait.ge [sflag:s3], $0x2800  }
0x64: {  	[sflag:s3] =	ssyncset.done $0x0  }
0x65: {  	[sflag:s3] =	ssyncadd.s32 $0xFFFFD800  }
0x66: {  	[spmem:s2] =	stream.indirect.scatter.add.f32 [tilespmem:s31], [sflag:$0x4], $0x80, s30, s1, $0xb8;
	[tilespmem:$0x19100] =	vst v63  }
0x67: {  	_ =	swait.ge [sflag:s4], $0x2800  }
0x68: {  	[sflag:s4] =	ssyncset.done $0x0  }
0x69: {  	[sflag:s4] =	ssyncadd.s32 $0xFFFFD800  }
0x6a: {  	s8 =	simm.s32 $0x14;
	_ =	swait.ge [sflag:s5], $0x2800  }
0x6b: {  	s9 =	simm.s32 $0x28;
	s7 =	sadd.s32 $0xA00, s13;
	[sflag:s5] =	ssyncset.done $0x0  }
.LBB2_4:
0x6c: {  	s10 =	sadd.s32 s8, s14  }
0x6d: {  	[sflag:s5] =	ssyncadd.s32 $0xFFFFD800;
	s11 =	smov.u32 s9;
	s12 =	sadd.s32 $0x14, s9  }
0x6e: {  	[tilespmem:s29], [sflag:$0x5] =	stream.linear.gather [hbm4b:s10+s15], $0x50, $0x38;
	[tilespmem:$0x19100] =	vst v63  }
0x6f: {  	p0 =	sne.s32 s9, $0x4C4;
	_ =	swait.ge [sflag:s28], $0x50  }
0x70: {  	[sflag:s28] =	ssyncset.done $0x0  }
0x71: {  	[sflag:s28] =	ssyncadd.s32 $0xFFFFFFB0  }
0x72: {  	[tilespmem:s26], [sflag:$0x1] =	stream.linear.gather [hbm4b:s7+s15], $0x2800, $0x38;
	[tilespmem:$0x19100] =	vst v63  }
0x73: {  	s9 =	sadd.s32 s8, s16;
	s8 =	smov.u32 s11  }
0x74: {  	[tilespmem:s30], [sflag:$0x5] =	stream.linear.gather [hbm4b:s9+s15], $0x50, $0x38;
	[tilespmem:$0x19100] =	vst v63  }
0x75: {  	_ =	swait.ge [sflag:s28], $0x50  }
0x76: {  	[sflag:s28] =	ssyncset.done $0x0  }
0x77: {  	s9 =	sadd.s32 $0x500, s7;
	[sflag:s28] =	ssyncadd.s32 $0xFFFFFFB0  }
0x78: {  	[tilespmem:s31], [sflag:$0x2] =	stream.linear.gather [hbm4b:s9+s15], $0x2800, $0x38;
	[tilespmem:$0x19100] =	vst v63  }
0x79: {  	_ =	swait.ge [sflag:s0], $0x2800  }
0x7a: {  	[sflag:s0] =	ssyncset.done $0x0  }
0x7b: {  	[sflag:s0] =	ssyncadd.s32 $0xFFFFD800  }
0x7c: {  	[spmem:s2] =	stream.indirect.scatter.add.f32 [tilespmem:s26], [sflag:$0x3], $0x80, s29, s1, $0xb8;
	[tilespmem:$0x19100] =	vst v63  }
0x7d: {  	_ =	swait.ge [sflag:s3], $0x2800  }
0x7e: {  	[sflag:s3] =	ssyncset.done $0x0  }
0x7f: {  	[sflag:s3] =	ssyncadd.s32 $0xFFFFD800  }
0x80: {  	[spmem:s2] =	stream.indirect.scatter.add.f32 [tilespmem:s31], [sflag:$0x4], $0x80, s30, s1, $0xb8;
	[tilespmem:$0x19100] =	vst v63  }
.Ltmp1:
0x81: {  	_ =	swait.ge [sflag:s4], $0x2800;
	(pc) =	sbr.rel @p0 .LBB2_4-.Ltmp1, $4  }
0x82: {  	[sflag:s4] =	ssyncset.done $0x0  }
0x83: {  	[sflag:s4] =	ssyncadd.s32 $0xFFFFD800  }
0x84: {  	_ =	swait.ge [sflag:s5], $0x2800  }
0x85: {  	s7 =	sadd.s32 $0xA00, s7;
	s9 =	smov.u32 s12;
	[sflag:s5] =	ssyncset.done $0x0  }
0x86: {  	s9 =	sadd.s32 s8, s14;
	[sflag:s5] =	ssyncadd.s32 $0xFFFFD800  }
0x87: {  	[tilespmem:s29], [sflag:$0x5] =	stream.linear.gather [hbm4b:s9+s15], $0x50, $0x38;
	[tilespmem:$0x19100] =	vst v63  }
0x88: {  	_ =	swait.ge [sflag:s28], $0x50  }
0x89: {  	[sflag:s28] =	ssyncset.done $0x0  }
0x8a: {  	[sflag:s28] =	ssyncadd.s32 $0xFFFFFFB0  }
0x8b: {  	[tilespmem:s26], [sflag:$0x1] =	stream.linear.gather [hbm4b:s7+s15], $0x2800, $0x38;
	[tilespmem:$0x19100] =	vst v63  }
0x8c: {  	s11 =	sadd.s32 s8, s16  }
0x8d: {  	[tilespmem:s30], [sflag:$0x5] =	stream.linear.gather [hbm4b:s11+s15], $0x50, $0x38;
	[tilespmem:$0x19100] =	vst v63  }
0x8e: {  	_ =	swait.ge [sflag:s28], $0x50  }
0x8f: {  	[sflag:s28] =	ssyncset.done $0x0  }
0x90: {  	s12 =	sadd.s32 $0x500, s7;
	[sflag:s28] =	ssyncadd.s32 $0xFFFFFFB0  }
0x91: {  	[tilespmem:s31], [sflag:$0x2] =	stream.linear.gather [hbm4b:s12+s15], $0x2800, $0x38;
	[tilespmem:$0x19100] =	vst v63  }
0x92: {  	_ =	swait.ge [sflag:s0], $0x2800  }
0x93: {  	[sflag:s0] =	ssyncset.done $0x0  }
0x94: {  	[sflag:s0] =	ssyncadd.s32 $0xFFFFD800  }
0x95: {  	[spmem:s2] =	stream.indirect.scatter.add.f32 [tilespmem:s26], [sflag:$0x3], $0x80, s29, s1, $0xb8;
	[tilespmem:$0x19100] =	vst v63  }
0x96: {  	_ =	swait.ge [sflag:s3], $0x2800  }
0x97: {  	[sflag:s3] =	ssyncset.done $0x0  }
0x98: {  	[sflag:s3] =	ssyncadd.s32 $0xFFFFD800  }
0x99: {  	[spmem:s2] =	stream.indirect.scatter.add.f32 [tilespmem:s31], [sflag:$0x4], $0x80, s30, s1, $0xb8;
	[tilespmem:$0x19100] =	vst v63  }
0x9a: {  	_ =	swait.ge [sflag:s4], $0x2800  }
0x9b: {  	[sflag:s4] =	ssyncset.done $0x0  }
0x9c: {  	[sflag:s4] =	ssyncadd.s32 $0xFFFFD800  }
0x9d: {  	_ =	swait.ge [sflag:s5], $0x2800  }
0x9e: {  	[sflag:s5] =	ssyncset.done $0x0  }
0x9f: {  	s8 =	rddreg [dreg:$0xc];
	[sflag:s5] =	ssyncadd.s32 $0xFFFFD800  }
0xa0: {  	[tilespmem:s29], [sflag:$0x5] =	stream.linear.gather [hbm4b:s8+s15], $0x50, $0x38;
	[tilespmem:$0x19100] =	vst v63  }
0xa1: {  	_ =	swait.ge [sflag:s28], $0x50  }
0xa2: {  	[sflag:s28] =	ssyncset.done $0x0  }
0xa3: {  	s9 =	rddreg [dreg:$0x3];
	[sflag:s28] =	ssyncadd.s32 $0xFFFFFFB0  }
0xa4: {  	[tilespmem:s26], [sflag:$0x5] =	stream.linear.gather [hbm4b:s9+s15], $0x2800, $0x38;
	[tilespmem:$0x19100] =	vst v63  }
0xa5: {  	_ =	swait.ge [sflag:s28], $0x2800  }
0xa6: {  	[sflag:s28] =	ssyncset.done $0x0  }
0xa7: {  	[sflag:s28] =	ssyncadd.s32 $0xFFFFD800  }
0xa8: {  	[spmem:s2] =	stream.indirect.scatter.add.f32 [tilespmem:s26], [sflag:$0x5], $0x80, s29, s1, $0xb8;
	[tilespmem:$0x19100] =	vst v63  }
0xa9: {  	_ =	swait.ge [sflag:s28], $0x2800  }
0xaa: {  	[sflag:s28] =	ssyncset.done $0x0  }
0xab: {  	[sflag:s28] =	ssyncadd.s32 $0xFFFFD800  }
0xac: {  	[bflag:$0x0] =	sbarrier.arrive $0xFFFF  }
0xad: {  	[tilespmem:s26], [sflag:$0x5] =	stream.linear.gather [spmem:s17], $0x2800, $0x38;
	[tilespmem:$0x19100] =	vst v63  }
0xae: {  	_ =	swait.ge [sflag:s28], $0x2800  }
0xaf: {  	[sflag:s28] =	ssyncset.done $0x0  }
0xb0: {  	s10 =	rddreg [dreg:$0x4];
	[sflag:s28] =	ssyncadd.s32 $0xFFFFD800  }
0xb1: {  	[hbm4b:s10+s15] =	stream.linear.scatter [tilespmem:s26], [sflag:$0x5], $0x2800, $0x38;
	[tilespmem:$0x19100] =	vst v63  }
0xb2: {  	_ =	swait.ge [sflag:s28], $0x2800  }
0xb3: {  	[sflag:s28] =	ssyncset.done $0x0  }
0xb4: {  	[sflag:s28] =	ssyncadd.s32 $0xFFFFD800  }
0xb5: {  	[tilespmem:s26], [sflag:$0x5] =	stream.linear.gather [spmem:s18], $0x2800, $0x38;
	[tilespmem:$0x19100] =	vst v63  }
0xb6: {  	_ =	swait.ge [sflag:s28], $0x2800  }
0xb7: {  	[sflag:s28] =	ssyncset.done $0x0  }
0xb8: {  	s11 =	rddreg [dreg:$0x5];
	[sflag:s28] =	ssyncadd.s32 $0xFFFFD800  }
0xb9: {  	[hbm4b:s11+s15] =	stream.linear.scatter [tilespmem:s26], [sflag:$0x5], $0x2800, $0x38;
	[tilespmem:$0x19100] =	vst v63  }
0xba: {  	_ =	swait.ge [sflag:s28], $0x2800  }
0xbb: {  	[sflag:s28] =	ssyncset.done $0x0  }
0xbc: {  	[sflag:s28] =	ssyncadd.s32 $0xFFFFD800  }
0xbd: {  	[tilespmem:s26], [sflag:$0x5] =	stream.linear.gather [spmem:s19], $0x2800, $0x38;
	[tilespmem:$0x19100] =	vst v63  }
0xbe: {  	_ =	swait.ge [sflag:s28], $0x2800  }
0xbf: {  	[sflag:s28] =	ssyncset.done $0x0  }
0xc0: {  	s12 =	rddreg [dreg:$0x6];
	[sflag:s28] =	ssyncadd.s32 $0xFFFFD800  }
0xc1: {  	[hbm4b:s12+s15] =	stream.linear.scatter [tilespmem:s26], [sflag:$0x5], $0x2800, $0x38;
	[tilespmem:$0x19100] =	vst v63  }
0xc2: {  	_ =	swait.ge [sflag:s28], $0x2800  }
0xc3: {  	[sflag:s28] =	ssyncset.done $0x0  }
0xc4: {  	[sflag:s28] =	ssyncadd.s32 $0xFFFFD800  }
0xc5: {  	[tilespmem:s26], [sflag:$0x5] =	stream.linear.gather [spmem:s20], $0x2800, $0x38;
	[tilespmem:$0x19100] =	vst v63  }
0xc6: {  	_ =	swait.ge [sflag:s28], $0x2800  }
0xc7: {  	[sflag:s28] =	ssyncset.done $0x0  }
0xc8: {  	s8 =	rddreg [dreg:$0x7];
	[sflag:s28] =	ssyncadd.s32 $0xFFFFD800  }
0xc9: {  	[hbm4b:s8+s15] =	stream.linear.scatter [tilespmem:s26], [sflag:$0x5], $0x2800, $0x38;
	[tilespmem:$0x19100] =	vst v63  }
0xca: {  	_ =	swait.ge [sflag:s28], $0x2800  }
0xcb: {  	[sflag:s28] =	ssyncset.done $0x0  }
0xcc: {  	[sflag:s28] =	ssyncadd.s32 $0xFFFFD800  }
0xcd: {  	[tilespmem:s26], [sflag:$0x5] =	stream.linear.gather [spmem:s21], $0x2800, $0x38;
	[tilespmem:$0x19100] =	vst v63  }
0xce: {  	_ =	swait.ge [sflag:s28], $0x2800  }
0xcf: {  	[sflag:s28] =	ssyncset.done $0x0  }
0xd0: {  	s9 =	rddreg [dreg:$0x8];
	[sflag:s28] =	ssyncadd.s32 $0xFFFFD800  }
0xd1: {  	[hbm4b:s9+s15] =	stream.linear.scatter [tilespmem:s26], [sflag:$0x5], $0x2800, $0x38;
	[tilespmem:$0x19100] =	vst v63  }
0xd2: {  	_ =	swait.ge [sflag:s28], $0x2800  }
0xd3: {  	[sflag:s28] =	ssyncset.done $0x0  }
0xd4: {  	[sflag:s28] =	ssyncadd.s32 $0xFFFFD800  }
0xd5: {  	[tilespmem:s26], [sflag:$0x5] =	stream.linear.gather [spmem:s22], $0x2800, $0x38;
	[tilespmem:$0x19100] =	vst v63  }
0xd6: {  	_ =	swait.ge [sflag:s28], $0x2800  }
0xd7: {  	[sflag:s28] =	ssyncset.done $0x0  }
0xd8: {  	s10 =	rddreg [dreg:$0x9];
	[sflag:s28] =	ssyncadd.s32 $0xFFFFD800  }
0xd9: {  	[hbm4b:s10+s15] =	stream.linear.scatter [tilespmem:s26], [sflag:$0x5], $0x2800, $0x38;
	[tilespmem:$0x19100] =	vst v63  }
0xda: {  	_ =	swait.ge [sflag:s28], $0x2800  }
0xdb: {  	[sflag:s28] =	ssyncset.done $0x0  }
0xdc: {  	[sflag:s28] =	ssyncadd.s32 $0xFFFFD800  }
0xdd: {  	[tilespmem:s26], [sflag:$0x5] =	stream.linear.gather [spmem:s23], $0x2800, $0x38;
	[tilespmem:$0x19100] =	vst v63  }
0xde: {  	_ =	swait.ge [sflag:s28], $0x2800  }
0xdf: {  	[sflag:s28] =	ssyncset.done $0x0  }
0xe0: {  	s11 =	rddreg [dreg:$0xa];
	[sflag:s28] =	ssyncadd.s32 $0xFFFFD800  }
0xe1: {  	[hbm4b:s11+s15] =	stream.linear.scatter [tilespmem:s26], [sflag:$0x5], $0x2800, $0x38;
	[tilespmem:$0x19100] =	vst v63  }
0xe2: {  	_ =	swait.ge [sflag:s28], $0x2800  }
0xe3: {  	[sflag:s28] =	ssyncset.done $0x0  }
0xe4: {  	[sflag:s28] =	ssyncadd.s32 $0xFFFFD800  }
0xe5: {  	[tilespmem:s26], [sflag:$0x5] =	stream.linear.gather [spmem:s24], $0x2800, $0x38;
	[tilespmem:$0x19100] =	vst v63  }
0xe6: {  	s6 =	sadd.s32 $0x1, s6;
	_ =	swait.ge [sflag:s28], $0x2800  }
0xe7: {  	p0 =	sne.s32 s6, s25;
	[sflag:s28] =	ssyncset.done $0x0  }
.Ltmp2:
0xe8: {  	s12 =	rddreg [dreg:$0xb];
	[sflag:s28] =	ssyncadd.s32 $0xFFFFD800;
	(pc) =	sbr.rel @p0 .LBB2_1-.Ltmp2, $4  }
0xe9: {  	[hbm4b:s12+s15] =	stream.linear.scatter [tilespmem:s26], [sflag:$0x5], $0x2800, $0x38;
	[tilespmem:$0x19100] =	vst v63  }
0xea: {  	_ =	swait.ge [sflag:s28], $0x2800  }
0xeb: {  	[sflag:s28] =	ssyncset.done $0x0  }
0xec: {  	[sflag:s28] =	ssyncadd.s32 $0xFFFFD800  }
0xed: {  	_ =	sfence.sel $0x180000  }
0xee: {  	[bflag:$0x0] =	sbarrier.arrive $0xFFFF  }
0xef: {  	_ =	strace $0x9000004A  }
0xf0: {  	s0 =	stileid.u32;
	[bflag:$0x2] =	sbarrier.arrive $0xFFFF  }
0xf1: {  	p0 =	sne.s32 s0, $0x0;
	s0 =	rddreg [dreg:$0x2]  }
0xf2: {  	s0 =	sadd.s32 @!p0 $0x100000, s0  }
0xf3: {  	[sflag:s0] =	ssyncadd.tile.s32 @!p0 $0x1;
	_ =	shalt  }
.Lfunc_end2:
_tile_overlayer_lowered:
.L_overlay_start_2:
0xf4: {  	(tag) =	ssettag $0x2  }
0xf5: {  	s0 =	rddreg [dreg:$0x0];
	s2 =	stileid.u32  }
0xf6: {  	s1 =	rddreg [dreg:$0x1];
	p0 =	sne.s32 s2, $0x0  }
0xf7: {  	s3 =	rddreg [dreg:$0x2];
	[bflag:$0x3] =	sbarrier.arrive $0xFFFF;
	s2 =	simm.s32 @!p0 $0x1C05  }
0xf8: {  	[timem:s3], [sflag:s2] =	dma.local @!p0 [hbm:s0], s1  }
0xf9: {  	s0 =	simm.s32 @!p0 $0x5  }
0xfa: {  	_ =	swait.ge @!p0 [sflag:s0], s1  }
0xfb: {  	s1 =	ssub.s32 @!p0 $0x0, s1;
	[sflag:s0] =	ssyncset.done @!p0 $0x0  }
0xfc: {  	[sflag:s0] =	ssyncadd.s32 @!p0 s1  }
0xfd: {  	[bflag:$0x3] =	sbarrier.arrive $0xFFFF  }
0xfe: {  	_ =	shalt  }

// kernel: kernel.8.cloned.1.call-start
scs
__scs_entry_jumppad:
0x0: {  	(pc) =	sbr.rel $0x88, $3  }
0x1: {  	(tag) =	ssettag $0x0;
	lr =	simm.s32 $0x1  }
0x2: {  	[smem:$0x3F96] =	sst lr;
	_ =	strace $0xD0000000  }
0x3: {  	_ = 	snop  }
0x4: {  	_ = 	snop  }
0x5: {  	_ = 	snop  }
0x6: {  	_ = 	snop  }
0x7: {  	_ = 	snop  }
__scs_overlays_trampoline_lowered:
0x8: {  	[smem:$0x3FA5] =	sst s0  }
0x9: {  	[smem:$0x3FA6] =	sst s1  }
0xa: {  	[smem:$0x3FA7] =	sst s2  }
0xb: {  	[smem:$0x3FA8] =	sst s3  }
0xc: {  	[smem:$0x3FA9] =	sst s4  }
0xd: {  	[smem:$0x3FAA] =	sst s5  }
0xe: {  	[smem:$0x3FAB] =	sst s6  }
0xf: {  	[smem:$0x3FAC] =	sst s7  }
0x10: {  	[smem:$0x3FAD] =	sst s8  }
0x11: {  	[smem:$0x3FAE] =	sst s9;
	s0 =	simm.s32 @!p0 $0x0  }
0x12: {  	s1 =	sld [smem:$0x3F94];
	s0 =	simm.s32 @p0 $0x1  }
0x13: {  	[smem:$0x3FAF] =	sst s0;
	s0 =	simm.s32 @!p1 $0x0  }
0x14: {  	s2 =	sld [smem:$0x3F93];
	s0 =	simm.s32 @p1 $0x1  }
0x15: {  	[smem:$0x3FB0] =	sst s0;
	s0 =	simm.s32 @!p2 $0x0  }
0x16: {  	s3 =	sld [smem:$0x3FDB];
	s0 =	simm.s32 @p2 $0x1  }
0x17: {  	s4 =	simm.s32 $0x1BF5;
	[smem:$0x3FB2] =	sst s0  }
0x18: {  	s0 =	sld [smem:$0x3F95];
	_ =	swait.ge [sflag:s4], $0x0  }
0x19: {  	s7 =	sld [smem:$0x3F96]  }
0x1a: {  	s8 =	sadd.s32 $0xFFFFE003, lr  }
0x1b: {  	s9 =	sadd.s32 $0xFFFFFEF7, lr;
	s5 =	simm.s32 $0xFFFFFFFF;
	p2 =	slt.u32 s8, $0xFFFFF086  }
0x1c: {  	p1 =	slt.u32 s9, $0xF7A;
	s5 =	simm.s32 @!p2 $0x0  }
0x1d: {  	s5 =	simm.s32 @p1 $0x1;
	p0 =	seq.s32 s7, s2  }
0x1e: {  	s7 =	smul.u32 @!p0 $0xF7A, s2;
	p2 =	seq.s32 @!p0 s5, $0x0  }
0x1f: {  	s9 =	smul.u32 $0xF7A, s1;
	s8 =	simm.s32 @!p0 $0x1BF5;
	p2 =	por !p2, p0  }
0x20: {  	[sflag:s8] =	ssyncset.s32 @!p0 $0xFFFFF086;
	s6 =	sadd.s32 @!p0 s3, s7;
	s7 =	simm.s32 @!p0 $0x108  }
0x21: {  	s3 =	sadd.s32 s3, s9;
	s6 =	sadd.s32 @!p0 $0x88, s6;
	s7 =	simm.s32 @p2 $0x1082  }
0x22: {  	[simem:s7], [sflag:s8] =	dma.local @!p0 [hbm:s6], $0xF7A  }
0x23: {  	s9 =	sor.u32 $0xD0000000, s2;
	s6 =	simm.s32 $0x108;
	_ =	swait.ge @!p0 [sflag:s8], $0x0  }
0x24: {  	s3 =	sadd.s32 $0x88, s3;
	s6 =	simm.s32 @!p1 $0x1082;
	[sflag:s4] =	ssyncset.s32 $0xFFFFF086  }
0x25: {  	[simem:s6], [sflag:s4] =	dma.local [hbm:s3], $0xF7A  }
0x26: {  	[smem:$0x3F96] =	sst s1;
	(tag) =	ssettag s2;
	_ =	strace s9  }
0x27: {  	s1 =	sld [smem:$0x3FA6]  }
0x28: {  	s2 =	sld [smem:$0x3FA7]  }
0x29: {  	s4 =	sld [smem:$0x3FA9]  }
0x2a: {  	p0 =	seq.s32 s5, $0x0;
	s5 =	sld [smem:$0x3FAA]  }
0x2b: {  	s6 =	sld [smem:$0x3FAB]  }
0x2c: {  	s7 =	sld [smem:$0x3FAC]  }
0x2d: {  	s3 =	simm.s32 $0x108;
	s8 =	sld [smem:$0x3FAD]  }
0x2e: {  	s3 =	simm.s32 @!p0 $0x1082;
	s9 =	sld [smem:$0x3FAE]  }
0x2f: {  	lr =	sadd.s32 s0, s3;
	s0 =	sld [smem:$0x3FA5]  }
0x30: {  	s3 =	sld [smem:$0x3FA8]  }
0x31: {  	[smem:$0x3FB1] =	sst s10  }
0x32: {  	s10 =	sld [smem:$0x3FAF];
	_ =	sdelay $0x3  }
0x33: {  	p0 =	seq.s32 s10, $0x1;
	s10 =	sld [smem:$0x3FB1];
	_ =	sdelay $0x3  }
0x34: {  	[smem:$0x3FB1] =	sst s10  }
0x35: {  	s10 =	sld [smem:$0x3FB0];
	_ =	sdelay $0x3  }
0x36: {  	p1 =	seq.s32 s10, $0x1;
	s10 =	sld [smem:$0x3FB1];
	_ =	sdelay $0x3  }
0x37: {  	[smem:$0x3FB1] =	sst s10  }
0x38: {  	s10 =	sld [smem:$0x3FB2]  }
0x39: {  	_ = 	snop;
	(pc) =	sbr.ind lr, $3  }
0x3a: {  	_ = 	snop  }
0x3b: {  	_ = 	snop  }
0x3c: {  	p2 =	seq.s32 s10, $0x1;
	s10 =	sld [smem:$0x3FB1]  }
0x3d: {  	_ =	shalt  }
0x3e: {  	_ =	shalt  }
0x3f: {  	_ =	shalt  }
0x40: {  	_ =	shalt  }
0x41: {  	_ =	shalt  }
0x42: {  	_ =	shalt  }
0x43: {  	_ =	shalt  }
0x44: {  	_ =	shalt  }
0x45: {  	_ =	shalt  }
0x46: {  	_ =	shalt  }
0x47: {  	_ =	shalt  }
0x48: {  	_ =	shalt  }
0x49: {  	_ =	shalt  }
0x4a: {  	_ =	shalt  }
0x4b: {  	_ =	shalt  }
0x4c: {  	_ =	shalt  }
0x4d: {  	_ =	shalt  }
0x4e: {  	_ =	shalt  }
0x4f: {  	_ =	shalt  }
0x50: {  	_ =	shalt  }
0x51: {  	_ =	shalt  }
0x52: {  	_ =	shalt  }
0x53: {  	_ =	shalt  }
0x54: {  	_ =	shalt  }
0x55: {  	_ =	shalt  }
0x56: {  	_ =	shalt  }
0x57: {  	_ =	shalt  }
0x58: {  	_ =	shalt  }
0x59: {  	_ =	shalt  }
0x5a: {  	_ =	shalt  }
0x5b: {  	_ =	shalt  }
0x5c: {  	_ =	shalt  }
0x5d: {  	_ =	shalt  }
0x5e: {  	_ =	shalt  }
0x5f: {  	_ =	shalt  }
0x60: {  	_ =	shalt  }
0x61: {  	_ =	shalt  }
0x62: {  	_ =	shalt  }
0x63: {  	_ =	shalt  }
0x64: {  	_ =	shalt  }
0x65: {  	_ =	shalt  }
0x66: {  	_ =	shalt  }
0x67: {  	_ =	shalt  }
0x68: {  	_ =	shalt  }
0x69: {  	_ =	shalt  }
0x6a: {  	_ =	shalt  }
0x6b: {  	_ =	shalt  }
0x6c: {  	_ =	shalt  }
0x6d: {  	_ =	shalt  }
0x6e: {  	_ =	shalt  }
0x6f: {  	_ =	shalt  }
0x70: {  	_ =	shalt  }
0x71: {  	_ =	shalt  }
0x72: {  	_ =	shalt  }
0x73: {  	_ =	shalt  }
0x74: {  	_ =	shalt  }
0x75: {  	_ =	shalt  }
0x76: {  	_ =	shalt  }
0x77: {  	_ =	shalt  }
0x78: {  	_ =	shalt  }
0x79: {  	_ =	shalt  }
0x7a: {  	_ =	shalt  }
0x7b: {  	_ =	shalt  }
0x7c: {  	_ =	shalt  }
0x7d: {  	_ =	shalt  }
0x7e: {  	_ =	shalt  }
0x7f: {  	_ =	shalt  }
0x80: {  	_ =	shalt  }
0x81: {  	_ =	shalt  }
0x82: {  	_ =	shalt  }
0x83: {  	_ =	shalt  }
0x84: {  	_ =	shalt  }
0x85: {  	_ =	shalt  }
0x86: {  	_ =	shalt  }
0x87: {  	_ =	shalt  }
.Lfunc_end0:
.L_simem_size_0:
called_computation_lowered:
.L_overlay_start_0:
0x88: {  	s2 =	sld [smem:$0x3FD9]  }
0x89: {  	s3 =	sld [smem:$0x3FFE];
	_ =	sdelay $0x1  }
0x8a: {  	s1 =	srdreg.scid  }
0x8b: {  	s0 =	sand.u32 $0x1, s1  }
0x8c: {  	s14 =	sshll.u32 s0, $0xA;
	s2 =	sadd.s32 s3, s2  }
0x8d: {  	s2 =	sadd.s32 s2, s14  }
0x8e: {  	[smem:$0x3FBD] =	sst s2  }
0x8f: {  	_ = 	snop  }
0x90: {  	s2 =	sld [smem:$0x3FD0];
	_ =	sdelay $0x2  }
0x91: {  	s15 =	simm.s32 $0xB;
	s4 =	simm.s32 $0x10  }
0x92: {  	[smem:s4], [sflag:s15] =	dma.local [hbm:s2], $0x1  }
0x93: {  	_ =	swait.eq [sflag:s15], $0x1  }
0x94: {  	[sflag:s15] =	ssyncset.done $0x0  }
0x95: {  	s16 =	sld [smem:$0x10];
	[sflag:s15] =	ssyncadd.s32 $0xFFFFFFFF  }
0x96: {  	s17 =	sld [smem:$0x11];
	(tm) =	ssettm $0x1  }
0x97: {  	s18 =	sld [smem:$0x3FFB];
	_ =	sdelay $0x3  }
0x98: {  	_ =	strace s18  }
0x99: {  	s4 =	sld [smem:$0x3FFC];
	_ =	sdelay $0x3  }
0x9a: {  	_ =	strace s4  }
0x9b: {  	s4 =	sld [smem:$0x3FFD];
	_ =	sdelay $0x3  }
0x9c: {  	_ =	strace s4  }
0x9d: {  	_ =	strace $0x8FFFFFFF  }
0x9e: {  	s19 =	sld [smem:$0x3FDB];
	_ =	sdelay $0x1  }
0x9f: {  	s5 =	simm.s32 $_scs_section_size  }
0xa0: {  	s6 =	simm.s32 $_size__tile_overlayer_lowered;
	s7 =	simm.s32 $_tile_overlayer_lowered  }
0xa1: {  	s22 =	simm.s32 $0x1BFF;
	s21 =	sshll.u32 s7, $0x1;
	s4 =	sadd.s32 s5, s19  }
0xa2: {  	s8 =	simm.s32 $0x0;
	s20 =	sshll.u32 s6, $0x1;
	s6 =	sadd.s32 s21, s4  }
0xa3: {  	[timem:s8], [sflag:s22] =	dma.local [hbm:s6], s20  }
0xa4: {  	_ =	swait.ge [sflag:s22], s20  }
0xa5: {  	s5 =	ssub.s32 $0x0, s20;
	[sflag:s22] =	ssyncset.done $0x0  }
0xa6: {  	[sflag:s22] =	ssyncadd.s32 s5;
	_ =	sdelay $0x1  }
0xa7: {  	s23 =	simm.s32 $0x1B8B  }
0xa8: {  	_ =	swait.ge [sflag:s23], $0x1  }
0xa9: {  	[sflag:s23] =	ssyncset.done $0x0  }
0xaa: {  	s25 =	simm.s32 $0x1B8E;
	s24 =	sld [smem:$0x3FFE];
	[sflag:s23] =	ssyncadd.s32 $0xFFFFFFFF  }
0xab: {  	s26 =	simm.s32 $execute0_lowered;
	[smem:$0x3FD2] =	sst s25  }
0xac: {  	s6 =	sshll.u32 s26, $0x1;
	_ =	strace $0x80000046;
	[dreg:$0x1] =	wrdreg $0xFFFFFFFF  }
0xad: {  	s28 =	simm.s32 $_size_execute0_lowered;
	s4 =	sadd.s32 s4, s6;
	[dreg:$0x0] =	wrdreg $0x0  }
0xae: {  	s6 =	sshll.u32 s28, $0x1;
	[dreg:$0x2] =	wrdreg s4  }
0xaf: {  	[dreg:$0x3] =	wrdreg s6  }
0xb0: {  	[dreg:$0x4] =	wrdreg $0xC0  }
0xb1: {  	_ =	task [dreg:s8], $0x5FFFF  }
0xb2: {  	[dreg:$0x1] =	wrdreg $0xFFFFFFFF  }
0xb3: {  	[dreg:$0x0] =	wrdreg $0x60  }
0xb4: {  	[dreg:$0x2] =	wrdreg s24  }
0xb5: {  	[dreg:$0x3] =	wrdreg s16  }
0xb6: {  	[dreg:$0x4] =	wrdreg s17  }
0xb7: {  	[dreg:$0x5] =	wrdreg $0x9  }
0xb8: {  	_ =	task.clear_ibuf [dreg:s8], $0x6FFFF;
	_ =	strace $0x90000046  }
0xb9: {  	s29 =	simm.s32 $0x9;
	_ =	strace $0x80000048  }
0xba: {  	_ =	swait.ge [sflag:s29], $0x1  }
0xbb: {  	[sflag:s29] =	ssyncadd.s32 $0xFFFFFFFF  }
0xbc: {  	_ =	strace $0x90000048  }
0xbd: {  	_ =	sfence  }
0xbe: {  	s30 =	sld [smem:$0x0];
	_ =	sdelay $0x2  }
0xbf: {  	s31 =	sshll.u32 s1, $0xD;
	s1 =	sshrl.u32 s1, $0x2  }
0xc0: {  	s3 =	sand.u32 $0x4000, s31;
	s1 =	sadd.s32 s1, s30  }
0xc1: {  	s0 =	sor.u32 s3, s0;
	s1 =	sshll.u32 s1, $0x11  }
0xc2: {  	s0 =	sor.u32 s1, s0  }
0xc3: {  	s0 =	sadd.s32 $0x8F2B, s0  }
0xc4: {  	[sflag:s0] =	ssyncadd.remote.s32 $0x1  }
0xc5: {  	_ =	sfence.sel $0xFFFF  }
0xc6: {  	[dreg:$0x0] =	wrdreg $0xFFFFFFFF;
	(pc) =	sbr.abs _section_cstart, $3  }
0xc7: {  	[dreg:$0x1] =	wrdreg $0xFFFFFFFF  }
0xc8: {  	_ =	task.clear_ibuf [dreg:s8], $0x2FFFF;
	_ =	strace $0x9FFFFFFF  }
0xc9: {  	(tm) =	ssettm $0x7FFFFFFF  }
tec
execute0_lowered:
.L_overlay_start_1:
0x0: {  	(tag) =	ssettag $0x1  }
0x1: {  	s1 =	rddreg [dreg:$0x0]  }
0x2: {  	s2 =	rddreg [dreg:$0x1]  }
0x3: {  	s3 =	rddreg [dreg:$0x2]  }
0x4: {  	s0 =	srdreg.scid;
	s15 =	stileid.u32;
	s4 =	simm.s32 $0x0  }
0x5: {  	s16 =	simm.s32 $0x80;
	s17 =	simm.s32 $0x50;
	s18 =	simm.s32 $0x2A00  }
0x6: {  	s19 =	simm.s32 $0x200;
	s20 =	simm.s32 $0x100;
	s21 =	simm.s32 $0x180  }
0x7: {  	s22 =	simm.s32 $0x7A00;
	s28 =	simm.s32 $0x4;
	s29 =	simm.s32 $0x0  }
0x8: {  	s6 =	sand.u32 $0x1, s0;
	s23 =	sshll.u32 s15, $0x1;
	s13 =	smul.u32 $0x4E200, s15  }
0x9: {  	[smem:$0x7FF] =	sst s4;
	s5 =	sadd.s32 $0x1600, s1;
	s15 =	smul.u32 $0x4E20, s15  }
0xa: {  	s12 =	sadd.s32 $0x15200, s1;
	s0 =	sor.u32 s6, s23;
	s14 =	smul.u32 $0x27100, s6  }
0xb: {  	_ =	strace $0x80000047;
	s8 =	ssub.s32 $0x2, s6;
	s6 =	smul.u32 $0x2710, s6  }
0xc: {  	s23 =	simm.s32 $0x5200;
	s7 =	smul.u32 $0x2710, s0;
	s0 =	sadd.s32 $0xB400, s1  }
0xd: {  	s1 =	sadd.s32 $0x4F7200, s1;
	s9 =	sshrl.u32 s8, $0x1;
	s30 =	sadd.s32 s13, s12  }
0xe: {  	s11 =	ssub.s32 s8, s9;
	s6 =	sadd.s32 s6, s15;
	s7 =	sadd.s32 $0x26C0, s7  }
0xf: {  	s15 =	simm.s32 $0x5;
	s11 =	smax.u32 s11, $0x1;
	s10 =	sshrl.u32 s7, $0x3  }
0x10: {  	s31 =	sadd.s32 $0x50, s6;
	s7 =	sshll.u32 s7, $0x4;
	s24 =	sadd.s32 s5, s10  }
0x11: {  	s25 =	sadd.s32 s0, s10;
	s26 =	sadd.s32 s1, s7;
	[dreg:$0x5] =	wrdreg s24  }
0x12: {  	s1 =	sadd.s32 s13, s1;
	s10 =	sadd.s32 s12, s7;
	[dreg:$0x6] =	wrdreg s25  }
0x13: {  	s12 =	sadd.s32 s14, s30;
	s13 =	sshrl.u32 s6, $0x3;
	[dreg:$0x7] =	wrdreg s26  }
0x14: {  	s1 =	sadd.s32 s14, s1;
	s14 =	sshrl.u32 s31, $0x3;
	s24 =	simm.s32 $0x1  }
0x15: {  	s25 =	simm.s32 $0x2;
	s26 =	simm.s32 $0x3;
	[dreg:$0x4] =	wrdreg s1  }
.LBB2_1:
0x16: {  	s1 =	sadd.s32 s5, s13  }
0x17: {  	[tilespmem:s4], [sflag:$0x5] =	stream.linear.gather [hbm4b:s1+s4], $0x50, $0x38;
	[tilespmem:$0xA200] =	vst v63  }
0x18: {  	_ =	swait.ge [sflag:s15], $0x50  }
0x19: {  	[sflag:s15] =	ssyncset.done $0x0  }
0x1a: {  	s9 =	sadd.s32 s0, s13;
	[sflag:s15] =	ssyncadd.s32 $0xFFFFFFB0  }
0x1b: {  	[tilespmem:s16], [sflag:$0x5] =	stream.linear.gather [hbm4b:s9+s4], $0x50, $0x38;
	[tilespmem:$0xA200] =	vst v63  }
0x1c: {  	_ =	swait.ge [sflag:s15], $0x50  }
0x1d: {  	[sflag:s15] =	ssyncset.done $0x0  }
0x1e: {  	[sflag:s15] =	ssyncadd.s32 $0xFFFFFFB0  }
0x1f: {  	[tilespmem:s18], [sflag:$0x1] =	stream.indirect.gather [hbm4b:s3+s17], $0x80, s4, s17, $0xb8;
	[tilespmem:$0xA200] =	vst v63  }
0x20: {  	_ = 	snop  }
0x21: {  	[tilespmem:s19], [sflag:$0x1] =	stream.indirect.gather [hbm4b:s2+s17], $0x80, s16, s17, $0xb8;
	[tilespmem:$0xA200] =	vst v63  }
0x22: {  	s6 =	sadd.s32 s5, s14  }
0x23: {  	[tilespmem:s20], [sflag:$0x5] =	stream.linear.gather [hbm4b:s6+s4], $0x50, $0x38;
	[tilespmem:$0xA200] =	vst v63  }
0x24: {  	_ =	swait.ge [sflag:s15], $0x50  }
0x25: {  	[sflag:s15] =	ssyncset.done $0x0  }
0x26: {  	s7 =	sadd.s32 s0, s14;
	[sflag:s15] =	ssyncadd.s32 $0xFFFFFFB0  }
0x27: {  	[tilespmem:s21], [sflag:$0x5] =	stream.linear.gather [hbm4b:s7+s4], $0x50, $0x38;
	[tilespmem:$0xA200] =	vst v63  }
0x28: {  	_ =	swait.ge [sflag:s15], $0x50  }
0x29: {  	[sflag:s15] =	ssyncset.done $0x0  }
0x2a: {  	[sflag:s15] =	ssyncadd.s32 $0xFFFFFFB0  }
0x2b: {  	[tilespmem:s22], [sflag:$0x2] =	stream.indirect.gather [hbm4b:s3+s17], $0x80, s20, s17, $0xb8;
	[tilespmem:$0xA200] =	vst v63  }
0x2c: {  	_ = 	snop  }
0x2d: {  	[tilespmem:s23], [sflag:$0x2] =	stream.indirect.gather [hbm4b:s2+s17], $0x80, s21, s17, $0xb8;
	[tilespmem:$0xA200] =	vst v63  }
0x2e: {  	_ =	swait.ge [sflag:s24], $0x2800  }
0x2f: {  	[sflag:s24] =	ssyncset.done $0x0  }
0x30: {  	[sflag:s24] =	ssyncadd.s32 $0xFFFFD800  }
0x31: {  	_ =	swait.ge [sflag:s24], $0x2800  }
0x32: {  	s8 =	rddreg [dreg:$0x4];
	[sflag:s24] =	ssyncset.done $0x0  }
0x33: {  	[sflag:s24] =	ssyncadd.s32 $0xFFFFD800;
	s1 =	sadd.s32 $0x0, s8  }
0x34: {  	[hbm4b:s1+s4] =	stream.linear.scatter [tilespmem:s18], [sflag:$0x3], $0x2800, $0x38;
	[tilespmem:$0xA200] =	vst v63  }
0x35: {  	s6 =	sadd.s32 $0x0, s12  }
0x36: {  	[hbm4b:s6+s4] =	stream.linear.scatter [tilespmem:s19], [sflag:$0x3], $0x2800, $0x38;
	[tilespmem:$0xA200] =	vst v63  }
0x37: {  	_ =	swait.ge [sflag:s25], $0x2800  }
0x38: {  	[sflag:s25] =	ssyncset.done $0x0  }
0x39: {  	[sflag:s25] =	ssyncadd.s32 $0xFFFFD800  }
0x3a: {  	_ =	swait.ge [sflag:s25], $0x2800  }
0x3b: {  	[sflag:s25] =	ssyncset.done $0x0  }
0x3c: {  	s1 =	sadd.s32 $0x500, s1;
	[sflag:s25] =	ssyncadd.s32 $0xFFFFD800  }
0x3d: {  	[hbm4b:s1+s4] =	stream.linear.scatter [tilespmem:s22], [sflag:$0x4], $0x2800, $0x38;
	[tilespmem:$0xA200] =	vst v63  }
0x3e: {  	s9 =	sadd.s32 $0x500, s6  }
0x3f: {  	[hbm4b:s9+s4] =	stream.linear.scatter [tilespmem:s23], [sflag:$0x4], $0x2800, $0x38;
	[tilespmem:$0xA200] =	vst v63  }
0x40: {  	_ =	swait.ge [sflag:s26], $0x2800  }
0x41: {  	[sflag:s26] =	ssyncset.done $0x0  }
0x42: {  	[sflag:s26] =	ssyncadd.s32 $0xFFFFD800  }
0x43: {  	_ =	swait.ge [sflag:s26], $0x2800  }
0x44: {  	[sflag:s26] =	ssyncset.done $0x0  }
0x45: {  	[sflag:s26] =	ssyncadd.s32 $0xFFFFD800  }
0x46: {  	_ =	swait.ge [sflag:s28], $0x2800  }
0x47: {  	[sflag:s28] =	ssyncset.done $0x0  }
0x48: {  	[sflag:s28] =	ssyncadd.s32 $0xFFFFD800  }
0x49: {  	s30 =	simm.s32 $0xA00;
	s31 =	sadd.s32 $0x14, s5;
	_ =	swait.ge [sflag:s28], $0x2800  }
0x4a: {  	s6 =	smov.u32 s0;
	s1 =	simm.s32 $0x1400;
	[sflag:s28] =	ssyncset.done $0x0  }
.LBB2_2:
0x4b: {  	s8 =	sadd.s32 s31, s13;
	[sflag:s28] =	ssyncadd.s32 $0xFFFFD800  }
0x4c: {  	[tilespmem:s4], [sflag:$0x5] =	stream.linear.gather [hbm4b:s8+s4], $0x50, $0x38;
	[tilespmem:$0xA200] =	vst v63  }
0x4d: {  	_ =	swait.ge [sflag:s15], $0x50  }
0x4e: {  	s6 =	sadd.s32 $0x14, s6;
	[sflag:s15] =	ssyncset.done $0x0  }
0x4f: {  	s9 =	sadd.s32 s6, s13;
	[sflag:s15] =	ssyncadd.s32 $0xFFFFFFB0  }
0x50: {  	[tilespmem:s16], [sflag:$0x5] =	stream.linear.gather [hbm4b:s9+s4], $0x50, $0x38;
	[tilespmem:$0xA200] =	vst v63  }
0x51: {  	_ =	swait.ge [sflag:s15], $0x50  }
0x52: {  	[sflag:s15] =	ssyncset.done $0x0  }
0x53: {  	[sflag:s15] =	ssyncadd.s32 $0xFFFFFFB0  }
0x54: {  	[tilespmem:s18], [sflag:$0x1] =	stream.indirect.gather [hbm4b:s3+s17], $0x80, s4, s17, $0xb8;
	[tilespmem:$0xA200] =	vst v63  }
0x55: {  	_ = 	snop  }
0x56: {  	[tilespmem:s19], [sflag:$0x1] =	stream.indirect.gather [hbm4b:s2+s17], $0x80, s16, s17, $0xb8;
	[tilespmem:$0xA200] =	vst v63  }
0x57: {  	s9 =	sadd.s32 s31, s14  }
0x58: {  	[tilespmem:s20], [sflag:$0x5] =	stream.linear.gather [hbm4b:s9+s4], $0x50, $0x38;
	[tilespmem:$0xA200] =	vst v63  }
0x59: {  	_ =	swait.ge [sflag:s15], $0x50  }
0x5a: {  	[sflag:s15] =	ssyncset.done $0x0  }
0x5b: {  	s9 =	sadd.s32 s6, s14;
	[sflag:s15] =	ssyncadd.s32 $0xFFFFFFB0  }
0x5c: {  	[tilespmem:s21], [sflag:$0x5] =	stream.linear.gather [hbm4b:s9+s4], $0x50, $0x38;
	[tilespmem:$0xA200] =	vst v63  }
0x5d: {  	_ =	swait.ge [sflag:s15], $0x50  }
0x5e: {  	[sflag:s15] =	ssyncset.done $0x0  }
0x5f: {  	[sflag:s15] =	ssyncadd.s32 $0xFFFFFFB0  }
0x60: {  	[tilespmem:s22], [sflag:$0x2] =	stream.indirect.gather [hbm4b:s3+s17], $0x80, s20, s17, $0xb8;
	[tilespmem:$0xA200] =	vst v63  }
0x61: {  	_ = 	snop  }
0x62: {  	[tilespmem:s23], [sflag:$0x2] =	stream.indirect.gather [hbm4b:s2+s17], $0x80, s21, s17, $0xb8;
	[tilespmem:$0xA200] =	vst v63  }
0x63: {  	_ =	swait.ge [sflag:s24], $0x2800  }
0x64: {  	[sflag:s24] =	ssyncset.done $0x0  }
0x65: {  	[sflag:s24] =	ssyncadd.s32 $0xFFFFD800  }
0x66: {  	_ =	swait.ge [sflag:s24], $0x2800  }
0x67: {  	s9 =	rddreg [dreg:$0x4];
	[sflag:s24] =	ssyncset.done $0x0  }
0x68: {  	[sflag:s24] =	ssyncadd.s32 $0xFFFFD800;
	s8 =	sadd.s32 s30, s9  }
0x69: {  	[hbm4b:s8+s4] =	stream.linear.scatter [tilespmem:s18], [sflag:$0x3], $0x2800, $0x38;
	[tilespmem:$0xA200] =	vst v63  }
0x6a: {  	s9 =	sadd.s32 s30, s12  }
0x6b: {  	[hbm4b:s9+s4] =	stream.linear.scatter [tilespmem:s19], [sflag:$0x3], $0x2800, $0x38;
	[tilespmem:$0xA200] =	vst v63  }
0x6c: {  	_ =	swait.ge [sflag:s25], $0x2800  }
0x6d: {  	[sflag:s25] =	ssyncset.done $0x0  }
0x6e: {  	[sflag:s25] =	ssyncadd.s32 $0xFFFFD800  }
0x6f: {  	_ =	swait.ge [sflag:s25], $0x2800  }
0x70: {  	[sflag:s25] =	ssyncset.done $0x0  }
0x71: {  	s8 =	sadd.s32 $0x500, s8;
	[sflag:s25] =	ssyncadd.s32 $0xFFFFD800  }
0x72: {  	[hbm4b:s8+s4] =	stream.linear.scatter [tilespmem:s22], [sflag:$0x4], $0x2800, $0x38;
	[tilespmem:$0xA200] =	vst v63  }
0x73: {  	s9 =	sadd.s32 $0x500, s9  }
0x74: {  	[hbm4b:s9+s4] =	stream.linear.scatter [tilespmem:s23], [sflag:$0x4], $0x2800, $0x38;
	[tilespmem:$0xA200] =	vst v63  }
0x75: {  	_ =	swait.ge [sflag:s26], $0x2800  }
0x76: {  	[sflag:s26] =	ssyncset.done $0x0  }
0x77: {  	[sflag:s26] =	ssyncadd.s32 $0xFFFFD800  }
0x78: {  	_ =	swait.ge [sflag:s26], $0x2800  }
0x79: {  	[sflag:s26] =	ssyncset.done $0x0  }
0x7a: {  	p0 =	sne.s32 s1, $0x26200;
	[sflag:s26] =	ssyncadd.s32 $0xFFFFD800  }
.Ltmp0:
0x7b: {  	_ =	swait.ge [sflag:s28], $0x2800;
	(pc) =	sbr.rel @p0 .LBB2_2-.Ltmp0, $4  }
0x7c: {  	[sflag:s28] =	ssyncset.done $0x0  }
0x7d: {  	[sflag:s28] =	ssyncadd.s32 $0xFFFFD800  }
0x7e: {  	s7 =	smov.u32 s1;
	s1 =	sadd.s32 $0xA00, s1;
	_ =	swait.ge [sflag:s28], $0x2800  }
0x7f: {  	s31 =	sadd.s32 $0x14, s31;
	s30 =	smov.u32 s7;
	[sflag:s28] =	ssyncset.done $0x0  }
0x80: {  	s1 =	sadd.s32 s31, s13;
	[sflag:s28] =	ssyncadd.s32 $0xFFFFD800  }
0x81: {  	[tilespmem:s4], [sflag:$0x5] =	stream.linear.gather [hbm4b:s1+s4], $0x50, $0x38;
	[tilespmem:$0xA200] =	vst v63  }
0x82: {  	_ =	swait.ge [sflag:s15], $0x50  }
0x83: {  	s9 =	sadd.s32 $0x14, s6;
	[sflag:s15] =	ssyncset.done $0x0  }
0x84: {  	s6 =	sadd.s32 s9, s13;
	[sflag:s15] =	ssyncadd.s32 $0xFFFFFFB0  }
0x85: {  	[tilespmem:s16], [sflag:$0x5] =	stream.linear.gather [hbm4b:s6+s4], $0x50, $0x38;
	[tilespmem:$0xA200] =	vst v63  }
0x86: {  	_ =	swait.ge [sflag:s15], $0x50  }
0x87: {  	[sflag:s15] =	ssyncset.done $0x0  }
0x88: {  	[sflag:s15] =	ssyncadd.s32 $0xFFFFFFB0  }
0x89: {  	[tilespmem:s18], [sflag:$0x1] =	stream.indirect.gather [hbm4b:s3+s17], $0x80, s4, s17, $0xb8;
	[tilespmem:$0xA200] =	vst v63  }
0x8a: {  	_ = 	snop  }
0x8b: {  	[tilespmem:s19], [sflag:$0x1] =	stream.indirect.gather [hbm4b:s2+s17], $0x80, s16, s17, $0xb8;
	[tilespmem:$0xA200] =	vst v63  }
0x8c: {  	s31 =	sadd.s32 s31, s14  }
0x8d: {  	[tilespmem:s20], [sflag:$0x5] =	stream.linear.gather [hbm4b:s31+s4], $0x50, $0x38;
	[tilespmem:$0xA200] =	vst v63  }
0x8e: {  	_ =	swait.ge [sflag:s15], $0x50  }
0x8f: {  	[sflag:s15] =	ssyncset.done $0x0  }
0x90: {  	s1 =	sadd.s32 s9, s14;
	[sflag:s15] =	ssyncadd.s32 $0xFFFFFFB0  }
0x91: {  	[tilespmem:s21], [sflag:$0x5] =	stream.linear.gather [hbm4b:s1+s4], $0x50, $0x38;
	[tilespmem:$0xA200] =	vst v63  }
0x92: {  	_ =	swait.ge [sflag:s15], $0x50  }
0x93: {  	[sflag:s15] =	ssyncset.done $0x0  }
0x94: {  	[sflag:s15] =	ssyncadd.s32 $0xFFFFFFB0  }
0x95: {  	[tilespmem:s22], [sflag:$0x2] =	stream.indirect.gather [hbm4b:s3+s17], $0x80, s20, s17, $0xb8;
	[tilespmem:$0xA200] =	vst v63  }
0x96: {  	_ = 	snop  }
0x97: {  	[tilespmem:s23], [sflag:$0x2] =	stream.indirect.gather [hbm4b:s2+s17], $0x80, s21, s17, $0xb8;
	[tilespmem:$0xA200] =	vst v63  }
0x98: {  	_ =	swait.ge [sflag:s24], $0x2800  }
0x99: {  	[sflag:s24] =	ssyncset.done $0x0  }
0x9a: {  	[sflag:s24] =	ssyncadd.s32 $0xFFFFD800  }
0x9b: {  	_ =	swait.ge [sflag:s24], $0x2800  }
0x9c: {  	s6 =	rddreg [dreg:$0x4];
	[sflag:s24] =	ssyncset.done $0x0  }
0x9d: {  	[sflag:s24] =	ssyncadd.s32 $0xFFFFD800;
	s1 =	sadd.s32 s30, s6  }
0x9e: {  	[hbm4b:s1+s4] =	stream.linear.scatter [tilespmem:s18], [sflag:$0x3], $0x2800, $0x38;
	[tilespmem:$0xA200] =	vst v63  }
0x9f: {  	s7 =	sadd.s32 s30, s12  }
0xa0: {  	[hbm4b:s7+s4] =	stream.linear.scatter [tilespmem:s19], [sflag:$0x3], $0x2800, $0x38;
	[tilespmem:$0xA200] =	vst v63  }
0xa1: {  	_ =	swait.ge [sflag:s25], $0x2800  }
0xa2: {  	[sflag:s25] =	ssyncset.done $0x0  }
0xa3: {  	[sflag:s25] =	ssyncadd.s32 $0xFFFFD800  }
0xa4: {  	_ =	swait.ge [sflag:s25], $0x2800  }
0xa5: {  	[sflag:s25] =	ssyncset.done $0x0  }
0xa6: {  	s1 =	sadd.s32 $0x500, s1;
	[sflag:s25] =	ssyncadd.s32 $0xFFFFD800  }
0xa7: {  	[hbm4b:s1+s4] =	stream.linear.scatter [tilespmem:s22], [sflag:$0x4], $0x2800, $0x38;
	[tilespmem:$0xA200] =	vst v63  }
0xa8: {  	s8 =	sadd.s32 $0x500, s7  }
0xa9: {  	[hbm4b:s8+s4] =	stream.linear.scatter [tilespmem:s23], [sflag:$0x4], $0x2800, $0x38;
	[tilespmem:$0xA200] =	vst v63  }
0xaa: {  	_ =	swait.ge [sflag:s26], $0x2800  }
0xab: {  	[sflag:s26] =	ssyncset.done $0x0  }
0xac: {  	[sflag:s26] =	ssyncadd.s32 $0xFFFFD800  }
0xad: {  	_ =	swait.ge [sflag:s26], $0x2800  }
0xae: {  	[sflag:s26] =	ssyncset.done $0x0  }
0xaf: {  	[sflag:s26] =	ssyncadd.s32 $0xFFFFD800  }
0xb0: {  	_ =	swait.ge [sflag:s28], $0x2800  }
0xb1: {  	[sflag:s28] =	ssyncset.done $0x0  }
0xb2: {  	[sflag:s28] =	ssyncadd.s32 $0xFFFFD800  }
0xb3: {  	_ =	swait.ge [sflag:s28], $0x2800  }
0xb4: {  	[sflag:s28] =	ssyncset.done $0x0  }
0xb5: {  	s9 =	rddreg [dreg:$0x5];
	[sflag:s28] =	ssyncadd.s32 $0xFFFFD800  }
0xb6: {  	[tilespmem:s4], [sflag:$0x5] =	stream.linear.gather [hbm4b:s9+s4], $0x50, $0x38;
	[tilespmem:$0xA200] =	vst v63  }
0xb7: {  	_ =	swait.ge [sflag:s15], $0x50  }
0xb8: {  	[sflag:s15] =	ssyncset.done $0x0  }
0xb9: {  	s30 =	rddreg [dreg:$0x6];
	[sflag:s15] =	ssyncadd.s32 $0xFFFFFFB0  }
0xba: {  	[tilespmem:s16], [sflag:$0x5] =	stream.linear.gather [hbm4b:s30+s4], $0x50, $0x38;
	[tilespmem:$0xA200] =	vst v63  }
0xbb: {  	_ =	swait.ge [sflag:s15], $0x50  }
0xbc: {  	[sflag:s15] =	ssyncset.done $0x0  }
0xbd: {  	[sflag:s15] =	ssyncadd.s32 $0xFFFFFFB0  }
0xbe: {  	[tilespmem:s18], [sflag:$0x1] =	stream.indirect.gather [hbm4b:s3+s17], $0x80, s4, s17, $0xb8;
	[tilespmem:$0xA200] =	vst v63  }
0xbf: {  	_ = 	snop  }
0xc0: {  	[tilespmem:s19], [sflag:$0x1] =	stream.indirect.gather [hbm4b:s2+s17], $0x80, s16, s17, $0xb8;
	[tilespmem:$0xA200] =	vst v63  }
0xc1: {  	_ =	swait.ge [sflag:s24], $0x2800  }
0xc2: {  	[sflag:s24] =	ssyncset.done $0x0  }
0xc3: {  	[sflag:s24] =	ssyncadd.s32 $0xFFFFD800  }
0xc4: {  	_ =	swait.ge [sflag:s24], $0x2800  }
0xc5: {  	[sflag:s24] =	ssyncset.done $0x0  }
0xc6: {  	s31 =	rddreg [dreg:$0x7];
	[sflag:s24] =	ssyncadd.s32 $0xFFFFD800  }
0xc7: {  	[hbm4b:s31+s4] =	stream.linear.scatter [tilespmem:s18], [sflag:$0x5], $0x2800, $0x38;
	[tilespmem:$0xA200] =	vst v63  }
0xc8: {  	s29 =	sadd.s32 $0x1, s29;
	_ =	swait.ge [sflag:s15], $0x2800  }
0xc9: {  	p0 =	sne.s32 s29, s11;
	[sflag:s15] =	ssyncset.done $0x0  }
.Ltmp1:
0xca: {  	[sflag:s15] =	ssyncadd.s32 $0xFFFFD800;
	(pc) =	sbr.rel @p0 .LBB2_1-.Ltmp1, $4  }
0xcb: {  	[hbm4b:s10+s4] =	stream.linear.scatter [tilespmem:s19], [sflag:$0x5], $0x2800, $0x38;
	[tilespmem:$0xA200] =	vst v63  }
0xcc: {  	_ =	swait.ge [sflag:s15], $0x2800  }
0xcd: {  	[sflag:s15] =	ssyncset.done $0x0  }
0xce: {  	[sflag:s15] =	ssyncadd.s32 $0xFFFFD800  }
0xcf: {  	_ =	sfence.sel $0x180000  }
0xd0: {  	[bflag:$0x0] =	sbarrier.arrive $0xFFFF  }
0xd1: {  	_ =	strace $0x90000047  }
0xd2: {  	s0 =	stileid.u32;
	[bflag:$0x2] =	sbarrier.arrive $0xFFFF  }
0xd3: {  	p0 =	sne.s32 s0, $0x0;
	s0 =	rddreg [dreg:$0x3]  }
0xd4: {  	s0 =	sadd.s32 @!p0 $0x100000, s0  }
0xd5: {  	[sflag:s0] =	ssyncadd.tile.s32 @!p0 $0x1;
	_ =	shalt  }
.Lfunc_end2:
_tile_overlayer_lowered:
.L_overlay_start_2:
0xd6: {  	(tag) =	ssettag $0x2  }
0xd7: {  	s0 =	rddreg [dreg:$0x0];
	s2 =	stileid.u32  }
0xd8: {  	s1 =	rddreg [dreg:$0x1];
	p0 =	sne.s32 s2, $0x0  }
0xd9: {  	s3 =	rddreg [dreg:$0x2];
	[bflag:$0x3] =	sbarrier.arrive $0xFFFF;
	s2 =	simm.s32 @!p0 $0x1C05  }
0xda: {  	[timem:s3], [sflag:s2] =	dma.local @!p0 [hbm:s0], s1  }
0xdb: {  	s0 =	simm.s32 @!p0 $0x5  }
0xdc: {  	_ =	swait.ge @!p0 [sflag:s0], s1  }
0xdd: {  	s1 =	ssub.s32 @!p0 $0x0, s1;
	[sflag:s0] =	ssyncset.done @!p0 $0x0  }
0xde: {  	[sflag:s0] =	ssyncadd.s32 @!p0 s1  }
0xdf: {  	[bflag:$0x3] =	sbarrier.arrive $0xFFFF  }
0xe0: {  	_ =	shalt  }

</sc_bundles>
